<compile_context>
chip_gen: v7x
topology: tpu7x:2x2x1
jax: 0.10.2.dev20260603
libtpu: 0.0.44.dev20260713+nightly
codegen_flags: <defaults>
</compile_context>

<pallas_src>
import jax
import jax.numpy as jnp
from jax.experimental import pallas as pl

NMS_THRESH = 0.7
PRE_NMS_TOPK = 2000
POST_NMS_TOPK = 1000
IMG_H = 800.0
IMG_W = 1333.0
B = 256
NT = 8
KPAD = NT * B


def _nms_kernel(rows_ref, rowts_ref, keep_ref):
    x0r = rows_ref[0:NT, :]
    y0r = rows_ref[NT:2 * NT, :]
    x1r = rows_ref[2 * NT:3 * NT, :]
    y1r = rows_ref[3 * NT:4 * NT, :]
    lvlr = rows_ref[4 * NT:5 * NT, :]
    x0t = rowts_ref[:, 0:NT]
    y0t = rowts_ref[:, NT:2 * NT]
    x1t = rowts_ref[:, 2 * NT:3 * NT]
    y1t = rowts_ref[:, 3 * NT:4 * NT]
    lvlt = rowts_ref[:, 4 * NT:5 * NT]
    mc = jnp.maximum(jnp.maximum(jnp.max(x0r), jnp.max(y0r)),
                     jnp.maximum(jnp.max(x1r), jnp.max(y1r))) + 1.0

    ox0r = x0r + lvlr * mc
    oy0r = y0r + lvlr * mc
    ox1r = x1r + lvlr * mc
    oy1r = y1r + lvlr * mc
    ox0t = x0t + lvlt * mc
    oy0t = y0t + lvlt * mc
    ox1t = x1t + lvlt * mc
    oy1t = y1t + lvlt * mc
    area_r = (ox1r - ox0r) * (oy1r - oy0r)
    area_t = (ox1t - ox0t) * (oy1t - oy0t)

    def over_mat(tj, ti):
        c = slice(tj, tj + 1)
        ax0, ay0 = ox0t[:, c], oy0t[:, c]
        ax1, ay1 = ox1t[:, c], oy1t[:, c]
        r = slice(ti, ti + 1)
        bx0, by0 = ox0r[r, :], oy0r[r, :]
        bx1, by1 = ox1r[r, :], oy1r[r, :]
        wx = jnp.clip(jnp.minimum(ax1, bx1) - jnp.maximum(ax0, bx0), 0.0)
        wy = jnp.clip(jnp.minimum(ay1, by1) - jnp.maximum(ay0, by0), 0.0)
        inter = wx * wy
        iou = inter / (area_t[:, c] + area_r[r, :] - inter + 1e-9)
        return (iou > NMS_THRESH).astype(jnp.float32)

    row_ids = jax.lax.broadcasted_iota(jnp.int32, (B, B), 0)
    col_ids = jax.lax.broadcasted_iota(jnp.int32, (B, B), 1)
    upper = (row_ids < col_ids).astype(jnp.float32)

    keep_rows = []
    for ti in range(NT):
        cnt = jnp.zeros((1, B), dtype=jnp.float32)
        for tj in range(ti):
            cnt = cnt + jnp.dot(keep_rows[tj], over_mat(tj, ti),
                                preferred_element_type=jnp.float32)
        init = (cnt < 0.5).astype(jnp.float32)
        m = over_mat(ti, ti) * upper

        def body(carry):
            k, _ = carry
            s = jnp.dot(k, m, preferred_element_type=jnp.float32)
            k2 = init * (s < 0.5).astype(jnp.float32)
            return k2, jnp.any(k2 != k)

        def cond(carry):
            return carry[1]

        k_fin, _ = jax.lax.while_loop(cond, body, (init, True))
        keep_rows.append(k_fin)
        keep_ref[ti:ti + 1, :] = k_fin


def kernel(boxes, scores, level_ids):
    top_scores, top_idx = jax.lax.top_k(scores, PRE_NMS_TOPK)
    b = boxes[top_idx]
    lvl = level_ids[top_idx].astype(jnp.float32)
    x0 = jnp.clip(b[:, 0], 0.0, IMG_W)
    y0 = jnp.clip(b[:, 1], 0.0, IMG_H)
    x1 = jnp.clip(b[:, 2], 0.0, IMG_W)
    y1 = jnp.clip(b[:, 3], 0.0, IMG_H)
    bcl = jnp.stack([x0, y0, x1, y1], axis=1)

    pad = KPAD - PRE_NMS_TOPK
    bp = jnp.pad(bcl, ((0, pad), (0, 0)))
    lvlp = jnp.pad(lvl, (0, pad))
    rows = [bp[:, i].reshape(NT, B) for i in range(4)]
    rows.append(lvlp.reshape(NT, B))
    rows_pack = jnp.concatenate(rows, axis=0)
    rowts_pack = rows_pack.T

    keep = pl.pallas_call(
        _nms_kernel,
        out_shape=jax.ShapeDtypeStruct((NT, B), jnp.float32),
    )(rows_pack, rowts_pack)

    keepf = keep.reshape(KPAD)[:PRE_NMS_TOPK]
    keep_scores = jnp.where(keepf > 0.5, top_scores, -1e10)
    final_scores, keep_idx = jax.lax.top_k(keep_scores, POST_NMS_TOPK)
    final_boxes = bcl[keep_idx]
    return jnp.concatenate([final_boxes, final_scores[:, None]], axis=1)

# --- scband reference (transcript-rebuilt; emitter-appended) ---
"""Pipeline reference for scband-rpn-4423816315533 (READ-ONLY COPY).

The authoritative reference and input builder live on the scoring server;
editing this copy changes nothing except your own understanding.
"""

import jax, jax.numpy as jnp
import numpy as np

NMS_THRESH = 0.7
PRE_NMS_TOPK = 2000
POST_NMS_TOPK = 1000
MIN_SIDE = 0.0
IMG_H = 800
IMG_W = 1333
NUM_LEVELS = 5


def setup_inputs(seed: int = 0) -> dict:
    key = jax.random.key(seed)
    k1, k2, k3, k4 = jax.random.split(key, 4)
    N = 20000
    # fill='rand' for boxes: raw uniforms turned into valid xyxy boxes in-range
    xy = jax.random.uniform(k1, (N, 2), dtype=jnp.float32) * jnp.array([IMG_W - 1.0, IMG_H - 1.0], dtype=jnp.float32)
    wh = jax.random.uniform(k4, (N, 2), dtype=jnp.float32) * 256.0 + 1.0
    boxes = jnp.concatenate([xy, xy + wh], axis=1).astype(jnp.float32)
    scores = jax.random.normal(k2, (N,), dtype=jnp.float32)
    level_ids = jax.random.randint(k3, (N,), 0, NUM_LEVELS).astype(jnp.int32)
    return {"boxes": boxes, "scores": scores, "level_ids": level_ids}


def _pairwise_iou(b):
    area = (b[:, 2] - b[:, 0]) * (b[:, 3] - b[:, 1])
    lt = jnp.maximum(b[:, None, :2], b[None, :, :2])
    rb = jnp.minimum(b[:, None, 2:], b[None, :, 2:])
    wh = jnp.clip(rb - lt, 0.0)
    inter = wh[..., 0] * wh[..., 1]
    return inter / (area[:, None] + area[None, :] - inter + 1e-9)


def reference(boxes, scores, level_ids):
    N = scores.shape[0]
    k = min(PRE_NMS_TOPK, N)
    # pre-NMS top-k (per-level sort in the original collapses to a global topk per level;
    # we keep the top pre_nms_topk candidates, which is the same selection behavior)
    top_scores, top_idx = jax.lax.top_k(scores, k)
    b = boxes[top_idx]
    lvl = level_ids[top_idx]
    # _clip_box to image size
    x0 = jnp.clip(b[:, 0], 0.0, IMG_W)
    y0 = jnp.clip(b[:, 1], 0.0, IMG_H)
    x1 = jnp.clip(b[:, 2], 0.0, IMG_W)
    y1 = jnp.clip(b[:, 3], 0.0, IMG_H)
    b = jnp.stack([x0, y0, x1, y1], axis=1)
    # _nonempty_boxes filter (masking instead of dynamic-shape filtering)
    nonempty = ((x1 - x0) > MIN_SIDE) & ((y1 - y0) > MIN_SIDE)
    s = jnp.where(nonempty, top_scores, -1e10)
    # batched_nms: offset boxes per level so boxes of different levels never overlap
    max_coord = jnp.max(b) + 1.0
    offset = lvl.astype(b.dtype) * max_coord
    ob = b + offset[:, None]
    # sort descending by score
    order = jnp.argsort(-s)
    ob_s = ob[order]
    s_s = s[order]
    b_s = b[order]
    iou = _pairwise_iou(ob_s)
    over = iou > NMS_THRESH
    idxs = jnp.arange(k)
    def body(i, suppressed):
        cur_kept = jnp.logical_not(suppressed[i])
        new_sup = over[i] & (idxs > i) & cur_kept
        return suppressed | new_sup
    suppressed = jax.lax.fori_loop(0, k, body, jnp.zeros((k,), dtype=bool))
    keep_scores = jnp.where(suppressed, -1e10, s_s)
    final_scores, keep_idx = jax.lax.top_k(keep_scores, POST_NMS_TOPK)
    final_boxes = b_s[keep_idx]
    return jnp.concatenate([final_boxes, final_scores[:, None]], axis=1)

if __name__ == "__main__":
    import jax
    _d = setup_inputs()
    print(jax.jit(kernel)(*tuple(_d.values())))

</pallas_src>

<mosaic_0001>
module attributes {stable_mosaic.version = 14 : i64} {
  func.func @_nms_kernel(%arg0: memref<40x256xf32, #tpu.memory_space<vmem>>, %arg1: memref<256x40xf32, #tpu.memory_space<vmem>>, %arg2: memref<8x256xf32, #tpu.memory_space<vmem>>) attributes {dimension_semantics = [], scalar_prefetch = 0 : i64, scratch_operands = 0 : i64, tpu.core_type = #tpu.core_type<tc>} {
    %get3A = arith.constant 0 : index
    %get3A_0 = arith.constant 0 : index
    %get3A_1 = vector.load %arg0[%get3A, %get3A_0] : memref<40x256xf32, #tpu.memory_space<vmem>>, vector<8x256xf32>
    %get3A_2 = arith.constant 8 : index
    %get3A_3 = arith.constant 0 : index
    %get3A_4 = vector.load %arg0[%get3A_2, %get3A_3] : memref<40x256xf32, #tpu.memory_space<vmem>>, vector<8x256xf32>
    %get3A_5 = arith.constant 16 : index
    %get3A_6 = arith.constant 0 : index
    %get3A_7 = vector.load %arg0[%get3A_5, %get3A_6] : memref<40x256xf32, #tpu.memory_space<vmem>>, vector<8x256xf32>
    %get3A_8 = arith.constant 24 : index
    %get3A_9 = arith.constant 0 : index
    %get3A_10 = vector.load %arg0[%get3A_8, %get3A_9] : memref<40x256xf32, #tpu.memory_space<vmem>>, vector<8x256xf32>
    %get3A_11 = arith.constant 32 : index
    %get3A_12 = arith.constant 0 : index
    %get3A_13 = vector.load %arg0[%get3A_11, %get3A_12] : memref<40x256xf32, #tpu.memory_space<vmem>>, vector<8x256xf32>
    %get3A_14 = arith.constant 0 : index
    %get3A_15 = arith.constant 0 : index
    %get3A_16 = vector.load %arg1[%get3A_14, %get3A_15] : memref<256x40xf32, #tpu.memory_space<vmem>>, vector<256x8xf32>
    %get3A_17 = arith.constant 0 : index
    %get3A_18 = arith.constant 8 : index
    %get3A_19 = vector.load %arg1[%get3A_17, %get3A_18] : memref<256x40xf32, #tpu.memory_space<vmem>>, vector<256x8xf32>
    %get3A_20 = arith.constant 0 : index
    %get3A_21 = arith.constant 16 : index
    %get3A_22 = vector.load %arg1[%get3A_20, %get3A_21] : memref<256x40xf32, #tpu.memory_space<vmem>>, vector<256x8xf32>
    %get3A_23 = arith.constant 0 : index
    %get3A_24 = arith.constant 24 : index
    %get3A_25 = vector.load %arg1[%get3A_23, %get3A_24] : memref<256x40xf32, #tpu.memory_space<vmem>>, vector<256x8xf32>
    %get3A_26 = arith.constant 0 : index
    %get3A_27 = arith.constant 32 : index
    %get3A_28 = vector.load %arg1[%get3A_26, %get3A_27] : memref<256x40xf32, #tpu.memory_space<vmem>>, vector<256x8xf32>
    %reduce_max3A = vector.shape_cast %get3A_1 : vector<8x256xf32> to vector<1x8x256xf32>
    %reduce_max3A_29 = arith.constant dense<0xFF800000> : vector<1xf32>
    %reduce_max3A_30 = vector.multi_reduction <maximumf>, %reduce_max3A, %reduce_max3A_29 [1, 2] : vector<1x8x256xf32> to vector<1xf32>
    %reduce_max3A_31 = vector.shape_cast %reduce_max3A_30 : vector<1xf32> to vector<1x1x1xf32>
    %reduce_max3A_32 = vector.extract %reduce_max3A_31[0, 0, 0] : f32 from vector<1x1x1xf32>
    %reduce_max3A_33 = vector.shape_cast %get3A_4 : vector<8x256xf32> to vector<1x8x256xf32>
    %reduce_max3A_34 = arith.constant dense<0xFF800000> : vector<1xf32>
    %reduce_max3A_35 = vector.multi_reduction <maximumf>, %reduce_max3A_33, %reduce_max3A_34 [1, 2] : vector<1x8x256xf32> to vector<1xf32>
    %reduce_max3A_36 = vector.shape_cast %reduce_max3A_35 : vector<1xf32> to vector<1x1x1xf32>
    %reduce_max3A_37 = vector.extract %reduce_max3A_36[0, 0, 0] : f32 from vector<1x1x1xf32>
    %max3A = arith.maximumf %reduce_max3A_32, %reduce_max3A_37 : f32
    %reduce_max3A_38 = vector.shape_cast %get3A_7 : vector<8x256xf32> to vector<1x8x256xf32>
    %reduce_max3A_39 = arith.constant dense<0xFF800000> : vector<1xf32>
    %reduce_max3A_40 = vector.multi_reduction <maximumf>, %reduce_max3A_38, %reduce_max3A_39 [1, 2] : vector<1x8x256xf32> to vector<1xf32>
    %reduce_max3A_41 = vector.shape_cast %reduce_max3A_40 : vector<1xf32> to vector<1x1x1xf32>
    %reduce_max3A_42 = vector.extract %reduce_max3A_41[0, 0, 0] : f32 from vector<1x1x1xf32>
    %reduce_max3A_43 = vector.shape_cast %get3A_10 : vector<8x256xf32> to vector<1x8x256xf32>
    %reduce_max3A_44 = arith.constant dense<0xFF800000> : vector<1xf32>
    %reduce_max3A_45 = vector.multi_reduction <maximumf>, %reduce_max3A_43, %reduce_max3A_44 [1, 2] : vector<1x8x256xf32> to vector<1xf32>
    %reduce_max3A_46 = vector.shape_cast %reduce_max3A_45 : vector<1xf32> to vector<1x1x1xf32>
    %reduce_max3A_47 = vector.extract %reduce_max3A_46[0, 0, 0] : f32 from vector<1x1x1xf32>
    %max3A_48 = arith.maximumf %reduce_max3A_42, %reduce_max3A_47 : f32
    %max3A_49 = arith.maximumf %max3A, %max3A_48 : f32
    %add3A = arith.constant 1.000000e+00 : f32
    %add3A_50 = arith.addf %max3A_49, %add3A : f32
    %mul3A = vector.broadcast %add3A_50 : f32 to vector<8x256xf32>
    %mul3A_51 = arith.mulf %get3A_13, %mul3A : vector<8x256xf32>
    %add3A_52 = arith.addf %get3A_1, %mul3A_51 : vector<8x256xf32>
    %mul3A_53 = vector.broadcast %add3A_50 : f32 to vector<8x256xf32>
    %mul3A_54 = arith.mulf %get3A_13, %mul3A_53 : vector<8x256xf32>
    %add3A_55 = arith.addf %get3A_4, %mul3A_54 : vector<8x256xf32>
    %mul3A_56 = vector.broadcast %add3A_50 : f32 to vector<8x256xf32>
    %mul3A_57 = arith.mulf %get3A_13, %mul3A_56 : vector<8x256xf32>
    %add3A_58 = arith.addf %get3A_7, %mul3A_57 : vector<8x256xf32>
    %mul3A_59 = vector.broadcast %add3A_50 : f32 to vector<8x256xf32>
    %mul3A_60 = arith.mulf %get3A_13, %mul3A_59 : vector<8x256xf32>
    %add3A_61 = arith.addf %get3A_10, %mul3A_60 : vector<8x256xf32>
    %mul3A_62 = vector.broadcast %add3A_50 : f32 to vector<256x8xf32>
    %mul3A_63 = arith.mulf %get3A_28, %mul3A_62 : vector<256x8xf32>
    %add3A_64 = arith.addf %get3A_16, %mul3A_63 : vector<256x8xf32>
    %mul3A_65 = vector.broadcast %add3A_50 : f32 to vector<256x8xf32>
    %mul3A_66 = arith.mulf %get3A_28, %mul3A_65 : vector<256x8xf32>
    %add3A_67 = arith.addf %get3A_19, %mul3A_66 : vector<256x8xf32>
    %mul3A_68 = vector.broadcast %add3A_50 : f32 to vector<256x8xf32>
    %mul3A_69 = arith.mulf %get3A_28, %mul3A_68 : vector<256x8xf32>
    %add3A_70 = arith.addf %get3A_22, %mul3A_69 : vector<256x8xf32>
    %mul3A_71 = vector.broadcast %add3A_50 : f32 to vector<256x8xf32>
    %mul3A_72 = arith.mulf %get3A_28, %mul3A_71 : vector<256x8xf32>
    %add3A_73 = arith.addf %get3A_25, %mul3A_72 : vector<256x8xf32>
    %sub3A = arith.subf %add3A_58, %add3A_52 : vector<8x256xf32>
    %sub3A_74 = arith.subf %add3A_61, %add3A_55 : vector<8x256xf32>
    %mul3A_75 = arith.mulf %sub3A, %sub3A_74 : vector<8x256xf32>
    %sub3A_76 = arith.subf %add3A_70, %add3A_64 : vector<256x8xf32>
    %sub3A_77 = arith.subf %add3A_73, %add3A_67 : vector<256x8xf32>
    %mul3A_78 = arith.mulf %sub3A_76, %sub3A_77 : vector<256x8xf32>
    %iota3A = tpu.iota {dimensions = array<i32: 0>} : vector<256x256xi32>
    %iota3A_79 = tpu.iota {dimensions = array<i32: 1>} : vector<256x256xi32>
    %lt3A = arith.cmpi slt, %iota3A, %iota3A_79 : vector<256x256xi32>
    %convert_element_type3A = arith.extui %lt3A : vector<256x256xi1> to vector<256x256xi32>
    %convert_element_type3A_80 = arith.sitofp %convert_element_type3A : vector<256x256xi32> to vector<256x256xf32>
    %broadcast_in_dim3A = arith.constant 0.000000e+00 : f32
    %broadcast_in_dim3A_81 = vector.broadcast %broadcast_in_dim3A : f32 to vector<1x256xf32>
    %lt3A_82 = arith.constant 5.000000e-01 : f32
    %lt3A_83 = vector.broadcast %lt3A_82 : f32 to vector<1x256xf32>
    %lt3A_84 = arith.cmpf olt, %broadcast_in_dim3A_81, %lt3A_83 : vector<1x256xf32>
    %convert_element_type3A_85 = arith.extui %lt3A_84 : vector<1x256xi1> to vector<1x256xi32>
    %convert_element_type3A_86 = arith.sitofp %convert_element_type3A_85 : vector<1x256xi32> to vector<1x256xf32>
    %slice3A = vector.extract_strided_slice %add3A_64 {offsets = [0, 0], sizes = [256, 1], strides = [1, 1]} : vector<256x8xf32> to vector<256x1xf32>
    %slice3A_87 = vector.extract_strided_slice %add3A_67 {offsets = [0, 0], sizes = [256, 1], strides = [1, 1]} : vector<256x8xf32> to vector<256x1xf32>
    %slice3A_88 = vector.extract_strided_slice %add3A_70 {offsets = [0, 0], sizes = [256, 1], strides = [1, 1]} : vector<256x8xf32> to vector<256x1xf32>
    %slice3A_89 = vector.extract_strided_slice %add3A_73 {offsets = [0, 0], sizes = [256, 1], strides = [1, 1]} : vector<256x8xf32> to vector<256x1xf32>
    %slice3A_90 = vector.extract_strided_slice %add3A_52 {offsets = [0, 0], sizes = [1, 256], strides = [1, 1]} : vector<8x256xf32> to vector<1x256xf32>
    %slice3A_91 = vector.extract_strided_slice %add3A_55 {offsets = [0, 0], sizes = [1, 256], strides = [1, 1]} : vector<8x256xf32> to vector<1x256xf32>
    %slice3A_92 = vector.extract_strided_slice %add3A_58 {offsets = [0, 0], sizes = [1, 256], strides = [1, 1]} : vector<8x256xf32> to vector<1x256xf32>
    %slice3A_93 = vector.extract_strided_slice %add3A_61 {offsets = [0, 0], sizes = [1, 256], strides = [1, 1]} : vector<8x256xf32> to vector<1x256xf32>
    %min3A = vector.broadcast %slice3A_88 : vector<256x1xf32> to vector<256x256xf32>
    %min3A_94 = vector.broadcast %slice3A_92 : vector<1x256xf32> to vector<256x256xf32>
    %min3A_95 = arith.minimumf %min3A, %min3A_94 : vector<256x256xf32>
    %max3A_96 = vector.broadcast %slice3A : vector<256x1xf32> to vector<256x256xf32>
    %max3A_97 = vector.broadcast %slice3A_90 : vector<1x256xf32> to vector<256x256xf32>
    %max3A_98 = arith.maximumf %max3A_96, %max3A_97 : vector<256x256xf32>
    %sub3A_99 = arith.subf %min3A_95, %max3A_98 : vector<256x256xf32>
    %jit3A = arith.constant 0.000000e+00 : f32
    %max3A_100 = vector.broadcast %jit3A : f32 to vector<256x256xf32>
    %max3A_101 = arith.maximumf %max3A_100, %sub3A_99 : vector<256x256xf32>
    %min3A_102 = vector.broadcast %slice3A_89 : vector<256x1xf32> to vector<256x256xf32>
    %min3A_103 = vector.broadcast %slice3A_93 : vector<1x256xf32> to vector<256x256xf32>
    %min3A_104 = arith.minimumf %min3A_102, %min3A_103 : vector<256x256xf32>
    %max3A_105 = vector.broadcast %slice3A_87 : vector<256x1xf32> to vector<256x256xf32>
    %max3A_106 = vector.broadcast %slice3A_91 : vector<1x256xf32> to vector<256x256xf32>
    %max3A_107 = arith.maximumf %max3A_105, %max3A_106 : vector<256x256xf32>
    %sub3A_108 = arith.subf %min3A_104, %max3A_107 : vector<256x256xf32>
    %jit3A_109 = arith.constant 0.000000e+00 : f32
    %max3A_110 = vector.broadcast %jit3A_109 : f32 to vector<256x256xf32>
    %max3A_111 = arith.maximumf %max3A_110, %sub3A_108 : vector<256x256xf32>
    %mul3A_112 = arith.mulf %max3A_101, %max3A_111 : vector<256x256xf32>
    %slice3A_113 = vector.extract_strided_slice %mul3A_78 {offsets = [0, 0], sizes = [256, 1], strides = [1, 1]} : vector<256x8xf32> to vector<256x1xf32>
    %slice3A_114 = vector.extract_strided_slice %mul3A_75 {offsets = [0, 0], sizes = [1, 256], strides = [1, 1]} : vector<8x256xf32> to vector<1x256xf32>
    %add3A_115 = vector.broadcast %slice3A_113 : vector<256x1xf32> to vector<256x256xf32>
    %add3A_116 = vector.broadcast %slice3A_114 : vector<1x256xf32> to vector<256x256xf32>
    %add3A_117 = arith.addf %add3A_115, %add3A_116 : vector<256x256xf32>
    %sub3A_118 = arith.subf %add3A_117, %mul3A_112 : vector<256x256xf32>
    %add3A_119 = arith.constant 9.99999971E-10 : f32
    %add3A_120 = vector.broadcast %add3A_119 : f32 to vector<256x256xf32>
    %add3A_121 = arith.addf %sub3A_118, %add3A_120 : vector<256x256xf32>
    %div3A = arith.divf %mul3A_112, %add3A_121 : vector<256x256xf32>
    %gt3A = arith.constant 0.699999988 : f32
    %gt3A_122 = vector.broadcast %gt3A : f32 to vector<256x256xf32>
    %gt3A_123 = arith.cmpf ogt, %div3A, %gt3A_122 : vector<256x256xf32>
    %convert_element_type3A_124 = arith.extui %gt3A_123 : vector<256x256xi1> to vector<256x256xi32>
    %convert_element_type3A_125 = arith.sitofp %convert_element_type3A_124 : vector<256x256xi32> to vector<256x256xf32>
    %mul3A_126 = arith.mulf %convert_element_type3A_125, %convert_element_type3A_80 : vector<256x256xf32>
    %while3A = arith.constant true
    %while3A_127:2 = scf.while (%while3A_1844 = %convert_element_type3A_86, %while3A_1845 = %while3A) : (vector<1x256xf32>, i1) -> (vector<1x256xf32>, i1) {
      scf.condition(%while3A_1845) %while3A_1844, %while3A_1845 : vector<1x256xf32>, i1
    } do {
    ^bb0(%while3A_1844: vector<1x256xf32>, %while3A_1845: i1):
      %dot_general3A_1846 = arith.constant dense<0.000000e+00> : vector<1x256xf32>
      %dot_general3A_1847 = tpu.matmul %while3A_1844, %mul3A_126, %dot_general3A_1846 {dimension_numbers = #tpu.dot_dimension_numbers<[1], [0], [0], [1], [0, 0, 1, 1], [], []>, transpose_lhs_hint = false} : vector<1x256xf32>, vector<256x256xf32>, vector<1x256xf32> -> vector<1x256xf32>
      %lt3A_1848 = arith.constant 5.000000e-01 : f32
      %lt3A_1849 = vector.broadcast %lt3A_1848 : f32 to vector<1x256xf32>
      %lt3A_1850 = arith.cmpf olt, %dot_general3A_1847, %lt3A_1849 : vector<1x256xf32>
      %convert_element_type3A_1851 = arith.extui %lt3A_1850 : vector<1x256xi1> to vector<1x256xi32>
      %convert_element_type3A_1852 = arith.sitofp %convert_element_type3A_1851 : vector<1x256xi32> to vector<1x256xf32>
      %mul3A_1853 = arith.mulf %convert_element_type3A_86, %convert_element_type3A_1852 : vector<1x256xf32>
      %ne3A = arith.cmpf one, %mul3A_1853, %while3A_1844 : vector<1x256xf32>
      %reduce_or3A = arith.constant 1.000000e+00 : f32
      %reduce_or3A_1854 = arith.constant 0.000000e+00 : f32
      %reduce_or3A_1855 = vector.broadcast %reduce_or3A : f32 to vector<1x256xf32>
      %reduce_or3A_1856 = vector.broadcast %reduce_or3A_1854 : f32 to vector<1x256xf32>
      %reduce_or3A_1857 = arith.select %ne3A, %reduce_or3A_1855, %reduce_or3A_1856 : vector<1x256xi1>, vector<1x256xf32>
      %reduce_or3A_1858 = vector.shape_cast %reduce_or3A_1857 : vector<1x256xf32> to vector<1x1x256xf32>
      %reduce_or3A_1859 = arith.constant dense<0xFF800000> : vector<1xf32>
      %reduce_or3A_1860 = vector.multi_reduction <maximumf>, %reduce_or3A_1858, %reduce_or3A_1859 [1, 2] : vector<1x1x256xf32> to vector<1xf32>
      %reduce_or3A_1861 = vector.shape_cast %reduce_or3A_1860 : vector<1xf32> to vector<1x1x1xf32>
      %reduce_or3A_1862 = vector.extract %reduce_or3A_1861[0, 0, 0] : f32 from vector<1x1x1xf32>
      %reduce_or3A_1863 = arith.constant 0.000000e+00 : f32
      %reduce_or3A_1864 = arith.cmpf ogt, %reduce_or3A_1862, %reduce_or3A_1863 : f32
      scf.yield %mul3A_1853, %reduce_or3A_1864 : vector<1x256xf32>, i1
    }
    %swap3A = arith.constant 0 : index
    %swap3A_128 = arith.constant 0 : index
    %swap3A_129 = vector.load %arg2[%swap3A, %swap3A_128] : memref<8x256xf32, #tpu.memory_space<vmem>>, vector<1x256xf32>
    tpu.vector_store %arg2[%swap3A, %swap3A_128], %while3A_127#0 {strides = array<i32>} : memref<8x256xf32, #tpu.memory_space<vmem>>, vector<1x256xf32>,
    %broadcast_in_dim3A_130 = arith.constant 0.000000e+00 : f32
    %broadcast_in_dim3A_131 = vector.broadcast %broadcast_in_dim3A_130 : f32 to vector<1x256xf32>
    %slice3A_132 = vector.extract_strided_slice %add3A_64 {offsets = [0, 0], sizes = [256, 1], strides = [1, 1]} : vector<256x8xf32> to vector<256x1xf32>
    %slice3A_133 = vector.extract_strided_slice %add3A_67 {offsets = [0, 0], sizes = [256, 1], strides = [1, 1]} : vector<256x8xf32> to vector<256x1xf32>
    %slice3A_134 = vector.extract_strided_slice %add3A_70 {offsets = [0, 0], sizes = [256, 1], strides = [1, 1]} : vector<256x8xf32> to vector<256x1xf32>
    %slice3A_135 = vector.extract_strided_slice %add3A_73 {offsets = [0, 0], sizes = [256, 1], strides = [1, 1]} : vector<256x8xf32> to vector<256x1xf32>
    %slice3A_136 = vector.extract_strided_slice %add3A_52 {offsets = [1, 0], sizes = [1, 256], strides = [1, 1]} : vector<8x256xf32> to vector<1x256xf32>
    %slice3A_137 = vector.extract_strided_slice %add3A_55 {offsets = [1, 0], sizes = [1, 256], strides = [1, 1]} : vector<8x256xf32> to vector<1x256xf32>
    %slice3A_138 = vector.extract_strided_slice %add3A_58 {offsets = [1, 0], sizes = [1, 256], strides = [1, 1]} : vector<8x256xf32> to vector<1x256xf32>
    %slice3A_139 = vector.extract_strided_slice %add3A_61 {offsets = [1, 0], sizes = [1, 256], strides = [1, 1]} : vector<8x256xf32> to vector<1x256xf32>
    %min3A_140 = vector.broadcast %slice3A_134 : vector<256x1xf32> to vector<256x256xf32>
    %min3A_141 = vector.broadcast %slice3A_138 : vector<1x256xf32> to vector<256x256xf32>
    %min3A_142 = arith.minimumf %min3A_140, %min3A_141 : vector<256x256xf32>
    %max3A_143 = vector.broadcast %slice3A_132 : vector<256x1xf32> to vector<256x256xf32>
    %max3A_144 = vector.broadcast %slice3A_136 : vector<1x256xf32> to vector<256x256xf32>
    %max3A_145 = arith.maximumf %max3A_143, %max3A_144 : vector<256x256xf32>
    %sub3A_146 = arith.subf %min3A_142, %max3A_145 : vector<256x256xf32>
    %jit3A_147 = arith.constant 0.000000e+00 : f32
    %max3A_148 = vector.broadcast %jit3A_147 : f32 to vector<256x256xf32>
    %max3A_149 = arith.maximumf %max3A_148, %sub3A_146 : vector<256x256xf32>
    %min3A_150 = vector.broadcast %slice3A_135 : vector<256x1xf32> to vector<256x256xf32>
    %min3A_151 = vector.broadcast %slice3A_139 : vector<1x256xf32> to vector<256x256xf32>
    %min3A_152 = arith.minimumf %min3A_150, %min3A_151 : vector<256x256xf32>
    %max3A_153 = vector.broadcast %slice3A_133 : vector<256x1xf32> to vector<256x256xf32>
    %max3A_154 = vector.broadcast %slice3A_137 : vector<1x256xf32> to vector<256x256xf32>
    %max3A_155 = arith.maximumf %max3A_153, %max3A_154 : vector<256x256xf32>
    %sub3A_156 = arith.subf %min3A_152, %max3A_155 : vector<256x256xf32>
    %jit3A_157 = arith.constant 0.000000e+00 : f32
    %max3A_158 = vector.broadcast %jit3A_157 : f32 to vector<256x256xf32>
    %max3A_159 = arith.maximumf %max3A_158, %sub3A_156 : vector<256x256xf32>
    %mul3A_160 = arith.mulf %max3A_149, %max3A_159 : vector<256x256xf32>
    %slice3A_161 = vector.extract_strided_slice %mul3A_78 {offsets = [0, 0], sizes = [256, 1], strides = [1, 1]} : vector<256x8xf32> to vector<256x1xf32>
    %slice3A_162 = vector.extract_strided_slice %mul3A_75 {offsets = [1, 0], sizes = [1, 256], strides = [1, 1]} : vector<8x256xf32> to vector<1x256xf32>
    %add3A_163 = vector.broadcast %slice3A_161 : vector<256x1xf32> to vector<256x256xf32>
    %add3A_164 = vector.broadcast %slice3A_162 : vector<1x256xf32> to vector<256x256xf32>
    %add3A_165 = arith.addf %add3A_163, %add3A_164 : vector<256x256xf32>
    %sub3A_166 = arith.subf %add3A_165, %mul3A_160 : vector<256x256xf32>
    %add3A_167 = arith.constant 9.99999971E-10 : f32
    %add3A_168 = vector.broadcast %add3A_167 : f32 to vector<256x256xf32>
    %add3A_169 = arith.addf %sub3A_166, %add3A_168 : vector<256x256xf32>
    %div3A_170 = arith.divf %mul3A_160, %add3A_169 : vector<256x256xf32>
    %gt3A_171 = arith.constant 0.699999988 : f32
    %gt3A_172 = vector.broadcast %gt3A_171 : f32 to vector<256x256xf32>
    %gt3A_173 = arith.cmpf ogt, %div3A_170, %gt3A_172 : vector<256x256xf32>
    %convert_element_type3A_174 = arith.extui %gt3A_173 : vector<256x256xi1> to vector<256x256xi32>
    %convert_element_type3A_175 = arith.sitofp %convert_element_type3A_174 : vector<256x256xi32> to vector<256x256xf32>
    %dot_general3A = arith.constant dense<0.000000e+00> : vector<1x256xf32>
    %dot_general3A_176 = tpu.matmul %while3A_127#0, %convert_element_type3A_175, %dot_general3A {dimension_numbers = #tpu.dot_dimension_numbers<[1], [0], [0], [1], [0, 0, 1, 1], [], []>, transpose_lhs_hint = false} : vector<1x256xf32>, vector<256x256xf32>, vector<1x256xf32> -> vector<1x256xf32>
    %add3A_177 = arith.addf %broadcast_in_dim3A_131, %dot_general3A_176 : vector<1x256xf32>
    %lt3A_178 = arith.constant 5.000000e-01 : f32
    %lt3A_179 = vector.broadcast %lt3A_178 : f32 to vector<1x256xf32>
    %lt3A_180 = arith.cmpf olt, %add3A_177, %lt3A_179 : vector<1x256xf32>
    %convert_element_type3A_181 = arith.extui %lt3A_180 : vector<1x256xi1> to vector<1x256xi32>
    %convert_element_type3A_182 = arith.sitofp %convert_element_type3A_181 : vector<1x256xi32> to vector<1x256xf32>
    %slice3A_183 = vector.extract_strided_slice %add3A_64 {offsets = [0, 1], sizes = [256, 1], strides = [1, 1]} : vector<256x8xf32> to vector<256x1xf32>
    %slice3A_184 = vector.extract_strided_slice %add3A_67 {offsets = [0, 1], sizes = [256, 1], strides = [1, 1]} : vector<256x8xf32> to vector<256x1xf32>
    %slice3A_185 = vector.extract_strided_slice %add3A_70 {offsets = [0, 1], sizes = [256, 1], strides = [1, 1]} : vector<256x8xf32> to vector<256x1xf32>
    %slice3A_186 = vector.extract_strided_slice %add3A_73 {offsets = [0, 1], sizes = [256, 1], strides = [1, 1]} : vector<256x8xf32> to vector<256x1xf32>
    %slice3A_187 = vector.extract_strided_slice %add3A_52 {offsets = [1, 0], sizes = [1, 256], strides = [1, 1]} : vector<8x256xf32> to vector<1x256xf32>
    %slice3A_188 = vector.extract_strided_slice %add3A_55 {offsets = [1, 0], sizes = [1, 256], strides = [1, 1]} : vector<8x256xf32> to vector<1x256xf32>
    %slice3A_189 = vector.extract_strided_slice %add3A_58 {offsets = [1, 0], sizes = [1, 256], strides = [1, 1]} : vector<8x256xf32> to vector<1x256xf32>
    %slice3A_190 = vector.extract_strided_slice %add3A_61 {offsets = [1, 0], sizes = [1, 256], strides = [1, 1]} : vector<8x256xf32> to vector<1x256xf32>
    %min3A_191 = vector.broadcast %slice3A_185 : vector<256x1xf32> to vector<256x256xf32>
    %min3A_192 = vector.broadcast %slice3A_189 : vector<1x256xf32> to vector<256x256xf32>
    %min3A_193 = arith.minimumf %min3A_191, %min3A_192 : vector<256x256xf32>
    %max3A_194 = vector.broadcast %slice3A_183 : vector<256x1xf32> to vector<256x256xf32>
    %max3A_195 = vector.broadcast %slice3A_187 : vector<1x256xf32> to vector<256x256xf32>
    %max3A_196 = arith.maximumf %max3A_194, %max3A_195 : vector<256x256xf32>
    %sub3A_197 = arith.subf %min3A_193, %max3A_196 : vector<256x256xf32>
    %jit3A_198 = arith.constant 0.000000e+00 : f32
    %max3A_199 = vector.broadcast %jit3A_198 : f32 to vector<256x256xf32>
    %max3A_200 = arith.maximumf %max3A_199, %sub3A_197 : vector<256x256xf32>
    %min3A_201 = vector.broadcast %slice3A_186 : vector<256x1xf32> to vector<256x256xf32>
    %min3A_202 = vector.broadcast %slice3A_190 : vector<1x256xf32> to vector<256x256xf32>
    %min3A_203 = arith.minimumf %min3A_201, %min3A_202 : vector<256x256xf32>
    %max3A_204 = vector.broadcast %slice3A_184 : vector<256x1xf32> to vector<256x256xf32>
    %max3A_205 = vector.broadcast %slice3A_188 : vector<1x256xf32> to vector<256x256xf32>
    %max3A_206 = arith.maximumf %max3A_204, %max3A_205 : vector<256x256xf32>
    %sub3A_207 = arith.subf %min3A_203, %max3A_206 : vector<256x256xf32>
    %jit3A_208 = arith.constant 0.000000e+00 : f32
    %max3A_209 = vector.broadcast %jit3A_208 : f32 to vector<256x256xf32>
    %max3A_210 = arith.maximumf %max3A_209, %sub3A_207 : vector<256x256xf32>
    %mul3A_211 = arith.mulf %max3A_200, %max3A_210 : vector<256x256xf32>
    %slice3A_212 = vector.extract_strided_slice %mul3A_78 {offsets = [0, 1], sizes = [256, 1], strides = [1, 1]} : vector<256x8xf32> to vector<256x1xf32>
    %slice3A_213 = vector.extract_strided_slice %mul3A_75 {offsets = [1, 0], sizes = [1, 256], strides = [1, 1]} : vector<8x256xf32> to vector<1x256xf32>
    %add3A_214 = vector.broadcast %slice3A_212 : vector<256x1xf32> to vector<256x256xf32>
    %add3A_215 = vector.broadcast %slice3A_213 : vector<1x256xf32> to vector<256x256xf32>
    %add3A_216 = arith.addf %add3A_214, %add3A_215 : vector<256x256xf32>
    %sub3A_217 = arith.subf %add3A_216, %mul3A_211 : vector<256x256xf32>
    %add3A_218 = arith.constant 9.99999971E-10 : f32
    %add3A_219 = vector.broadcast %add3A_218 : f32 to vector<256x256xf32>
    %add3A_220 = arith.addf %sub3A_217, %add3A_219 : vector<256x256xf32>
    %div3A_221 = arith.divf %mul3A_211, %add3A_220 : vector<256x256xf32>
    %gt3A_222 = arith.constant 0.699999988 : f32
    %gt3A_223 = vector.broadcast %gt3A_222 : f32 to vector<256x256xf32>
    %gt3A_224 = arith.cmpf ogt, %div3A_221, %gt3A_223 : vector<256x256xf32>
    %convert_element_type3A_225 = arith.extui %gt3A_224 : vector<256x256xi1> to vector<256x256xi32>
    %convert_element_type3A_226 = arith.sitofp %convert_element_type3A_225 : vector<256x256xi32> to vector<256x256xf32>
    %mul3A_227 = arith.mulf %convert_element_type3A_226, %convert_element_type3A_80 : vector<256x256xf32>
    %while3A_228 = arith.constant true
    %while3A_229:2 = scf.while (%while3A_1844 = %convert_element_type3A_182, %while3A_1845 = %while3A_228) : (vector<1x256xf32>, i1) -> (vector<1x256xf32>, i1) {
      scf.condition(%while3A_1845) %while3A_1844, %while3A_1845 : vector<1x256xf32>, i1
    } do {
    ^bb0(%while3A_1844: vector<1x256xf32>, %while3A_1845: i1):
      %dot_general3A_1846 = arith.constant dense<0.000000e+00> : vector<1x256xf32>
      %dot_general3A_1847 = tpu.matmul %while3A_1844, %mul3A_227, %dot_general3A_1846 {dimension_numbers = #tpu.dot_dimension_numbers<[1], [0], [0], [1], [0, 0, 1, 1], [], []>, transpose_lhs_hint = false} : vector<1x256xf32>, vector<256x256xf32>, vector<1x256xf32> -> vector<1x256xf32>
      %lt3A_1848 = arith.constant 5.000000e-01 : f32
      %lt3A_1849 = vector.broadcast %lt3A_1848 : f32 to vector<1x256xf32>
      %lt3A_1850 = arith.cmpf olt, %dot_general3A_1847, %lt3A_1849 : vector<1x256xf32>
      %convert_element_type3A_1851 = arith.extui %lt3A_1850 : vector<1x256xi1> to vector<1x256xi32>
      %convert_element_type3A_1852 = arith.sitofp %convert_element_type3A_1851 : vector<1x256xi32> to vector<1x256xf32>
      %mul3A_1853 = arith.mulf %convert_element_type3A_182, %convert_element_type3A_1852 : vector<1x256xf32>
      %ne3A = arith.cmpf one, %mul3A_1853, %while3A_1844 : vector<1x256xf32>
      %reduce_or3A = arith.constant 1.000000e+00 : f32
      %reduce_or3A_1854 = arith.constant 0.000000e+00 : f32
      %reduce_or3A_1855 = vector.broadcast %reduce_or3A : f32 to vector<1x256xf32>
      %reduce_or3A_1856 = vector.broadcast %reduce_or3A_1854 : f32 to vector<1x256xf32>
      %reduce_or3A_1857 = arith.select %ne3A, %reduce_or3A_1855, %reduce_or3A_1856 : vector<1x256xi1>, vector<1x256xf32>
      %reduce_or3A_1858 = vector.shape_cast %reduce_or3A_1857 : vector<1x256xf32> to vector<1x1x256xf32>
      %reduce_or3A_1859 = arith.constant dense<0xFF800000> : vector<1xf32>
      %reduce_or3A_1860 = vector.multi_reduction <maximumf>, %reduce_or3A_1858, %reduce_or3A_1859 [1, 2] : vector<1x1x256xf32> to vector<1xf32>
      %reduce_or3A_1861 = vector.shape_cast %reduce_or3A_1860 : vector<1xf32> to vector<1x1x1xf32>
      %reduce_or3A_1862 = vector.extract %reduce_or3A_1861[0, 0, 0] : f32 from vector<1x1x1xf32>
      %reduce_or3A_1863 = arith.constant 0.000000e+00 : f32
      %reduce_or3A_1864 = arith.cmpf ogt, %reduce_or3A_1862, %reduce_or3A_1863 : f32
      scf.yield %mul3A_1853, %reduce_or3A_1864 : vector<1x256xf32>, i1
    }
    %swap3A_230 = arith.constant 1 : index
    %swap3A_231 = arith.constant 0 : index
    %swap3A_232 = vector.load %arg2[%swap3A_230, %swap3A_231] : memref<8x256xf32, #tpu.memory_space<vmem>>, vector<1x256xf32>
    tpu.vector_store %arg2[%swap3A_230, %swap3A_231], %while3A_229#0 {strides = array<i32>} : memref<8x256xf32, #tpu.memory_space<vmem>>, vector<1x256xf32>,
    %broadcast_in_dim3A_233 = arith.constant 0.000000e+00 : f32
    %broadcast_in_dim3A_234 = vector.broadcast %broadcast_in_dim3A_233 : f32 to vector<1x256xf32>
    %slice3A_235 = vector.extract_strided_slice %add3A_64 {offsets = [0, 0], sizes = [256, 1], strides = [1, 1]} : vector<256x8xf32> to vector<256x1xf32>
    %slice3A_236 = vector.extract_strided_slice %add3A_67 {offsets = [0, 0], sizes = [256, 1], strides = [1, 1]} : vector<256x8xf32> to vector<256x1xf32>
    %slice3A_237 = vector.extract_strided_slice %add3A_70 {offsets = [0, 0], sizes = [256, 1], strides = [1, 1]} : vector<256x8xf32> to vector<256x1xf32>
    %slice3A_238 = vector.extract_strided_slice %add3A_73 {offsets = [0, 0], sizes = [256, 1], strides = [1, 1]} : vector<256x8xf32> to vector<256x1xf32>
    %slice3A_239 = vector.extract_strided_slice %add3A_52 {offsets = [2, 0], sizes = [1, 256], strides = [1, 1]} : vector<8x256xf32> to vector<1x256xf32>
    %slice3A_240 = vector.extract_strided_slice %add3A_55 {offsets = [2, 0], sizes = [1, 256], strides = [1, 1]} : vector<8x256xf32> to vector<1x256xf32>
    %slice3A_241 = vector.extract_strided_slice %add3A_58 {offsets = [2, 0], sizes = [1, 256], strides = [1, 1]} : vector<8x256xf32> to vector<1x256xf32>
    %slice3A_242 = vector.extract_strided_slice %add3A_61 {offsets = [2, 0], sizes = [1, 256], strides = [1, 1]} : vector<8x256xf32> to vector<1x256xf32>
    %min3A_243 = vector.broadcast %slice3A_237 : vector<256x1xf32> to vector<256x256xf32>
    %min3A_244 = vector.broadcast %slice3A_241 : vector<1x256xf32> to vector<256x256xf32>
    %min3A_245 = arith.minimumf %min3A_243, %min3A_244 : vector<256x256xf32>
    %max3A_246 = vector.broadcast %slice3A_235 : vector<256x1xf32> to vector<256x256xf32>
    %max3A_247 = vector.broadcast %slice3A_239 : vector<1x256xf32> to vector<256x256xf32>
    %max3A_248 = arith.maximumf %max3A_246, %max3A_247 : vector<256x256xf32>
    %sub3A_249 = arith.subf %min3A_245, %max3A_248 : vector<256x256xf32>
    %jit3A_250 = arith.constant 0.000000e+00 : f32
    %max3A_251 = vector.broadcast %jit3A_250 : f32 to vector<256x256xf32>
    %max3A_252 = arith.maximumf %max3A_251, %sub3A_249 : vector<256x256xf32>
    %min3A_253 = vector.broadcast %slice3A_238 : vector<256x1xf32> to vector<256x256xf32>
    %min3A_254 = vector.broadcast %slice3A_242 : vector<1x256xf32> to vector<256x256xf32>
    %min3A_255 = arith.minimumf %min3A_253, %min3A_254 : vector<256x256xf32>
    %max3A_256 = vector.broadcast %slice3A_236 : vector<256x1xf32> to vector<256x256xf32>
    %max3A_257 = vector.broadcast %slice3A_240 : vector<1x256xf32> to vector<256x256xf32>
    %max3A_258 = arith.maximumf %max3A_256, %max3A_257 : vector<256x256xf32>
    %sub3A_259 = arith.subf %min3A_255, %max3A_258 : vector<256x256xf32>
    %jit3A_260 = arith.constant 0.000000e+00 : f32
    %max3A_261 = vector.broadcast %jit3A_260 : f32 to vector<256x256xf32>
    %max3A_262 = arith.maximumf %max3A_261, %sub3A_259 : vector<256x256xf32>
    %mul3A_263 = arith.mulf %max3A_252, %max3A_262 : vector<256x256xf32>
    %slice3A_264 = vector.extract_strided_slice %mul3A_78 {offsets = [0, 0], sizes = [256, 1], strides = [1, 1]} : vector<256x8xf32> to vector<256x1xf32>
    %slice3A_265 = vector.extract_strided_slice %mul3A_75 {offsets = [2, 0], sizes = [1, 256], strides = [1, 1]} : vector<8x256xf32> to vector<1x256xf32>
    %add3A_266 = vector.broadcast %slice3A_264 : vector<256x1xf32> to vector<256x256xf32>
    %add3A_267 = vector.broadcast %slice3A_265 : vector<1x256xf32> to vector<256x256xf32>
    %add3A_268 = arith.addf %add3A_266, %add3A_267 : vector<256x256xf32>
    %sub3A_269 = arith.subf %add3A_268, %mul3A_263 : vector<256x256xf32>
    %add3A_270 = arith.constant 9.99999971E-10 : f32
    %add3A_271 = vector.broadcast %add3A_270 : f32 to vector<256x256xf32>
    %add3A_272 = arith.addf %sub3A_269, %add3A_271 : vector<256x256xf32>
    %div3A_273 = arith.divf %mul3A_263, %add3A_272 : vector<256x256xf32>
    %gt3A_274 = arith.constant 0.699999988 : f32
    %gt3A_275 = vector.broadcast %gt3A_274 : f32 to vector<256x256xf32>
    %gt3A_276 = arith.cmpf ogt, %div3A_273, %gt3A_275 : vector<256x256xf32>
    %convert_element_type3A_277 = arith.extui %gt3A_276 : vector<256x256xi1> to vector<256x256xi32>
    %convert_element_type3A_278 = arith.sitofp %convert_element_type3A_277 : vector<256x256xi32> to vector<256x256xf32>
    %dot_general3A_279 = arith.constant dense<0.000000e+00> : vector<1x256xf32>
    %dot_general3A_280 = tpu.matmul %while3A_127#0, %convert_element_type3A_278, %dot_general3A_279 {dimension_numbers = #tpu.dot_dimension_numbers<[1], [0], [0], [1], [0, 0, 1, 1], [], []>, transpose_lhs_hint = false} : vector<1x256xf32>, vector<256x256xf32>, vector<1x256xf32> -> vector<1x256xf32>
    %add3A_281 = arith.addf %broadcast_in_dim3A_234, %dot_general3A_280 : vector<1x256xf32>
    %slice3A_282 = vector.extract_strided_slice %add3A_64 {offsets = [0, 1], sizes = [256, 1], strides = [1, 1]} : vector<256x8xf32> to vector<256x1xf32>
    %slice3A_283 = vector.extract_strided_slice %add3A_67 {offsets = [0, 1], sizes = [256, 1], strides = [1, 1]} : vector<256x8xf32> to vector<256x1xf32>
    %slice3A_284 = vector.extract_strided_slice %add3A_70 {offsets = [0, 1], sizes = [256, 1], strides = [1, 1]} : vector<256x8xf32> to vector<256x1xf32>
    %slice3A_285 = vector.extract_strided_slice %add3A_73 {offsets = [0, 1], sizes = [256, 1], strides = [1, 1]} : vector<256x8xf32> to vector<256x1xf32>
    %slice3A_286 = vector.extract_strided_slice %add3A_52 {offsets = [2, 0], sizes = [1, 256], strides = [1, 1]} : vector<8x256xf32> to vector<1x256xf32>
    %slice3A_287 = vector.extract_strided_slice %add3A_55 {offsets = [2, 0], sizes = [1, 256], strides = [1, 1]} : vector<8x256xf32> to vector<1x256xf32>
    %slice3A_288 = vector.extract_strided_slice %add3A_58 {offsets = [2, 0], sizes = [1, 256], strides = [1, 1]} : vector<8x256xf32> to vector<1x256xf32>
    %slice3A_289 = vector.extract_strided_slice %add3A_61 {offsets = [2, 0], sizes = [1, 256], strides = [1, 1]} : vector<8x256xf32> to vector<1x256xf32>
    %min3A_290 = vector.broadcast %slice3A_284 : vector<256x1xf32> to vector<256x256xf32>
    %min3A_291 = vector.broadcast %slice3A_288 : vector<1x256xf32> to vector<256x256xf32>
    %min3A_292 = arith.minimumf %min3A_290, %min3A_291 : vector<256x256xf32>
    %max3A_293 = vector.broadcast %slice3A_282 : vector<256x1xf32> to vector<256x256xf32>
    %max3A_294 = vector.broadcast %slice3A_286 : vector<1x256xf32> to vector<256x256xf32>
    %max3A_295 = arith.maximumf %max3A_293, %max3A_294 : vector<256x256xf32>
    %sub3A_296 = arith.subf %min3A_292, %max3A_295 : vector<256x256xf32>
    %jit3A_297 = arith.constant 0.000000e+00 : f32
    %max3A_298 = vector.broadcast %jit3A_297 : f32 to vector<256x256xf32>
    %max3A_299 = arith.maximumf %max3A_298, %sub3A_296 : vector<256x256xf32>
    %min3A_300 = vector.broadcast %slice3A_285 : vector<256x1xf32> to vector<256x256xf32>
    %min3A_301 = vector.broadcast %slice3A_289 : vector<1x256xf32> to vector<256x256xf32>
    %min3A_302 = arith.minimumf %min3A_300, %min3A_301 : vector<256x256xf32>
    %max3A_303 = vector.broadcast %slice3A_283 : vector<256x1xf32> to vector<256x256xf32>
    %max3A_304 = vector.broadcast %slice3A_287 : vector<1x256xf32> to vector<256x256xf32>
    %max3A_305 = arith.maximumf %max3A_303, %max3A_304 : vector<256x256xf32>
    %sub3A_306 = arith.subf %min3A_302, %max3A_305 : vector<256x256xf32>
    %jit3A_307 = arith.constant 0.000000e+00 : f32
    %max3A_308 = vector.broadcast %jit3A_307 : f32 to vector<256x256xf32>
    %max3A_309 = arith.maximumf %max3A_308, %sub3A_306 : vector<256x256xf32>
    %mul3A_310 = arith.mulf %max3A_299, %max3A_309 : vector<256x256xf32>
    %slice3A_311 = vector.extract_strided_slice %mul3A_78 {offsets = [0, 1], sizes = [256, 1], strides = [1, 1]} : vector<256x8xf32> to vector<256x1xf32>
    %slice3A_312 = vector.extract_strided_slice %mul3A_75 {offsets = [2, 0], sizes = [1, 256], strides = [1, 1]} : vector<8x256xf32> to vector<1x256xf32>
    %add3A_313 = vector.broadcast %slice3A_311 : vector<256x1xf32> to vector<256x256xf32>
    %add3A_314 = vector.broadcast %slice3A_312 : vector<1x256xf32> to vector<256x256xf32>
    %add3A_315 = arith.addf %add3A_313, %add3A_314 : vector<256x256xf32>
    %sub3A_316 = arith.subf %add3A_315, %mul3A_310 : vector<256x256xf32>
    %add3A_317 = arith.constant 9.99999971E-10 : f32
    %add3A_318 = vector.broadcast %add3A_317 : f32 to vector<256x256xf32>
    %add3A_319 = arith.addf %sub3A_316, %add3A_318 : vector<256x256xf32>
    %div3A_320 = arith.divf %mul3A_310, %add3A_319 : vector<256x256xf32>
    %gt3A_321 = arith.constant 0.699999988 : f32
    %gt3A_322 = vector.broadcast %gt3A_321 : f32 to vector<256x256xf32>
    %gt3A_323 = arith.cmpf ogt, %div3A_320, %gt3A_322 : vector<256x256xf32>
    %convert_element_type3A_324 = arith.extui %gt3A_323 : vector<256x256xi1> to vector<256x256xi32>
    %convert_element_type3A_325 = arith.sitofp %convert_element_type3A_324 : vector<256x256xi32> to vector<256x256xf32>
    %dot_general3A_326 = arith.constant dense<0.000000e+00> : vector<1x256xf32>
    %dot_general3A_327 = tpu.matmul %while3A_229#0, %convert_element_type3A_325, %dot_general3A_326 {dimension_numbers = #tpu.dot_dimension_numbers<[1], [0], [0], [1], [0, 0, 1, 1], [], []>, transpose_lhs_hint = false} : vector<1x256xf32>, vector<256x256xf32>, vector<1x256xf32> -> vector<1x256xf32>
    %add3A_328 = arith.addf %add3A_281, %dot_general3A_327 : vector<1x256xf32>
    %lt3A_329 = arith.constant 5.000000e-01 : f32
    %lt3A_330 = vector.broadcast %lt3A_329 : f32 to vector<1x256xf32>
    %lt3A_331 = arith.cmpf olt, %add3A_328, %lt3A_330 : vector<1x256xf32>
    %convert_element_type3A_332 = arith.extui %lt3A_331 : vector<1x256xi1> to vector<1x256xi32>
    %convert_element_type3A_333 = arith.sitofp %convert_element_type3A_332 : vector<1x256xi32> to vector<1x256xf32>
    %slice3A_334 = vector.extract_strided_slice %add3A_64 {offsets = [0, 2], sizes = [256, 1], strides = [1, 1]} : vector<256x8xf32> to vector<256x1xf32>
    %slice3A_335 = vector.extract_strided_slice %add3A_67 {offsets = [0, 2], sizes = [256, 1], strides = [1, 1]} : vector<256x8xf32> to vector<256x1xf32>
    %slice3A_336 = vector.extract_strided_slice %add3A_70 {offsets = [0, 2], sizes = [256, 1], strides = [1, 1]} : vector<256x8xf32> to vector<256x1xf32>
    %slice3A_337 = vector.extract_strided_slice %add3A_73 {offsets = [0, 2], sizes = [256, 1], strides = [1, 1]} : vector<256x8xf32> to vector<256x1xf32>
    %slice3A_338 = vector.extract_strided_slice %add3A_52 {offsets = [2, 0], sizes = [1, 256], strides = [1, 1]} : vector<8x256xf32> to vector<1x256xf32>
    %slice3A_339 = vector.extract_strided_slice %add3A_55 {offsets = [2, 0], sizes = [1, 256], strides = [1, 1]} : vector<8x256xf32> to vector<1x256xf32>
    %slice3A_340 = vector.extract_strided_slice %add3A_58 {offsets = [2, 0], sizes = [1, 256], strides = [1, 1]} : vector<8x256xf32> to vector<1x256xf32>
    %slice3A_341 = vector.extract_strided_slice %add3A_61 {offsets = [2, 0], sizes = [1, 256], strides = [1, 1]} : vector<8x256xf32> to vector<1x256xf32>
    %min3A_342 = vector.broadcast %slice3A_336 : vector<256x1xf32> to vector<256x256xf32>
    %min3A_343 = vector.broadcast %slice3A_340 : vector<1x256xf32> to vector<256x256xf32>
    %min3A_344 = arith.minimumf %min3A_342, %min3A_343 : vector<256x256xf32>
    %max3A_345 = vector.broadcast %slice3A_334 : vector<256x1xf32> to vector<256x256xf32>
    %max3A_346 = vector.broadcast %slice3A_338 : vector<1x256xf32> to vector<256x256xf32>
    %max3A_347 = arith.maximumf %max3A_345, %max3A_346 : vector<256x256xf32>
    %sub3A_348 = arith.subf %min3A_344, %max3A_347 : vector<256x256xf32>
    %jit3A_349 = arith.constant 0.000000e+00 : f32
    %max3A_350 = vector.broadcast %jit3A_349 : f32 to vector<256x256xf32>
    %max3A_351 = arith.maximumf %max3A_350, %sub3A_348 : vector<256x256xf32>
    %min3A_352 = vector.broadcast %slice3A_337 : vector<256x1xf32> to vector<256x256xf32>
    %min3A_353 = vector.broadcast %slice3A_341 : vector<1x256xf32> to vector<256x256xf32>
    %min3A_354 = arith.minimumf %min3A_352, %min3A_353 : vector<256x256xf32>
    %max3A_355 = vector.broadcast %slice3A_335 : vector<256x1xf32> to vector<256x256xf32>
    %max3A_356 = vector.broadcast %slice3A_339 : vector<1x256xf32> to vector<256x256xf32>
    %max3A_357 = arith.maximumf %max3A_355, %max3A_356 : vector<256x256xf32>
    %sub3A_358 = arith.subf %min3A_354, %max3A_357 : vector<256x256xf32>
    %jit3A_359 = arith.constant 0.000000e+00 : f32
    %max3A_360 = vector.broadcast %jit3A_359 : f32 to vector<256x256xf32>
    %max3A_361 = arith.maximumf %max3A_360, %sub3A_358 : vector<256x256xf32>
    %mul3A_362 = arith.mulf %max3A_351, %max3A_361 : vector<256x256xf32>
    %slice3A_363 = vector.extract_strided_slice %mul3A_78 {offsets = [0, 2], sizes = [256, 1], strides = [1, 1]} : vector<256x8xf32> to vector<256x1xf32>
    %slice3A_364 = vector.extract_strided_slice %mul3A_75 {offsets = [2, 0], sizes = [1, 256], strides = [1, 1]} : vector<8x256xf32> to vector<1x256xf32>
    %add3A_365 = vector.broadcast %slice3A_363 : vector<256x1xf32> to vector<256x256xf32>
    %add3A_366 = vector.broadcast %slice3A_364 : vector<1x256xf32> to vector<256x256xf32>
    %add3A_367 = arith.addf %add3A_365, %add3A_366 : vector<256x256xf32>
    %sub3A_368 = arith.subf %add3A_367, %mul3A_362 : vector<256x256xf32>
    %add3A_369 = arith.constant 9.99999971E-10 : f32
    %add3A_370 = vector.broadcast %add3A_369 : f32 to vector<256x256xf32>
    %add3A_371 = arith.addf %sub3A_368, %add3A_370 : vector<256x256xf32>
    %div3A_372 = arith.divf %mul3A_362, %add3A_371 : vector<256x256xf32>
    %gt3A_373 = arith.constant 0.699999988 : f32
    %gt3A_374 = vector.broadcast %gt3A_373 : f32 to vector<256x256xf32>
    %gt3A_375 = arith.cmpf ogt, %div3A_372, %gt3A_374 : vector<256x256xf32>
    %convert_element_type3A_376 = arith.extui %gt3A_375 : vector<256x256xi1> to vector<256x256xi32>
    %convert_element_type3A_377 = arith.sitofp %convert_element_type3A_376 : vector<256x256xi32> to vector<256x256xf32>
    %mul3A_378 = arith.mulf %convert_element_type3A_377, %convert_element_type3A_80 : vector<256x256xf32>
    %while3A_379 = arith.constant true
    %while3A_380:2 = scf.while (%while3A_1844 = %convert_element_type3A_333, %while3A_1845 = %while3A_379) : (vector<1x256xf32>, i1) -> (vector<1x256xf32>, i1) {
      scf.condition(%while3A_1845) %while3A_1844, %while3A_1845 : vector<1x256xf32>, i1
    } do {
    ^bb0(%while3A_1844: vector<1x256xf32>, %while3A_1845: i1):
      %dot_general3A_1846 = arith.constant dense<0.000000e+00> : vector<1x256xf32>
      %dot_general3A_1847 = tpu.matmul %while3A_1844, %mul3A_378, %dot_general3A_1846 {dimension_numbers = #tpu.dot_dimension_numbers<[1], [0], [0], [1], [0, 0, 1, 1], [], []>, transpose_lhs_hint = false} : vector<1x256xf32>, vector<256x256xf32>, vector<1x256xf32> -> vector<1x256xf32>
      %lt3A_1848 = arith.constant 5.000000e-01 : f32
      %lt3A_1849 = vector.broadcast %lt3A_1848 : f32 to vector<1x256xf32>
      %lt3A_1850 = arith.cmpf olt, %dot_general3A_1847, %lt3A_1849 : vector<1x256xf32>
      %convert_element_type3A_1851 = arith.extui %lt3A_1850 : vector<1x256xi1> to vector<1x256xi32>
      %convert_element_type3A_1852 = arith.sitofp %convert_element_type3A_1851 : vector<1x256xi32> to vector<1x256xf32>
      %mul3A_1853 = arith.mulf %convert_element_type3A_333, %convert_element_type3A_1852 : vector<1x256xf32>
      %ne3A = arith.cmpf one, %mul3A_1853, %while3A_1844 : vector<1x256xf32>
      %reduce_or3A = arith.constant 1.000000e+00 : f32
      %reduce_or3A_1854 = arith.constant 0.000000e+00 : f32
      %reduce_or3A_1855 = vector.broadcast %reduce_or3A : f32 to vector<1x256xf32>
      %reduce_or3A_1856 = vector.broadcast %reduce_or3A_1854 : f32 to vector<1x256xf32>
      %reduce_or3A_1857 = arith.select %ne3A, %reduce_or3A_1855, %reduce_or3A_1856 : vector<1x256xi1>, vector<1x256xf32>
      %reduce_or3A_1858 = vector.shape_cast %reduce_or3A_1857 : vector<1x256xf32> to vector<1x1x256xf32>
      %reduce_or3A_1859 = arith.constant dense<0xFF800000> : vector<1xf32>
      %reduce_or3A_1860 = vector.multi_reduction <maximumf>, %reduce_or3A_1858, %reduce_or3A_1859 [1, 2] : vector<1x1x256xf32> to vector<1xf32>
      %reduce_or3A_1861 = vector.shape_cast %reduce_or3A_1860 : vector<1xf32> to vector<1x1x1xf32>
      %reduce_or3A_1862 = vector.extract %reduce_or3A_1861[0, 0, 0] : f32 from vector<1x1x1xf32>
      %reduce_or3A_1863 = arith.constant 0.000000e+00 : f32
      %reduce_or3A_1864 = arith.cmpf ogt, %reduce_or3A_1862, %reduce_or3A_1863 : f32
      scf.yield %mul3A_1853, %reduce_or3A_1864 : vector<1x256xf32>, i1
    }
    %swap3A_381 = arith.constant 2 : index
    %swap3A_382 = arith.constant 0 : index
    %swap3A_383 = vector.load %arg2[%swap3A_381, %swap3A_382] : memref<8x256xf32, #tpu.memory_space<vmem>>, vector<1x256xf32>
    tpu.vector_store %arg2[%swap3A_381, %swap3A_382], %while3A_380#0 {strides = array<i32>} : memref<8x256xf32, #tpu.memory_space<vmem>>, vector<1x256xf32>,
    %broadcast_in_dim3A_384 = arith.constant 0.000000e+00 : f32
    %broadcast_in_dim3A_385 = vector.broadcast %broadcast_in_dim3A_384 : f32 to vector<1x256xf32>
    %slice3A_386 = vector.extract_strided_slice %add3A_64 {offsets = [0, 0], sizes = [256, 1], strides = [1, 1]} : vector<256x8xf32> to vector<256x1xf32>
    %slice3A_387 = vector.extract_strided_slice %add3A_67 {offsets = [0, 0], sizes = [256, 1], strides = [1, 1]} : vector<256x8xf32> to vector<256x1xf32>
    %slice3A_388 = vector.extract_strided_slice %add3A_70 {offsets = [0, 0], sizes = [256, 1], strides = [1, 1]} : vector<256x8xf32> to vector<256x1xf32>
    %slice3A_389 = vector.extract_strided_slice %add3A_73 {offsets = [0, 0], sizes = [256, 1], strides = [1, 1]} : vector<256x8xf32> to vector<256x1xf32>
    %slice3A_390 = vector.extract_strided_slice %add3A_52 {offsets = [3, 0], sizes = [1, 256], strides = [1, 1]} : vector<8x256xf32> to vector<1x256xf32>
    %slice3A_391 = vector.extract_strided_slice %add3A_55 {offsets = [3, 0], sizes = [1, 256], strides = [1, 1]} : vector<8x256xf32> to vector<1x256xf32>
    %slice3A_392 = vector.extract_strided_slice %add3A_58 {offsets = [3, 0], sizes = [1, 256], strides = [1, 1]} : vector<8x256xf32> to vector<1x256xf32>
    %slice3A_393 = vector.extract_strided_slice %add3A_61 {offsets = [3, 0], sizes = [1, 256], strides = [1, 1]} : vector<8x256xf32> to vector<1x256xf32>
    %min3A_394 = vector.broadcast %slice3A_388 : vector<256x1xf32> to vector<256x256xf32>
    %min3A_395 = vector.broadcast %slice3A_392 : vector<1x256xf32> to vector<256x256xf32>
    %min3A_396 = arith.minimumf %min3A_394, %min3A_395 : vector<256x256xf32>
    %max3A_397 = vector.broadcast %slice3A_386 : vector<256x1xf32> to vector<256x256xf32>
    %max3A_398 = vector.broadcast %slice3A_390 : vector<1x256xf32> to vector<256x256xf32>
    %max3A_399 = arith.maximumf %max3A_397, %max3A_398 : vector<256x256xf32>
    %sub3A_400 = arith.subf %min3A_396, %max3A_399 : vector<256x256xf32>
    %jit3A_401 = arith.constant 0.000000e+00 : f32
    %max3A_402 = vector.broadcast %jit3A_401 : f32 to vector<256x256xf32>
    %max3A_403 = arith.maximumf %max3A_402, %sub3A_400 : vector<256x256xf32>
    %min3A_404 = vector.broadcast %slice3A_389 : vector<256x1xf32> to vector<256x256xf32>
    %min3A_405 = vector.broadcast %slice3A_393 : vector<1x256xf32> to vector<256x256xf32>
    %min3A_406 = arith.minimumf %min3A_404, %min3A_405 : vector<256x256xf32>
    %max3A_407 = vector.broadcast %slice3A_387 : vector<256x1xf32> to vector<256x256xf32>
    %max3A_408 = vector.broadcast %slice3A_391 : vector<1x256xf32> to vector<256x256xf32>
    %max3A_409 = arith.maximumf %max3A_407, %max3A_408 : vector<256x256xf32>
    %sub3A_410 = arith.subf %min3A_406, %max3A_409 : vector<256x256xf32>
    %jit3A_411 = arith.constant 0.000000e+00 : f32
    %max3A_412 = vector.broadcast %jit3A_411 : f32 to vector<256x256xf32>
    %max3A_413 = arith.maximumf %max3A_412, %sub3A_410 : vector<256x256xf32>
    %mul3A_414 = arith.mulf %max3A_403, %max3A_413 : vector<256x256xf32>
    %slice3A_415 = vector.extract_strided_slice %mul3A_78 {offsets = [0, 0], sizes = [256, 1], strides = [1, 1]} : vector<256x8xf32> to vector<256x1xf32>
    %slice3A_416 = vector.extract_strided_slice %mul3A_75 {offsets = [3, 0], sizes = [1, 256], strides = [1, 1]} : vector<8x256xf32> to vector<1x256xf32>
    %add3A_417 = vector.broadcast %slice3A_415 : vector<256x1xf32> to vector<256x256xf32>
    %add3A_418 = vector.broadcast %slice3A_416 : vector<1x256xf32> to vector<256x256xf32>
    %add3A_419 = arith.addf %add3A_417, %add3A_418 : vector<256x256xf32>
    %sub3A_420 = arith.subf %add3A_419, %mul3A_414 : vector<256x256xf32>
    %add3A_421 = arith.constant 9.99999971E-10 : f32
    %add3A_422 = vector.broadcast %add3A_421 : f32 to vector<256x256xf32>
    %add3A_423 = arith.addf %sub3A_420, %add3A_422 : vector<256x256xf32>
    %div3A_424 = arith.divf %mul3A_414, %add3A_423 : vector<256x256xf32>
    %gt3A_425 = arith.constant 0.699999988 : f32
    %gt3A_426 = vector.broadcast %gt3A_425 : f32 to vector<256x256xf32>
    %gt3A_427 = arith.cmpf ogt, %div3A_424, %gt3A_426 : vector<256x256xf32>
    %convert_element_type3A_428 = arith.extui %gt3A_427 : vector<256x256xi1> to vector<256x256xi32>
    %convert_element_type3A_429 = arith.sitofp %convert_element_type3A_428 : vector<256x256xi32> to vector<256x256xf32>
    %dot_general3A_430 = arith.constant dense<0.000000e+00> : vector<1x256xf32>
    %dot_general3A_431 = tpu.matmul %while3A_127#0, %convert_element_type3A_429, %dot_general3A_430 {dimension_numbers = #tpu.dot_dimension_numbers<[1], [0], [0], [1], [0, 0, 1, 1], [], []>, transpose_lhs_hint = false} : vector<1x256xf32>, vector<256x256xf32>, vector<1x256xf32> -> vector<1x256xf32>
    %add3A_432 = arith.addf %broadcast_in_dim3A_385, %dot_general3A_431 : vector<1x256xf32>
    %slice3A_433 = vector.extract_strided_slice %add3A_64 {offsets = [0, 1], sizes = [256, 1], strides = [1, 1]} : vector<256x8xf32> to vector<256x1xf32>
    %slice3A_434 = vector.extract_strided_slice %add3A_67 {offsets = [0, 1], sizes = [256, 1], strides = [1, 1]} : vector<256x8xf32> to vector<256x1xf32>
    %slice3A_435 = vector.extract_strided_slice %add3A_70 {offsets = [0, 1], sizes = [256, 1], strides = [1, 1]} : vector<256x8xf32> to vector<256x1xf32>
    %slice3A_436 = vector.extract_strided_slice %add3A_73 {offsets = [0, 1], sizes = [256, 1], strides = [1, 1]} : vector<256x8xf32> to vector<256x1xf32>
    %slice3A_437 = vector.extract_strided_slice %add3A_52 {offsets = [3, 0], sizes = [1, 256], strides = [1, 1]} : vector<8x256xf32> to vector<1x256xf32>
    %slice3A_438 = vector.extract_strided_slice %add3A_55 {offsets = [3, 0], sizes = [1, 256], strides = [1, 1]} : vector<8x256xf32> to vector<1x256xf32>
    %slice3A_439 = vector.extract_strided_slice %add3A_58 {offsets = [3, 0], sizes = [1, 256], strides = [1, 1]} : vector<8x256xf32> to vector<1x256xf32>
    %slice3A_440 = vector.extract_strided_slice %add3A_61 {offsets = [3, 0], sizes = [1, 256], strides = [1, 1]} : vector<8x256xf32> to vector<1x256xf32>
    %min3A_441 = vector.broadcast %slice3A_435 : vector<256x1xf32> to vector<256x256xf32>
    %min3A_442 = vector.broadcast %slice3A_439 : vector<1x256xf32> to vector<256x256xf32>
    %min3A_443 = arith.minimumf %min3A_441, %min3A_442 : vector<256x256xf32>
    %max3A_444 = vector.broadcast %slice3A_433 : vector<256x1xf32> to vector<256x256xf32>
    %max3A_445 = vector.broadcast %slice3A_437 : vector<1x256xf32> to vector<256x256xf32>
    %max3A_446 = arith.maximumf %max3A_444, %max3A_445 : vector<256x256xf32>
    %sub3A_447 = arith.subf %min3A_443, %max3A_446 : vector<256x256xf32>
    %jit3A_448 = arith.constant 0.000000e+00 : f32
    %max3A_449 = vector.broadcast %jit3A_448 : f32 to vector<256x256xf32>
    %max3A_450 = arith.maximumf %max3A_449, %sub3A_447 : vector<256x256xf32>
    %min3A_451 = vector.broadcast %slice3A_436 : vector<256x1xf32> to vector<256x256xf32>
    %min3A_452 = vector.broadcast %slice3A_440 : vector<1x256xf32> to vector<256x256xf32>
    %min3A_453 = arith.minimumf %min3A_451, %min3A_452 : vector<256x256xf32>
    %max3A_454 = vector.broadcast %slice3A_434 : vector<256x1xf32> to vector<256x256xf32>
    %max3A_455 = vector.broadcast %slice3A_438 : vector<1x256xf32> to vector<256x256xf32>
    %max3A_456 = arith.maximumf %max3A_454, %max3A_455 : vector<256x256xf32>
    %sub3A_457 = arith.subf %min3A_453, %max3A_456 : vector<256x256xf32>
    %jit3A_458 = arith.constant 0.000000e+00 : f32
    %max3A_459 = vector.broadcast %jit3A_458 : f32 to vector<256x256xf32>
    %max3A_460 = arith.maximumf %max3A_459, %sub3A_457 : vector<256x256xf32>
    %mul3A_461 = arith.mulf %max3A_450, %max3A_460 : vector<256x256xf32>
    %slice3A_462 = vector.extract_strided_slice %mul3A_78 {offsets = [0, 1], sizes = [256, 1], strides = [1, 1]} : vector<256x8xf32> to vector<256x1xf32>
    %slice3A_463 = vector.extract_strided_slice %mul3A_75 {offsets = [3, 0], sizes = [1, 256], strides = [1, 1]} : vector<8x256xf32> to vector<1x256xf32>
    %add3A_464 = vector.broadcast %slice3A_462 : vector<256x1xf32> to vector<256x256xf32>
    %add3A_465 = vector.broadcast %slice3A_463 : vector<1x256xf32> to vector<256x256xf32>
    %add3A_466 = arith.addf %add3A_464, %add3A_465 : vector<256x256xf32>
    %sub3A_467 = arith.subf %add3A_466, %mul3A_461 : vector<256x256xf32>
    %add3A_468 = arith.constant 9.99999971E-10 : f32
    %add3A_469 = vector.broadcast %add3A_468 : f32 to vector<256x256xf32>
    %add3A_470 = arith.addf %sub3A_467, %add3A_469 : vector<256x256xf32>
    %div3A_471 = arith.divf %mul3A_461, %add3A_470 : vector<256x256xf32>
    %gt3A_472 = arith.constant 0.699999988 : f32
    %gt3A_473 = vector.broadcast %gt3A_472 : f32 to vector<256x256xf32>
    %gt3A_474 = arith.cmpf ogt, %div3A_471, %gt3A_473 : vector<256x256xf32>
    %convert_element_type3A_475 = arith.extui %gt3A_474 : vector<256x256xi1> to vector<256x256xi32>
    %convert_element_type3A_476 = arith.sitofp %convert_element_type3A_475 : vector<256x256xi32> to vector<256x256xf32>
    %dot_general3A_477 = arith.constant dense<0.000000e+00> : vector<1x256xf32>
    %dot_general3A_478 = tpu.matmul %while3A_229#0, %convert_element_type3A_476, %dot_general3A_477 {dimension_numbers = #tpu.dot_dimension_numbers<[1], [0], [0], [1], [0, 0, 1, 1], [], []>, transpose_lhs_hint = false} : vector<1x256xf32>, vector<256x256xf32>, vector<1x256xf32> -> vector<1x256xf32>
    %add3A_479 = arith.addf %add3A_432, %dot_general3A_478 : vector<1x256xf32>
    %slice3A_480 = vector.extract_strided_slice %add3A_64 {offsets = [0, 2], sizes = [256, 1], strides = [1, 1]} : vector<256x8xf32> to vector<256x1xf32>
    %slice3A_481 = vector.extract_strided_slice %add3A_67 {offsets = [0, 2], sizes = [256, 1], strides = [1, 1]} : vector<256x8xf32> to vector<256x1xf32>
    %slice3A_482 = vector.extract_strided_slice %add3A_70 {offsets = [0, 2], sizes = [256, 1], strides = [1, 1]} : vector<256x8xf32> to vector<256x1xf32>
    %slice3A_483 = vector.extract_strided_slice %add3A_73 {offsets = [0, 2], sizes = [256, 1], strides = [1, 1]} : vector<256x8xf32> to vector<256x1xf32>
    %slice3A_484 = vector.extract_strided_slice %add3A_52 {offsets = [3, 0], sizes = [1, 256], strides = [1, 1]} : vector<8x256xf32> to vector<1x256xf32>
    %slice3A_485 = vector.extract_strided_slice %add3A_55 {offsets = [3, 0], sizes = [1, 256], strides = [1, 1]} : vector<8x256xf32> to vector<1x256xf32>
    %slice3A_486 = vector.extract_strided_slice %add3A_58 {offsets = [3, 0], sizes = [1, 256], strides = [1, 1]} : vector<8x256xf32> to vector<1x256xf32>
    %slice3A_487 = vector.extract_strided_slice %add3A_61 {offsets = [3, 0], sizes = [1, 256], strides = [1, 1]} : vector<8x256xf32> to vector<1x256xf32>
    %min3A_488 = vector.broadcast %slice3A_482 : vector<256x1xf32> to vector<256x256xf32>
    %min3A_489 = vector.broadcast %slice3A_486 : vector<1x256xf32> to vector<256x256xf32>
    %min3A_490 = arith.minimumf %min3A_488, %min3A_489 : vector<256x256xf32>
    %max3A_491 = vector.broadcast %slice3A_480 : vector<256x1xf32> to vector<256x256xf32>
    %max3A_492 = vector.broadcast %slice3A_484 : vector<1x256xf32> to vector<256x256xf32>
    %max3A_493 = arith.maximumf %max3A_491, %max3A_492 : vector<256x256xf32>
    %sub3A_494 = arith.subf %min3A_490, %max3A_493 : vector<256x256xf32>
    %jit3A_495 = arith.constant 0.000000e+00 : f32
    %max3A_496 = vector.broadcast %jit3A_495 : f32 to vector<256x256xf32>
    %max3A_497 = arith.maximumf %max3A_496, %sub3A_494 : vector<256x256xf32>
    %min3A_498 = vector.broadcast %slice3A_483 : vector<256x1xf32> to vector<256x256xf32>
    %min3A_499 = vector.broadcast %slice3A_487 : vector<1x256xf32> to vector<256x256xf32>
    %min3A_500 = arith.minimumf %min3A_498, %min3A_499 : vector<256x256xf32>
    %max3A_501 = vector.broadcast %slice3A_481 : vector<256x1xf32> to vector<256x256xf32>
    %max3A_502 = vector.broadcast %slice3A_485 : vector<1x256xf32> to vector<256x256xf32>
    %max3A_503 = arith.maximumf %max3A_501, %max3A_502 : vector<256x256xf32>
    %sub3A_504 = arith.subf %min3A_500, %max3A_503 : vector<256x256xf32>
    %jit3A_505 = arith.constant 0.000000e+00 : f32
    %max3A_506 = vector.broadcast %jit3A_505 : f32 to vector<256x256xf32>
    %max3A_507 = arith.maximumf %max3A_506, %sub3A_504 : vector<256x256xf32>
    %mul3A_508 = arith.mulf %max3A_497, %max3A_507 : vector<256x256xf32>
    %slice3A_509 = vector.extract_strided_slice %mul3A_78 {offsets = [0, 2], sizes = [256, 1], strides = [1, 1]} : vector<256x8xf32> to vector<256x1xf32>
    %slice3A_510 = vector.extract_strided_slice %mul3A_75 {offsets = [3, 0], sizes = [1, 256], strides = [1, 1]} : vector<8x256xf32> to vector<1x256xf32>
    %add3A_511 = vector.broadcast %slice3A_509 : vector<256x1xf32> to vector<256x256xf32>
    %add3A_512 = vector.broadcast %slice3A_510 : vector<1x256xf32> to vector<256x256xf32>
    %add3A_513 = arith.addf %add3A_511, %add3A_512 : vector<256x256xf32>
    %sub3A_514 = arith.subf %add3A_513, %mul3A_508 : vector<256x256xf32>
    %add3A_515 = arith.constant 9.99999971E-10 : f32
    %add3A_516 = vector.broadcast %add3A_515 : f32 to vector<256x256xf32>
    %add3A_517 = arith.addf %sub3A_514, %add3A_516 : vector<256x256xf32>
    %div3A_518 = arith.divf %mul3A_508, %add3A_517 : vector<256x256xf32>
    %gt3A_519 = arith.constant 0.699999988 : f32
    %gt3A_520 = vector.broadcast %gt3A_519 : f32 to vector<256x256xf32>
    %gt3A_521 = arith.cmpf ogt, %div3A_518, %gt3A_520 : vector<256x256xf32>
    %convert_element_type3A_522 = arith.extui %gt3A_521 : vector<256x256xi1> to vector<256x256xi32>
    %convert_element_type3A_523 = arith.sitofp %convert_element_type3A_522 : vector<256x256xi32> to vector<256x256xf32>
    %dot_general3A_524 = arith.constant dense<0.000000e+00> : vector<1x256xf32>
    %dot_general3A_525 = tpu.matmul %while3A_380#0, %convert_element_type3A_523, %dot_general3A_524 {dimension_numbers = #tpu.dot_dimension_numbers<[1], [0], [0], [1], [0, 0, 1, 1], [], []>, transpose_lhs_hint = false} : vector<1x256xf32>, vector<256x256xf32>, vector<1x256xf32> -> vector<1x256xf32>
    %add3A_526 = arith.addf %add3A_479, %dot_general3A_525 : vector<1x256xf32>
    %lt3A_527 = arith.constant 5.000000e-01 : f32
    %lt3A_528 = vector.broadcast %lt3A_527 : f32 to vector<1x256xf32>
    %lt3A_529 = arith.cmpf olt, %add3A_526, %lt3A_528 : vector<1x256xf32>
    %convert_element_type3A_530 = arith.extui %lt3A_529 : vector<1x256xi1> to vector<1x256xi32>
    %convert_element_type3A_531 = arith.sitofp %convert_element_type3A_530 : vector<1x256xi32> to vector<1x256xf32>
    %slice3A_532 = vector.extract_strided_slice %add3A_64 {offsets = [0, 3], sizes = [256, 1], strides = [1, 1]} : vector<256x8xf32> to vector<256x1xf32>
    %slice3A_533 = vector.extract_strided_slice %add3A_67 {offsets = [0, 3], sizes = [256, 1], strides = [1, 1]} : vector<256x8xf32> to vector<256x1xf32>
    %slice3A_534 = vector.extract_strided_slice %add3A_70 {offsets = [0, 3], sizes = [256, 1], strides = [1, 1]} : vector<256x8xf32> to vector<256x1xf32>
    %slice3A_535 = vector.extract_strided_slice %add3A_73 {offsets = [0, 3], sizes = [256, 1], strides = [1, 1]} : vector<256x8xf32> to vector<256x1xf32>
    %slice3A_536 = vector.extract_strided_slice %add3A_52 {offsets = [3, 0], sizes = [1, 256], strides = [1, 1]} : vector<8x256xf32> to vector<1x256xf32>
    %slice3A_537 = vector.extract_strided_slice %add3A_55 {offsets = [3, 0], sizes = [1, 256], strides = [1, 1]} : vector<8x256xf32> to vector<1x256xf32>
    %slice3A_538 = vector.extract_strided_slice %add3A_58 {offsets = [3, 0], sizes = [1, 256], strides = [1, 1]} : vector<8x256xf32> to vector<1x256xf32>
    %slice3A_539 = vector.extract_strided_slice %add3A_61 {offsets = [3, 0], sizes = [1, 256], strides = [1, 1]} : vector<8x256xf32> to vector<1x256xf32>
    %min3A_540 = vector.broadcast %slice3A_534 : vector<256x1xf32> to vector<256x256xf32>
    %min3A_541 = vector.broadcast %slice3A_538 : vector<1x256xf32> to vector<256x256xf32>
    %min3A_542 = arith.minimumf %min3A_540, %min3A_541 : vector<256x256xf32>
    %max3A_543 = vector.broadcast %slice3A_532 : vector<256x1xf32> to vector<256x256xf32>
    %max3A_544 = vector.broadcast %slice3A_536 : vector<1x256xf32> to vector<256x256xf32>
    %max3A_545 = arith.maximumf %max3A_543, %max3A_544 : vector<256x256xf32>
    %sub3A_546 = arith.subf %min3A_542, %max3A_545 : vector<256x256xf32>
    %jit3A_547 = arith.constant 0.000000e+00 : f32
    %max3A_548 = vector.broadcast %jit3A_547 : f32 to vector<256x256xf32>
    %max3A_549 = arith.maximumf %max3A_548, %sub3A_546 : vector<256x256xf32>
    %min3A_550 = vector.broadcast %slice3A_535 : vector<256x1xf32> to vector<256x256xf32>
    %min3A_551 = vector.broadcast %slice3A_539 : vector<1x256xf32> to vector<256x256xf32>
    %min3A_552 = arith.minimumf %min3A_550, %min3A_551 : vector<256x256xf32>
    %max3A_553 = vector.broadcast %slice3A_533 : vector<256x1xf32> to vector<256x256xf32>
    %max3A_554 = vector.broadcast %slice3A_537 : vector<1x256xf32> to vector<256x256xf32>
    %max3A_555 = arith.maximumf %max3A_553, %max3A_554 : vector<256x256xf32>
    %sub3A_556 = arith.subf %min3A_552, %max3A_555 : vector<256x256xf32>
    %jit3A_557 = arith.constant 0.000000e+00 : f32
    %max3A_558 = vector.broadcast %jit3A_557 : f32 to vector<256x256xf32>
    %max3A_559 = arith.maximumf %max3A_558, %sub3A_556 : vector<256x256xf32>
    %mul3A_560 = arith.mulf %max3A_549, %max3A_559 : vector<256x256xf32>
    %slice3A_561 = vector.extract_strided_slice %mul3A_78 {offsets = [0, 3], sizes = [256, 1], strides = [1, 1]} : vector<256x8xf32> to vector<256x1xf32>
    %slice3A_562 = vector.extract_strided_slice %mul3A_75 {offsets = [3, 0], sizes = [1, 256], strides = [1, 1]} : vector<8x256xf32> to vector<1x256xf32>
    %add3A_563 = vector.broadcast %slice3A_561 : vector<256x1xf32> to vector<256x256xf32>
    %add3A_564 = vector.broadcast %slice3A_562 : vector<1x256xf32> to vector<256x256xf32>
    %add3A_565 = arith.addf %add3A_563, %add3A_564 : vector<256x256xf32>
    %sub3A_566 = arith.subf %add3A_565, %mul3A_560 : vector<256x256xf32>
    %add3A_567 = arith.constant 9.99999971E-10 : f32
    %add3A_568 = vector.broadcast %add3A_567 : f32 to vector<256x256xf32>
    %add3A_569 = arith.addf %sub3A_566, %add3A_568 : vector<256x256xf32>
    %div3A_570 = arith.divf %mul3A_560, %add3A_569 : vector<256x256xf32>
    %gt3A_571 = arith.constant 0.699999988 : f32
    %gt3A_572 = vector.broadcast %gt3A_571 : f32 to vector<256x256xf32>
    %gt3A_573 = arith.cmpf ogt, %div3A_570, %gt3A_572 : vector<256x256xf32>
    %convert_element_type3A_574 = arith.extui %gt3A_573 : vector<256x256xi1> to vector<256x256xi32>
    %convert_element_type3A_575 = arith.sitofp %convert_element_type3A_574 : vector<256x256xi32> to vector<256x256xf32>
    %mul3A_576 = arith.mulf %convert_element_type3A_575, %convert_element_type3A_80 : vector<256x256xf32>
    %while3A_577 = arith.constant true
    %while3A_578:2 = scf.while (%while3A_1844 = %convert_element_type3A_531, %while3A_1845 = %while3A_577) : (vector<1x256xf32>, i1) -> (vector<1x256xf32>, i1) {
      scf.condition(%while3A_1845) %while3A_1844, %while3A_1845 : vector<1x256xf32>, i1
    } do {
    ^bb0(%while3A_1844: vector<1x256xf32>, %while3A_1845: i1):
      %dot_general3A_1846 = arith.constant dense<0.000000e+00> : vector<1x256xf32>
      %dot_general3A_1847 = tpu.matmul %while3A_1844, %mul3A_576, %dot_general3A_1846 {dimension_numbers = #tpu.dot_dimension_numbers<[1], [0], [0], [1], [0, 0, 1, 1], [], []>, transpose_lhs_hint = false} : vector<1x256xf32>, vector<256x256xf32>, vector<1x256xf32> -> vector<1x256xf32>
      %lt3A_1848 = arith.constant 5.000000e-01 : f32
      %lt3A_1849 = vector.broadcast %lt3A_1848 : f32 to vector<1x256xf32>
      %lt3A_1850 = arith.cmpf olt, %dot_general3A_1847, %lt3A_1849 : vector<1x256xf32>
      %convert_element_type3A_1851 = arith.extui %lt3A_1850 : vector<1x256xi1> to vector<1x256xi32>
      %convert_element_type3A_1852 = arith.sitofp %convert_element_type3A_1851 : vector<1x256xi32> to vector<1x256xf32>
      %mul3A_1853 = arith.mulf %convert_element_type3A_531, %convert_element_type3A_1852 : vector<1x256xf32>
      %ne3A = arith.cmpf one, %mul3A_1853, %while3A_1844 : vector<1x256xf32>
      %reduce_or3A = arith.constant 1.000000e+00 : f32
      %reduce_or3A_1854 = arith.constant 0.000000e+00 : f32
      %reduce_or3A_1855 = vector.broadcast %reduce_or3A : f32 to vector<1x256xf32>
      %reduce_or3A_1856 = vector.broadcast %reduce_or3A_1854 : f32 to vector<1x256xf32>
      %reduce_or3A_1857 = arith.select %ne3A, %reduce_or3A_1855, %reduce_or3A_1856 : vector<1x256xi1>, vector<1x256xf32>
      %reduce_or3A_1858 = vector.shape_cast %reduce_or3A_1857 : vector<1x256xf32> to vector<1x1x256xf32>
      %reduce_or3A_1859 = arith.constant dense<0xFF800000> : vector<1xf32>
      %reduce_or3A_1860 = vector.multi_reduction <maximumf>, %reduce_or3A_1858, %reduce_or3A_1859 [1, 2] : vector<1x1x256xf32> to vector<1xf32>
      %reduce_or3A_1861 = vector.shape_cast %reduce_or3A_1860 : vector<1xf32> to vector<1x1x1xf32>
      %reduce_or3A_1862 = vector.extract %reduce_or3A_1861[0, 0, 0] : f32 from vector<1x1x1xf32>
      %reduce_or3A_1863 = arith.constant 0.000000e+00 : f32
      %reduce_or3A_1864 = arith.cmpf ogt, %reduce_or3A_1862, %reduce_or3A_1863 : f32
      scf.yield %mul3A_1853, %reduce_or3A_1864 : vector<1x256xf32>, i1
    }
    %swap3A_579 = arith.constant 3 : index
    %swap3A_580 = arith.constant 0 : index
    %swap3A_581 = vector.load %arg2[%swap3A_579, %swap3A_580] : memref<8x256xf32, #tpu.memory_space<vmem>>, vector<1x256xf32>
    tpu.vector_store %arg2[%swap3A_579, %swap3A_580], %while3A_578#0 {strides = array<i32>} : memref<8x256xf32, #tpu.memory_space<vmem>>, vector<1x256xf32>,
    %broadcast_in_dim3A_582 = arith.constant 0.000000e+00 : f32
    %broadcast_in_dim3A_583 = vector.broadcast %broadcast_in_dim3A_582 : f32 to vector<1x256xf32>
    %slice3A_584 = vector.extract_strided_slice %add3A_64 {offsets = [0, 0], sizes = [256, 1], strides = [1, 1]} : vector<256x8xf32> to vector<256x1xf32>
    %slice3A_585 = vector.extract_strided_slice %add3A_67 {offsets = [0, 0], sizes = [256, 1], strides = [1, 1]} : vector<256x8xf32> to vector<256x1xf32>
    %slice3A_586 = vector.extract_strided_slice %add3A_70 {offsets = [0, 0], sizes = [256, 1], strides = [1, 1]} : vector<256x8xf32> to vector<256x1xf32>
    %slice3A_587 = vector.extract_strided_slice %add3A_73 {offsets = [0, 0], sizes = [256, 1], strides = [1, 1]} : vector<256x8xf32> to vector<256x1xf32>
    %slice3A_588 = vector.extract_strided_slice %add3A_52 {offsets = [4, 0], sizes = [1, 256], strides = [1, 1]} : vector<8x256xf32> to vector<1x256xf32>
    %slice3A_589 = vector.extract_strided_slice %add3A_55 {offsets = [4, 0], sizes = [1, 256], strides = [1, 1]} : vector<8x256xf32> to vector<1x256xf32>
    %slice3A_590 = vector.extract_strided_slice %add3A_58 {offsets = [4, 0], sizes = [1, 256], strides = [1, 1]} : vector<8x256xf32> to vector<1x256xf32>
    %slice3A_591 = vector.extract_strided_slice %add3A_61 {offsets = [4, 0], sizes = [1, 256], strides = [1, 1]} : vector<8x256xf32> to vector<1x256xf32>
    %min3A_592 = vector.broadcast %slice3A_586 : vector<256x1xf32> to vector<256x256xf32>
    %min3A_593 = vector.broadcast %slice3A_590 : vector<1x256xf32> to vector<256x256xf32>
    %min3A_594 = arith.minimumf %min3A_592, %min3A_593 : vector<256x256xf32>
    %max3A_595 = vector.broadcast %slice3A_584 : vector<256x1xf32> to vector<256x256xf32>
    %max3A_596 = vector.broadcast %slice3A_588 : vector<1x256xf32> to vector<256x256xf32>
    %max3A_597 = arith.maximumf %max3A_595, %max3A_596 : vector<256x256xf32>
    %sub3A_598 = arith.subf %min3A_594, %max3A_597 : vector<256x256xf32>
    %jit3A_599 = arith.constant 0.000000e+00 : f32
    %max3A_600 = vector.broadcast %jit3A_599 : f32 to vector<256x256xf32>
    %max3A_601 = arith.maximumf %max3A_600, %sub3A_598 : vector<256x256xf32>
    %min3A_602 = vector.broadcast %slice3A_587 : vector<256x1xf32> to vector<256x256xf32>
    %min3A_603 = vector.broadcast %slice3A_591 : vector<1x256xf32> to vector<256x256xf32>
    %min3A_604 = arith.minimumf %min3A_602, %min3A_603 : vector<256x256xf32>
    %max3A_605 = vector.broadcast %slice3A_585 : vector<256x1xf32> to vector<256x256xf32>
    %max3A_606 = vector.broadcast %slice3A_589 : vector<1x256xf32> to vector<256x256xf32>
    %max3A_607 = arith.maximumf %max3A_605, %max3A_606 : vector<256x256xf32>
    %sub3A_608 = arith.subf %min3A_604, %max3A_607 : vector<256x256xf32>
    %jit3A_609 = arith.constant 0.000000e+00 : f32
    %max3A_610 = vector.broadcast %jit3A_609 : f32 to vector<256x256xf32>
    %max3A_611 = arith.maximumf %max3A_610, %sub3A_608 : vector<256x256xf32>
    %mul3A_612 = arith.mulf %max3A_601, %max3A_611 : vector<256x256xf32>
    %slice3A_613 = vector.extract_strided_slice %mul3A_78 {offsets = [0, 0], sizes = [256, 1], strides = [1, 1]} : vector<256x8xf32> to vector<256x1xf32>
    %slice3A_614 = vector.extract_strided_slice %mul3A_75 {offsets = [4, 0], sizes = [1, 256], strides = [1, 1]} : vector<8x256xf32> to vector<1x256xf32>
    %add3A_615 = vector.broadcast %slice3A_613 : vector<256x1xf32> to vector<256x256xf32>
    %add3A_616 = vector.broadcast %slice3A_614 : vector<1x256xf32> to vector<256x256xf32>
    %add3A_617 = arith.addf %add3A_615, %add3A_616 : vector<256x256xf32>
    %sub3A_618 = arith.subf %add3A_617, %mul3A_612 : vector<256x256xf32>
    %add3A_619 = arith.constant 9.99999971E-10 : f32
    %add3A_620 = vector.broadcast %add3A_619 : f32 to vector<256x256xf32>
    %add3A_621 = arith.addf %sub3A_618, %add3A_620 : vector<256x256xf32>
    %div3A_622 = arith.divf %mul3A_612, %add3A_621 : vector<256x256xf32>
    %gt3A_623 = arith.constant 0.699999988 : f32
    %gt3A_624 = vector.broadcast %gt3A_623 : f32 to vector<256x256xf32>
    %gt3A_625 = arith.cmpf ogt, %div3A_622, %gt3A_624 : vector<256x256xf32>
    %convert_element_type3A_626 = arith.extui %gt3A_625 : vector<256x256xi1> to vector<256x256xi32>
    %convert_element_type3A_627 = arith.sitofp %convert_element_type3A_626 : vector<256x256xi32> to vector<256x256xf32>
    %dot_general3A_628 = arith.constant dense<0.000000e+00> : vector<1x256xf32>
    %dot_general3A_629 = tpu.matmul %while3A_127#0, %convert_element_type3A_627, %dot_general3A_628 {dimension_numbers = #tpu.dot_dimension_numbers<[1], [0], [0], [1], [0, 0, 1, 1], [], []>, transpose_lhs_hint = false} : vector<1x256xf32>, vector<256x256xf32>, vector<1x256xf32> -> vector<1x256xf32>
    %add3A_630 = arith.addf %broadcast_in_dim3A_583, %dot_general3A_629 : vector<1x256xf32>
    %slice3A_631 = vector.extract_strided_slice %add3A_64 {offsets = [0, 1], sizes = [256, 1], strides = [1, 1]} : vector<256x8xf32> to vector<256x1xf32>
    %slice3A_632 = vector.extract_strided_slice %add3A_67 {offsets = [0, 1], sizes = [256, 1], strides = [1, 1]} : vector<256x8xf32> to vector<256x1xf32>
    %slice3A_633 = vector.extract_strided_slice %add3A_70 {offsets = [0, 1], sizes = [256, 1], strides = [1, 1]} : vector<256x8xf32> to vector<256x1xf32>
    %slice3A_634 = vector.extract_strided_slice %add3A_73 {offsets = [0, 1], sizes = [256, 1], strides = [1, 1]} : vector<256x8xf32> to vector<256x1xf32>
    %slice3A_635 = vector.extract_strided_slice %add3A_52 {offsets = [4, 0], sizes = [1, 256], strides = [1, 1]} : vector<8x256xf32> to vector<1x256xf32>
    %slice3A_636 = vector.extract_strided_slice %add3A_55 {offsets = [4, 0], sizes = [1, 256], strides = [1, 1]} : vector<8x256xf32> to vector<1x256xf32>
    %slice3A_637 = vector.extract_strided_slice %add3A_58 {offsets = [4, 0], sizes = [1, 256], strides = [1, 1]} : vector<8x256xf32> to vector<1x256xf32>
    %slice3A_638 = vector.extract_strided_slice %add3A_61 {offsets = [4, 0], sizes = [1, 256], strides = [1, 1]} : vector<8x256xf32> to vector<1x256xf32>
    %min3A_639 = vector.broadcast %slice3A_633 : vector<256x1xf32> to vector<256x256xf32>
    %min3A_640 = vector.broadcast %slice3A_637 : vector<1x256xf32> to vector<256x256xf32>
    %min3A_641 = arith.minimumf %min3A_639, %min3A_640 : vector<256x256xf32>
    %max3A_642 = vector.broadcast %slice3A_631 : vector<256x1xf32> to vector<256x256xf32>
    %max3A_643 = vector.broadcast %slice3A_635 : vector<1x256xf32> to vector<256x256xf32>
    %max3A_644 = arith.maximumf %max3A_642, %max3A_643 : vector<256x256xf32>
    %sub3A_645 = arith.subf %min3A_641, %max3A_644 : vector<256x256xf32>
    %jit3A_646 = arith.constant 0.000000e+00 : f32
    %max3A_647 = vector.broadcast %jit3A_646 : f32 to vector<256x256xf32>
    %max3A_648 = arith.maximumf %max3A_647, %sub3A_645 : vector<256x256xf32>
    %min3A_649 = vector.broadcast %slice3A_634 : vector<256x1xf32> to vector<256x256xf32>
    %min3A_650 = vector.broadcast %slice3A_638 : vector<1x256xf32> to vector<256x256xf32>
    %min3A_651 = arith.minimumf %min3A_649, %min3A_650 : vector<256x256xf32>
    %max3A_652 = vector.broadcast %slice3A_632 : vector<256x1xf32> to vector<256x256xf32>
    %max3A_653 = vector.broadcast %slice3A_636 : vector<1x256xf32> to vector<256x256xf32>
    %max3A_654 = arith.maximumf %max3A_652, %max3A_653 : vector<256x256xf32>
    %sub3A_655 = arith.subf %min3A_651, %max3A_654 : vector<256x256xf32>
    %jit3A_656 = arith.constant 0.000000e+00 : f32
    %max3A_657 = vector.broadcast %jit3A_656 : f32 to vector<256x256xf32>
    %max3A_658 = arith.maximumf %max3A_657, %sub3A_655 : vector<256x256xf32>
    %mul3A_659 = arith.mulf %max3A_648, %max3A_658 : vector<256x256xf32>
    %slice3A_660 = vector.extract_strided_slice %mul3A_78 {offsets = [0, 1], sizes = [256, 1], strides = [1, 1]} : vector<256x8xf32> to vector<256x1xf32>
    %slice3A_661 = vector.extract_strided_slice %mul3A_75 {offsets = [4, 0], sizes = [1, 256], strides = [1, 1]} : vector<8x256xf32> to vector<1x256xf32>
    %add3A_662 = vector.broadcast %slice3A_660 : vector<256x1xf32> to vector<256x256xf32>
    %add3A_663 = vector.broadcast %slice3A_661 : vector<1x256xf32> to vector<256x256xf32>
    %add3A_664 = arith.addf %add3A_662, %add3A_663 : vector<256x256xf32>
    %sub3A_665 = arith.subf %add3A_664, %mul3A_659 : vector<256x256xf32>
    %add3A_666 = arith.constant 9.99999971E-10 : f32
    %add3A_667 = vector.broadcast %add3A_666 : f32 to vector<256x256xf32>
    %add3A_668 = arith.addf %sub3A_665, %add3A_667 : vector<256x256xf32>
    %div3A_669 = arith.divf %mul3A_659, %add3A_668 : vector<256x256xf32>
    %gt3A_670 = arith.constant 0.699999988 : f32
    %gt3A_671 = vector.broadcast %gt3A_670 : f32 to vector<256x256xf32>
    %gt3A_672 = arith.cmpf ogt, %div3A_669, %gt3A_671 : vector<256x256xf32>
    %convert_element_type3A_673 = arith.extui %gt3A_672 : vector<256x256xi1> to vector<256x256xi32>
    %convert_element_type3A_674 = arith.sitofp %convert_element_type3A_673 : vector<256x256xi32> to vector<256x256xf32>
    %dot_general3A_675 = arith.constant dense<0.000000e+00> : vector<1x256xf32>
    %dot_general3A_676 = tpu.matmul %while3A_229#0, %convert_element_type3A_674, %dot_general3A_675 {dimension_numbers = #tpu.dot_dimension_numbers<[1], [0], [0], [1], [0, 0, 1, 1], [], []>, transpose_lhs_hint = false} : vector<1x256xf32>, vector<256x256xf32>, vector<1x256xf32> -> vector<1x256xf32>
    %add3A_677 = arith.addf %add3A_630, %dot_general3A_676 : vector<1x256xf32>
    %slice3A_678 = vector.extract_strided_slice %add3A_64 {offsets = [0, 2], sizes = [256, 1], strides = [1, 1]} : vector<256x8xf32> to vector<256x1xf32>
    %slice3A_679 = vector.extract_strided_slice %add3A_67 {offsets = [0, 2], sizes = [256, 1], strides = [1, 1]} : vector<256x8xf32> to vector<256x1xf32>
    %slice3A_680 = vector.extract_strided_slice %add3A_70 {offsets = [0, 2], sizes = [256, 1], strides = [1, 1]} : vector<256x8xf32> to vector<256x1xf32>
    %slice3A_681 = vector.extract_strided_slice %add3A_73 {offsets = [0, 2], sizes = [256, 1], strides = [1, 1]} : vector<256x8xf32> to vector<256x1xf32>
    %slice3A_682 = vector.extract_strided_slice %add3A_52 {offsets = [4, 0], sizes = [1, 256], strides = [1, 1]} : vector<8x256xf32> to vector<1x256xf32>
    %slice3A_683 = vector.extract_strided_slice %add3A_55 {offsets = [4, 0], sizes = [1, 256], strides = [1, 1]} : vector<8x256xf32> to vector<1x256xf32>
    %slice3A_684 = vector.extract_strided_slice %add3A_58 {offsets = [4, 0], sizes = [1, 256], strides = [1, 1]} : vector<8x256xf32> to vector<1x256xf32>
    %slice3A_685 = vector.extract_strided_slice %add3A_61 {offsets = [4, 0], sizes = [1, 256], strides = [1, 1]} : vector<8x256xf32> to vector<1x256xf32>
    %min3A_686 = vector.broadcast %slice3A_680 : vector<256x1xf32> to vector<256x256xf32>
    %min3A_687 = vector.broadcast %slice3A_684 : vector<1x256xf32> to vector<256x256xf32>
    %min3A_688 = arith.minimumf %min3A_686, %min3A_687 : vector<256x256xf32>
    %max3A_689 = vector.broadcast %slice3A_678 : vector<256x1xf32> to vector<256x256xf32>
    %max3A_690 = vector.broadcast %slice3A_682 : vector<1x256xf32> to vector<256x256xf32>
    %max3A_691 = arith.maximumf %max3A_689, %max3A_690 : vector<256x256xf32>
    %sub3A_692 = arith.subf %min3A_688, %max3A_691 : vector<256x256xf32>
    %jit3A_693 = arith.constant 0.000000e+00 : f32
    %max3A_694 = vector.broadcast %jit3A_693 : f32 to vector<256x256xf32>
    %max3A_695 = arith.maximumf %max3A_694, %sub3A_692 : vector<256x256xf32>
    %min3A_696 = vector.broadcast %slice3A_681 : vector<256x1xf32> to vector<256x256xf32>
    %min3A_697 = vector.broadcast %slice3A_685 : vector<1x256xf32> to vector<256x256xf32>
    %min3A_698 = arith.minimumf %min3A_696, %min3A_697 : vector<256x256xf32>
    %max3A_699 = vector.broadcast %slice3A_679 : vector<256x1xf32> to vector<256x256xf32>
    %max3A_700 = vector.broadcast %slice3A_683 : vector<1x256xf32> to vector<256x256xf32>
    %max3A_701 = arith.maximumf %max3A_699, %max3A_700 : vector<256x256xf32>
    %sub3A_702 = arith.subf %min3A_698, %max3A_701 : vector<256x256xf32>
    %jit3A_703 = arith.constant 0.000000e+00 : f32
    %max3A_704 = vector.broadcast %jit3A_703 : f32 to vector<256x256xf32>
    %max3A_705 = arith.maximumf %max3A_704, %sub3A_702 : vector<256x256xf32>
    %mul3A_706 = arith.mulf %max3A_695, %max3A_705 : vector<256x256xf32>
    %slice3A_707 = vector.extract_strided_slice %mul3A_78 {offsets = [0, 2], sizes = [256, 1], strides = [1, 1]} : vector<256x8xf32> to vector<256x1xf32>
    %slice3A_708 = vector.extract_strided_slice %mul3A_75 {offsets = [4, 0], sizes = [1, 256], strides = [1, 1]} : vector<8x256xf32> to vector<1x256xf32>
    %add3A_709 = vector.broadcast %slice3A_707 : vector<256x1xf32> to vector<256x256xf32>
    %add3A_710 = vector.broadcast %slice3A_708 : vector<1x256xf32> to vector<256x256xf32>
    %add3A_711 = arith.addf %add3A_709, %add3A_710 : vector<256x256xf32>
    %sub3A_712 = arith.subf %add3A_711, %mul3A_706 : vector<256x256xf32>
    %add3A_713 = arith.constant 9.99999971E-10 : f32
    %add3A_714 = vector.broadcast %add3A_713 : f32 to vector<256x256xf32>
    %add3A_715 = arith.addf %sub3A_712, %add3A_714 : vector<256x256xf32>
    %div3A_716 = arith.divf %mul3A_706, %add3A_715 : vector<256x256xf32>
    %gt3A_717 = arith.constant 0.699999988 : f32
    %gt3A_718 = vector.broadcast %gt3A_717 : f32 to vector<256x256xf32>
    %gt3A_719 = arith.cmpf ogt, %div3A_716, %gt3A_718 : vector<256x256xf32>
    %convert_element_type3A_720 = arith.extui %gt3A_719 : vector<256x256xi1> to vector<256x256xi32>
    %convert_element_type3A_721 = arith.sitofp %convert_element_type3A_720 : vector<256x256xi32> to vector<256x256xf32>
    %dot_general3A_722 = arith.constant dense<0.000000e+00> : vector<1x256xf32>
    %dot_general3A_723 = tpu.matmul %while3A_380#0, %convert_element_type3A_721, %dot_general3A_722 {dimension_numbers = #tpu.dot_dimension_numbers<[1], [0], [0], [1], [0, 0, 1, 1], [], []>, transpose_lhs_hint = false} : vector<1x256xf32>, vector<256x256xf32>, vector<1x256xf32> -> vector<1x256xf32>
    %add3A_724 = arith.addf %add3A_677, %dot_general3A_723 : vector<1x256xf32>
    %slice3A_725 = vector.extract_strided_slice %add3A_64 {offsets = [0, 3], sizes = [256, 1], strides = [1, 1]} : vector<256x8xf32> to vector<256x1xf32>
    %slice3A_726 = vector.extract_strided_slice %add3A_67 {offsets = [0, 3], sizes = [256, 1], strides = [1, 1]} : vector<256x8xf32> to vector<256x1xf32>
    %slice3A_727 = vector.extract_strided_slice %add3A_70 {offsets = [0, 3], sizes = [256, 1], strides = [1, 1]} : vector<256x8xf32> to vector<256x1xf32>
    %slice3A_728 = vector.extract_strided_slice %add3A_73 {offsets = [0, 3], sizes = [256, 1], strides = [1, 1]} : vector<256x8xf32> to vector<256x1xf32>
    %slice3A_729 = vector.extract_strided_slice %add3A_52 {offsets = [4, 0], sizes = [1, 256], strides = [1, 1]} : vector<8x256xf32> to vector<1x256xf32>
    %slice3A_730 = vector.extract_strided_slice %add3A_55 {offsets = [4, 0], sizes = [1, 256], strides = [1, 1]} : vector<8x256xf32> to vector<1x256xf32>
    %slice3A_731 = vector.extract_strided_slice %add3A_58 {offsets = [4, 0], sizes = [1, 256], strides = [1, 1]} : vector<8x256xf32> to vector<1x256xf32>
    %slice3A_732 = vector.extract_strided_slice %add3A_61 {offsets = [4, 0], sizes = [1, 256], strides = [1, 1]} : vector<8x256xf32> to vector<1x256xf32>
    %min3A_733 = vector.broadcast %slice3A_727 : vector<256x1xf32> to vector<256x256xf32>
    %min3A_734 = vector.broadcast %slice3A_731 : vector<1x256xf32> to vector<256x256xf32>
    %min3A_735 = arith.minimumf %min3A_733, %min3A_734 : vector<256x256xf32>
    %max3A_736 = vector.broadcast %slice3A_725 : vector<256x1xf32> to vector<256x256xf32>
    %max3A_737 = vector.broadcast %slice3A_729 : vector<1x256xf32> to vector<256x256xf32>
    %max3A_738 = arith.maximumf %max3A_736, %max3A_737 : vector<256x256xf32>
    %sub3A_739 = arith.subf %min3A_735, %max3A_738 : vector<256x256xf32>
    %jit3A_740 = arith.constant 0.000000e+00 : f32
    %max3A_741 = vector.broadcast %jit3A_740 : f32 to vector<256x256xf32>
    %max3A_742 = arith.maximumf %max3A_741, %sub3A_739 : vector<256x256xf32>
    %min3A_743 = vector.broadcast %slice3A_728 : vector<256x1xf32> to vector<256x256xf32>
    %min3A_744 = vector.broadcast %slice3A_732 : vector<1x256xf32> to vector<256x256xf32>
    %min3A_745 = arith.minimumf %min3A_743, %min3A_744 : vector<256x256xf32>
    %max3A_746 = vector.broadcast %slice3A_726 : vector<256x1xf32> to vector<256x256xf32>
    %max3A_747 = vector.broadcast %slice3A_730 : vector<1x256xf32> to vector<256x256xf32>
    %max3A_748 = arith.maximumf %max3A_746, %max3A_747 : vector<256x256xf32>
    %sub3A_749 = arith.subf %min3A_745, %max3A_748 : vector<256x256xf32>
    %jit3A_750 = arith.constant 0.000000e+00 : f32
    %max3A_751 = vector.broadcast %jit3A_750 : f32 to vector<256x256xf32>
    %max3A_752 = arith.maximumf %max3A_751, %sub3A_749 : vector<256x256xf32>
    %mul3A_753 = arith.mulf %max3A_742, %max3A_752 : vector<256x256xf32>
    %slice3A_754 = vector.extract_strided_slice %mul3A_78 {offsets = [0, 3], sizes = [256, 1], strides = [1, 1]} : vector<256x8xf32> to vector<256x1xf32>
    %slice3A_755 = vector.extract_strided_slice %mul3A_75 {offsets = [4, 0], sizes = [1, 256], strides = [1, 1]} : vector<8x256xf32> to vector<1x256xf32>
    %add3A_756 = vector.broadcast %slice3A_754 : vector<256x1xf32> to vector<256x256xf32>
    %add3A_757 = vector.broadcast %slice3A_755 : vector<1x256xf32> to vector<256x256xf32>
    %add3A_758 = arith.addf %add3A_756, %add3A_757 : vector<256x256xf32>
    %sub3A_759 = arith.subf %add3A_758, %mul3A_753 : vector<256x256xf32>
    %add3A_760 = arith.constant 9.99999971E-10 : f32
    %add3A_761 = vector.broadcast %add3A_760 : f32 to vector<256x256xf32>
    %add3A_762 = arith.addf %sub3A_759, %add3A_761 : vector<256x256xf32>
    %div3A_763 = arith.divf %mul3A_753, %add3A_762 : vector<256x256xf32>
    %gt3A_764 = arith.constant 0.699999988 : f32
    %gt3A_765 = vector.broadcast %gt3A_764 : f32 to vector<256x256xf32>
    %gt3A_766 = arith.cmpf ogt, %div3A_763, %gt3A_765 : vector<256x256xf32>
    %convert_element_type3A_767 = arith.extui %gt3A_766 : vector<256x256xi1> to vector<256x256xi32>
    %convert_element_type3A_768 = arith.sitofp %convert_element_type3A_767 : vector<256x256xi32> to vector<256x256xf32>
    %dot_general3A_769 = arith.constant dense<0.000000e+00> : vector<1x256xf32>
    %dot_general3A_770 = tpu.matmul %while3A_578#0, %convert_element_type3A_768, %dot_general3A_769 {dimension_numbers = #tpu.dot_dimension_numbers<[1], [0], [0], [1], [0, 0, 1, 1], [], []>, transpose_lhs_hint = false} : vector<1x256xf32>, vector<256x256xf32>, vector<1x256xf32> -> vector<1x256xf32>
    %add3A_771 = arith.addf %add3A_724, %dot_general3A_770 : vector<1x256xf32>
    %lt3A_772 = arith.constant 5.000000e-01 : f32
    %lt3A_773 = vector.broadcast %lt3A_772 : f32 to vector<1x256xf32>
    %lt3A_774 = arith.cmpf olt, %add3A_771, %lt3A_773 : vector<1x256xf32>
    %convert_element_type3A_775 = arith.extui %lt3A_774 : vector<1x256xi1> to vector<1x256xi32>
    %convert_element_type3A_776 = arith.sitofp %convert_element_type3A_775 : vector<1x256xi32> to vector<1x256xf32>
    %slice3A_777 = vector.extract_strided_slice %add3A_64 {offsets = [0, 4], sizes = [256, 1], strides = [1, 1]} : vector<256x8xf32> to vector<256x1xf32>
    %slice3A_778 = vector.extract_strided_slice %add3A_67 {offsets = [0, 4], sizes = [256, 1], strides = [1, 1]} : vector<256x8xf32> to vector<256x1xf32>
    %slice3A_779 = vector.extract_strided_slice %add3A_70 {offsets = [0, 4], sizes = [256, 1], strides = [1, 1]} : vector<256x8xf32> to vector<256x1xf32>
    %slice3A_780 = vector.extract_strided_slice %add3A_73 {offsets = [0, 4], sizes = [256, 1], strides = [1, 1]} : vector<256x8xf32> to vector<256x1xf32>
    %slice3A_781 = vector.extract_strided_slice %add3A_52 {offsets = [4, 0], sizes = [1, 256], strides = [1, 1]} : vector<8x256xf32> to vector<1x256xf32>
    %slice3A_782 = vector.extract_strided_slice %add3A_55 {offsets = [4, 0], sizes = [1, 256], strides = [1, 1]} : vector<8x256xf32> to vector<1x256xf32>
    %slice3A_783 = vector.extract_strided_slice %add3A_58 {offsets = [4, 0], sizes = [1, 256], strides = [1, 1]} : vector<8x256xf32> to vector<1x256xf32>
    %slice3A_784 = vector.extract_strided_slice %add3A_61 {offsets = [4, 0], sizes = [1, 256], strides = [1, 1]} : vector<8x256xf32> to vector<1x256xf32>
    %min3A_785 = vector.broadcast %slice3A_779 : vector<256x1xf32> to vector<256x256xf32>
    %min3A_786 = vector.broadcast %slice3A_783 : vector<1x256xf32> to vector<256x256xf32>
    %min3A_787 = arith.minimumf %min3A_785, %min3A_786 : vector<256x256xf32>
    %max3A_788 = vector.broadcast %slice3A_777 : vector<256x1xf32> to vector<256x256xf32>
    %max3A_789 = vector.broadcast %slice3A_781 : vector<1x256xf32> to vector<256x256xf32>
    %max3A_790 = arith.maximumf %max3A_788, %max3A_789 : vector<256x256xf32>
    %sub3A_791 = arith.subf %min3A_787, %max3A_790 : vector<256x256xf32>
    %jit3A_792 = arith.constant 0.000000e+00 : f32
    %max3A_793 = vector.broadcast %jit3A_792 : f32 to vector<256x256xf32>
    %max3A_794 = arith.maximumf %max3A_793, %sub3A_791 : vector<256x256xf32>
    %min3A_795 = vector.broadcast %slice3A_780 : vector<256x1xf32> to vector<256x256xf32>
    %min3A_796 = vector.broadcast %slice3A_784 : vector<1x256xf32> to vector<256x256xf32>
    %min3A_797 = arith.minimumf %min3A_795, %min3A_796 : vector<256x256xf32>
    %max3A_798 = vector.broadcast %slice3A_778 : vector<256x1xf32> to vector<256x256xf32>
    %max3A_799 = vector.broadcast %slice3A_782 : vector<1x256xf32> to vector<256x256xf32>
    %max3A_800 = arith.maximumf %max3A_798, %max3A_799 : vector<256x256xf32>
    %sub3A_801 = arith.subf %min3A_797, %max3A_800 : vector<256x256xf32>
    %jit3A_802 = arith.constant 0.000000e+00 : f32
    %max3A_803 = vector.broadcast %jit3A_802 : f32 to vector<256x256xf32>
    %max3A_804 = arith.maximumf %max3A_803, %sub3A_801 : vector<256x256xf32>
    %mul3A_805 = arith.mulf %max3A_794, %max3A_804 : vector<256x256xf32>
    %slice3A_806 = vector.extract_strided_slice %mul3A_78 {offsets = [0, 4], sizes = [256, 1], strides = [1, 1]} : vector<256x8xf32> to vector<256x1xf32>
    %slice3A_807 = vector.extract_strided_slice %mul3A_75 {offsets = [4, 0], sizes = [1, 256], strides = [1, 1]} : vector<8x256xf32> to vector<1x256xf32>
    %add3A_808 = vector.broadcast %slice3A_806 : vector<256x1xf32> to vector<256x256xf32>
    %add3A_809 = vector.broadcast %slice3A_807 : vector<1x256xf32> to vector<256x256xf32>
    %add3A_810 = arith.addf %add3A_808, %add3A_809 : vector<256x256xf32>
    %sub3A_811 = arith.subf %add3A_810, %mul3A_805 : vector<256x256xf32>
    %add3A_812 = arith.constant 9.99999971E-10 : f32
    %add3A_813 = vector.broadcast %add3A_812 : f32 to vector<256x256xf32>
    %add3A_814 = arith.addf %sub3A_811, %add3A_813 : vector<256x256xf32>
    %div3A_815 = arith.divf %mul3A_805, %add3A_814 : vector<256x256xf32>
    %gt3A_816 = arith.constant 0.699999988 : f32
    %gt3A_817 = vector.broadcast %gt3A_816 : f32 to vector<256x256xf32>
    %gt3A_818 = arith.cmpf ogt, %div3A_815, %gt3A_817 : vector<256x256xf32>
    %convert_element_type3A_819 = arith.extui %gt3A_818 : vector<256x256xi1> to vector<256x256xi32>
    %convert_element_type3A_820 = arith.sitofp %convert_element_type3A_819 : vector<256x256xi32> to vector<256x256xf32>
    %mul3A_821 = arith.mulf %convert_element_type3A_820, %convert_element_type3A_80 : vector<256x256xf32>
    %while3A_822 = arith.constant true
    %while3A_823:2 = scf.while (%while3A_1844 = %convert_element_type3A_776, %while3A_1845 = %while3A_822) : (vector<1x256xf32>, i1) -> (vector<1x256xf32>, i1) {
      scf.condition(%while3A_1845) %while3A_1844, %while3A_1845 : vector<1x256xf32>, i1
    } do {
    ^bb0(%while3A_1844: vector<1x256xf32>, %while3A_1845: i1):
      %dot_general3A_1846 = arith.constant dense<0.000000e+00> : vector<1x256xf32>
      %dot_general3A_1847 = tpu.matmul %while3A_1844, %mul3A_821, %dot_general3A_1846 {dimension_numbers = #tpu.dot_dimension_numbers<[1], [0], [0], [1], [0, 0, 1, 1], [], []>, transpose_lhs_hint = false} : vector<1x256xf32>, vector<256x256xf32>, vector<1x256xf32> -> vector<1x256xf32>
      %lt3A_1848 = arith.constant 5.000000e-01 : f32
      %lt3A_1849 = vector.broadcast %lt3A_1848 : f32 to vector<1x256xf32>
      %lt3A_1850 = arith.cmpf olt, %dot_general3A_1847, %lt3A_1849 : vector<1x256xf32>
      %convert_element_type3A_1851 = arith.extui %lt3A_1850 : vector<1x256xi1> to vector<1x256xi32>
      %convert_element_type3A_1852 = arith.sitofp %convert_element_type3A_1851 : vector<1x256xi32> to vector<1x256xf32>
      %mul3A_1853 = arith.mulf %convert_element_type3A_776, %convert_element_type3A_1852 : vector<1x256xf32>
      %ne3A = arith.cmpf one, %mul3A_1853, %while3A_1844 : vector<1x256xf32>
      %reduce_or3A = arith.constant 1.000000e+00 : f32
      %reduce_or3A_1854 = arith.constant 0.000000e+00 : f32
      %reduce_or3A_1855 = vector.broadcast %reduce_or3A : f32 to vector<1x256xf32>
      %reduce_or3A_1856 = vector.broadcast %reduce_or3A_1854 : f32 to vector<1x256xf32>
      %reduce_or3A_1857 = arith.select %ne3A, %reduce_or3A_1855, %reduce_or3A_1856 : vector<1x256xi1>, vector<1x256xf32>
      %reduce_or3A_1858 = vector.shape_cast %reduce_or3A_1857 : vector<1x256xf32> to vector<1x1x256xf32>
      %reduce_or3A_1859 = arith.constant dense<0xFF800000> : vector<1xf32>
      %reduce_or3A_1860 = vector.multi_reduction <maximumf>, %reduce_or3A_1858, %reduce_or3A_1859 [1, 2] : vector<1x1x256xf32> to vector<1xf32>
      %reduce_or3A_1861 = vector.shape_cast %reduce_or3A_1860 : vector<1xf32> to vector<1x1x1xf32>
      %reduce_or3A_1862 = vector.extract %reduce_or3A_1861[0, 0, 0] : f32 from vector<1x1x1xf32>
      %reduce_or3A_1863 = arith.constant 0.000000e+00 : f32
      %reduce_or3A_1864 = arith.cmpf ogt, %reduce_or3A_1862, %reduce_or3A_1863 : f32
      scf.yield %mul3A_1853, %reduce_or3A_1864 : vector<1x256xf32>, i1
    }
    %swap3A_824 = arith.constant 4 : index
    %swap3A_825 = arith.constant 0 : index
    %swap3A_826 = vector.load %arg2[%swap3A_824, %swap3A_825] : memref<8x256xf32, #tpu.memory_space<vmem>>, vector<1x256xf32>
    tpu.vector_store %arg2[%swap3A_824, %swap3A_825], %while3A_823#0 {strides = array<i32>} : memref<8x256xf32, #tpu.memory_space<vmem>>, vector<1x256xf32>,
    %broadcast_in_dim3A_827 = arith.constant 0.000000e+00 : f32
    %broadcast_in_dim3A_828 = vector.broadcast %broadcast_in_dim3A_827 : f32 to vector<1x256xf32>
    %slice3A_829 = vector.extract_strided_slice %add3A_64 {offsets = [0, 0], sizes = [256, 1], strides = [1, 1]} : vector<256x8xf32> to vector<256x1xf32>
    %slice3A_830 = vector.extract_strided_slice %add3A_67 {offsets = [0, 0], sizes = [256, 1], strides = [1, 1]} : vector<256x8xf32> to vector<256x1xf32>
    %slice3A_831 = vector.extract_strided_slice %add3A_70 {offsets = [0, 0], sizes = [256, 1], strides = [1, 1]} : vector<256x8xf32> to vector<256x1xf32>
    %slice3A_832 = vector.extract_strided_slice %add3A_73 {offsets = [0, 0], sizes = [256, 1], strides = [1, 1]} : vector<256x8xf32> to vector<256x1xf32>
    %slice3A_833 = vector.extract_strided_slice %add3A_52 {offsets = [5, 0], sizes = [1, 256], strides = [1, 1]} : vector<8x256xf32> to vector<1x256xf32>
    %slice3A_834 = vector.extract_strided_slice %add3A_55 {offsets = [5, 0], sizes = [1, 256], strides = [1, 1]} : vector<8x256xf32> to vector<1x256xf32>
    %slice3A_835 = vector.extract_strided_slice %add3A_58 {offsets = [5, 0], sizes = [1, 256], strides = [1, 1]} : vector<8x256xf32> to vector<1x256xf32>
    %slice3A_836 = vector.extract_strided_slice %add3A_61 {offsets = [5, 0], sizes = [1, 256], strides = [1, 1]} : vector<8x256xf32> to vector<1x256xf32>
    %min3A_837 = vector.broadcast %slice3A_831 : vector<256x1xf32> to vector<256x256xf32>
    %min3A_838 = vector.broadcast %slice3A_835 : vector<1x256xf32> to vector<256x256xf32>
    %min3A_839 = arith.minimumf %min3A_837, %min3A_838 : vector<256x256xf32>
    %max3A_840 = vector.broadcast %slice3A_829 : vector<256x1xf32> to vector<256x256xf32>
    %max3A_841 = vector.broadcast %slice3A_833 : vector<1x256xf32> to vector<256x256xf32>
    %max3A_842 = arith.maximumf %max3A_840, %max3A_841 : vector<256x256xf32>
    %sub3A_843 = arith.subf %min3A_839, %max3A_842 : vector<256x256xf32>
    %jit3A_844 = arith.constant 0.000000e+00 : f32
    %max3A_845 = vector.broadcast %jit3A_844 : f32 to vector<256x256xf32>
    %max3A_846 = arith.maximumf %max3A_845, %sub3A_843 : vector<256x256xf32>
    %min3A_847 = vector.broadcast %slice3A_832 : vector<256x1xf32> to vector<256x256xf32>
    %min3A_848 = vector.broadcast %slice3A_836 : vector<1x256xf32> to vector<256x256xf32>
    %min3A_849 = arith.minimumf %min3A_847, %min3A_848 : vector<256x256xf32>
    %max3A_850 = vector.broadcast %slice3A_830 : vector<256x1xf32> to vector<256x256xf32>
    %max3A_851 = vector.broadcast %slice3A_834 : vector<1x256xf32> to vector<256x256xf32>
    %max3A_852 = arith.maximumf %max3A_850, %max3A_851 : vector<256x256xf32>
    %sub3A_853 = arith.subf %min3A_849, %max3A_852 : vector<256x256xf32>
    %jit3A_854 = arith.constant 0.000000e+00 : f32
    %max3A_855 = vector.broadcast %jit3A_854 : f32 to vector<256x256xf32>
    %max3A_856 = arith.maximumf %max3A_855, %sub3A_853 : vector<256x256xf32>
    %mul3A_857 = arith.mulf %max3A_846, %max3A_856 : vector<256x256xf32>
    %slice3A_858 = vector.extract_strided_slice %mul3A_78 {offsets = [0, 0], sizes = [256, 1], strides = [1, 1]} : vector<256x8xf32> to vector<256x1xf32>
    %slice3A_859 = vector.extract_strided_slice %mul3A_75 {offsets = [5, 0], sizes = [1, 256], strides = [1, 1]} : vector<8x256xf32> to vector<1x256xf32>
    %add3A_860 = vector.broadcast %slice3A_858 : vector<256x1xf32> to vector<256x256xf32>
    %add3A_861 = vector.broadcast %slice3A_859 : vector<1x256xf32> to vector<256x256xf32>
    %add3A_862 = arith.addf %add3A_860, %add3A_861 : vector<256x256xf32>
    %sub3A_863 = arith.subf %add3A_862, %mul3A_857 : vector<256x256xf32>
    %add3A_864 = arith.constant 9.99999971E-10 : f32
    %add3A_865 = vector.broadcast %add3A_864 : f32 to vector<256x256xf32>
    %add3A_866 = arith.addf %sub3A_863, %add3A_865 : vector<256x256xf32>
    %div3A_867 = arith.divf %mul3A_857, %add3A_866 : vector<256x256xf32>
    %gt3A_868 = arith.constant 0.699999988 : f32
    %gt3A_869 = vector.broadcast %gt3A_868 : f32 to vector<256x256xf32>
    %gt3A_870 = arith.cmpf ogt, %div3A_867, %gt3A_869 : vector<256x256xf32>
    %convert_element_type3A_871 = arith.extui %gt3A_870 : vector<256x256xi1> to vector<256x256xi32>
    %convert_element_type3A_872 = arith.sitofp %convert_element_type3A_871 : vector<256x256xi32> to vector<256x256xf32>
    %dot_general3A_873 = arith.constant dense<0.000000e+00> : vector<1x256xf32>
    %dot_general3A_874 = tpu.matmul %while3A_127#0, %convert_element_type3A_872, %dot_general3A_873 {dimension_numbers = #tpu.dot_dimension_numbers<[1], [0], [0], [1], [0, 0, 1, 1], [], []>, transpose_lhs_hint = false} : vector<1x256xf32>, vector<256x256xf32>, vector<1x256xf32> -> vector<1x256xf32>
    %add3A_875 = arith.addf %broadcast_in_dim3A_828, %dot_general3A_874 : vector<1x256xf32>
    %slice3A_876 = vector.extract_strided_slice %add3A_64 {offsets = [0, 1], sizes = [256, 1], strides = [1, 1]} : vector<256x8xf32> to vector<256x1xf32>
    %slice3A_877 = vector.extract_strided_slice %add3A_67 {offsets = [0, 1], sizes = [256, 1], strides = [1, 1]} : vector<256x8xf32> to vector<256x1xf32>
    %slice3A_878 = vector.extract_strided_slice %add3A_70 {offsets = [0, 1], sizes = [256, 1], strides = [1, 1]} : vector<256x8xf32> to vector<256x1xf32>
    %slice3A_879 = vector.extract_strided_slice %add3A_73 {offsets = [0, 1], sizes = [256, 1], strides = [1, 1]} : vector<256x8xf32> to vector<256x1xf32>
    %slice3A_880 = vector.extract_strided_slice %add3A_52 {offsets = [5, 0], sizes = [1, 256], strides = [1, 1]} : vector<8x256xf32> to vector<1x256xf32>
    %slice3A_881 = vector.extract_strided_slice %add3A_55 {offsets = [5, 0], sizes = [1, 256], strides = [1, 1]} : vector<8x256xf32> to vector<1x256xf32>
    %slice3A_882 = vector.extract_strided_slice %add3A_58 {offsets = [5, 0], sizes = [1, 256], strides = [1, 1]} : vector<8x256xf32> to vector<1x256xf32>
    %slice3A_883 = vector.extract_strided_slice %add3A_61 {offsets = [5, 0], sizes = [1, 256], strides = [1, 1]} : vector<8x256xf32> to vector<1x256xf32>
    %min3A_884 = vector.broadcast %slice3A_878 : vector<256x1xf32> to vector<256x256xf32>
    %min3A_885 = vector.broadcast %slice3A_882 : vector<1x256xf32> to vector<256x256xf32>
    %min3A_886 = arith.minimumf %min3A_884, %min3A_885 : vector<256x256xf32>
    %max3A_887 = vector.broadcast %slice3A_876 : vector<256x1xf32> to vector<256x256xf32>
    %max3A_888 = vector.broadcast %slice3A_880 : vector<1x256xf32> to vector<256x256xf32>
    %max3A_889 = arith.maximumf %max3A_887, %max3A_888 : vector<256x256xf32>
    %sub3A_890 = arith.subf %min3A_886, %max3A_889 : vector<256x256xf32>
    %jit3A_891 = arith.constant 0.000000e+00 : f32
    %max3A_892 = vector.broadcast %jit3A_891 : f32 to vector<256x256xf32>
    %max3A_893 = arith.maximumf %max3A_892, %sub3A_890 : vector<256x256xf32>
    %min3A_894 = vector.broadcast %slice3A_879 : vector<256x1xf32> to vector<256x256xf32>
    %min3A_895 = vector.broadcast %slice3A_883 : vector<1x256xf32> to vector<256x256xf32>
    %min3A_896 = arith.minimumf %min3A_894, %min3A_895 : vector<256x256xf32>
    %max3A_897 = vector.broadcast %slice3A_877 : vector<256x1xf32> to vector<256x256xf32>
    %max3A_898 = vector.broadcast %slice3A_881 : vector<1x256xf32> to vector<256x256xf32>
    %max3A_899 = arith.maximumf %max3A_897, %max3A_898 : vector<256x256xf32>
    %sub3A_900 = arith.subf %min3A_896, %max3A_899 : vector<256x256xf32>
    %jit3A_901 = arith.constant 0.000000e+00 : f32
    %max3A_902 = vector.broadcast %jit3A_901 : f32 to vector<256x256xf32>
    %max3A_903 = arith.maximumf %max3A_902, %sub3A_900 : vector<256x256xf32>
    %mul3A_904 = arith.mulf %max3A_893, %max3A_903 : vector<256x256xf32>
    %slice3A_905 = vector.extract_strided_slice %mul3A_78 {offsets = [0, 1], sizes = [256, 1], strides = [1, 1]} : vector<256x8xf32> to vector<256x1xf32>
    %slice3A_906 = vector.extract_strided_slice %mul3A_75 {offsets = [5, 0], sizes = [1, 256], strides = [1, 1]} : vector<8x256xf32> to vector<1x256xf32>
    %add3A_907 = vector.broadcast %slice3A_905 : vector<256x1xf32> to vector<256x256xf32>
    %add3A_908 = vector.broadcast %slice3A_906 : vector<1x256xf32> to vector<256x256xf32>
    %add3A_909 = arith.addf %add3A_907, %add3A_908 : vector<256x256xf32>
    %sub3A_910 = arith.subf %add3A_909, %mul3A_904 : vector<256x256xf32>
    %add3A_911 = arith.constant 9.99999971E-10 : f32
    %add3A_912 = vector.broadcast %add3A_911 : f32 to vector<256x256xf32>
    %add3A_913 = arith.addf %sub3A_910, %add3A_912 : vector<256x256xf32>
    %div3A_914 = arith.divf %mul3A_904, %add3A_913 : vector<256x256xf32>
    %gt3A_915 = arith.constant 0.699999988 : f32
    %gt3A_916 = vector.broadcast %gt3A_915 : f32 to vector<256x256xf32>
    %gt3A_917 = arith.cmpf ogt, %div3A_914, %gt3A_916 : vector<256x256xf32>
    %convert_element_type3A_918 = arith.extui %gt3A_917 : vector<256x256xi1> to vector<256x256xi32>
    %convert_element_type3A_919 = arith.sitofp %convert_element_type3A_918 : vector<256x256xi32> to vector<256x256xf32>
    %dot_general3A_920 = arith.constant dense<0.000000e+00> : vector<1x256xf32>
    %dot_general3A_921 = tpu.matmul %while3A_229#0, %convert_element_type3A_919, %dot_general3A_920 {dimension_numbers = #tpu.dot_dimension_numbers<[1], [0], [0], [1], [0, 0, 1, 1], [], []>, transpose_lhs_hint = false} : vector<1x256xf32>, vector<256x256xf32>, vector<1x256xf32> -> vector<1x256xf32>
    %add3A_922 = arith.addf %add3A_875, %dot_general3A_921 : vector<1x256xf32>
    %slice3A_923 = vector.extract_strided_slice %add3A_64 {offsets = [0, 2], sizes = [256, 1], strides = [1, 1]} : vector<256x8xf32> to vector<256x1xf32>
    %slice3A_924 = vector.extract_strided_slice %add3A_67 {offsets = [0, 2], sizes = [256, 1], strides = [1, 1]} : vector<256x8xf32> to vector<256x1xf32>
    %slice3A_925 = vector.extract_strided_slice %add3A_70 {offsets = [0, 2], sizes = [256, 1], strides = [1, 1]} : vector<256x8xf32> to vector<256x1xf32>
    %slice3A_926 = vector.extract_strided_slice %add3A_73 {offsets = [0, 2], sizes = [256, 1], strides = [1, 1]} : vector<256x8xf32> to vector<256x1xf32>
    %slice3A_927 = vector.extract_strided_slice %add3A_52 {offsets = [5, 0], sizes = [1, 256], strides = [1, 1]} : vector<8x256xf32> to vector<1x256xf32>
    %slice3A_928 = vector.extract_strided_slice %add3A_55 {offsets = [5, 0], sizes = [1, 256], strides = [1, 1]} : vector<8x256xf32> to vector<1x256xf32>
    %slice3A_929 = vector.extract_strided_slice %add3A_58 {offsets = [5, 0], sizes = [1, 256], strides = [1, 1]} : vector<8x256xf32> to vector<1x256xf32>
    %slice3A_930 = vector.extract_strided_slice %add3A_61 {offsets = [5, 0], sizes = [1, 256], strides = [1, 1]} : vector<8x256xf32> to vector<1x256xf32>
    %min3A_931 = vector.broadcast %slice3A_925 : vector<256x1xf32> to vector<256x256xf32>
    %min3A_932 = vector.broadcast %slice3A_929 : vector<1x256xf32> to vector<256x256xf32>
    %min3A_933 = arith.minimumf %min3A_931, %min3A_932 : vector<256x256xf32>
    %max3A_934 = vector.broadcast %slice3A_923 : vector<256x1xf32> to vector<256x256xf32>
    %max3A_935 = vector.broadcast %slice3A_927 : vector<1x256xf32> to vector<256x256xf32>
    %max3A_936 = arith.maximumf %max3A_934, %max3A_935 : vector<256x256xf32>
    %sub3A_937 = arith.subf %min3A_933, %max3A_936 : vector<256x256xf32>
    %jit3A_938 = arith.constant 0.000000e+00 : f32
    %max3A_939 = vector.broadcast %jit3A_938 : f32 to vector<256x256xf32>
    %max3A_940 = arith.maximumf %max3A_939, %sub3A_937 : vector<256x256xf32>
    %min3A_941 = vector.broadcast %slice3A_926 : vector<256x1xf32> to vector<256x256xf32>
    %min3A_942 = vector.broadcast %slice3A_930 : vector<1x256xf32> to vector<256x256xf32>
    %min3A_943 = arith.minimumf %min3A_941, %min3A_942 : vector<256x256xf32>
    %max3A_944 = vector.broadcast %slice3A_924 : vector<256x1xf32> to vector<256x256xf32>
    %max3A_945 = vector.broadcast %slice3A_928 : vector<1x256xf32> to vector<256x256xf32>
    %max3A_946 = arith.maximumf %max3A_944, %max3A_945 : vector<256x256xf32>
    %sub3A_947 = arith.subf %min3A_943, %max3A_946 : vector<256x256xf32>
    %jit3A_948 = arith.constant 0.000000e+00 : f32
    %max3A_949 = vector.broadcast %jit3A_948 : f32 to vector<256x256xf32>
    %max3A_950 = arith.maximumf %max3A_949, %sub3A_947 : vector<256x256xf32>
    %mul3A_951 = arith.mulf %max3A_940, %max3A_950 : vector<256x256xf32>
    %slice3A_952 = vector.extract_strided_slice %mul3A_78 {offsets = [0, 2], sizes = [256, 1], strides = [1, 1]} : vector<256x8xf32> to vector<256x1xf32>
    %slice3A_953 = vector.extract_strided_slice %mul3A_75 {offsets = [5, 0], sizes = [1, 256], strides = [1, 1]} : vector<8x256xf32> to vector<1x256xf32>
    %add3A_954 = vector.broadcast %slice3A_952 : vector<256x1xf32> to vector<256x256xf32>
    %add3A_955 = vector.broadcast %slice3A_953 : vector<1x256xf32> to vector<256x256xf32>
    %add3A_956 = arith.addf %add3A_954, %add3A_955 : vector<256x256xf32>
    %sub3A_957 = arith.subf %add3A_956, %mul3A_951 : vector<256x256xf32>
    %add3A_958 = arith.constant 9.99999971E-10 : f32
    %add3A_959 = vector.broadcast %add3A_958 : f32 to vector<256x256xf32>
    %add3A_960 = arith.addf %sub3A_957, %add3A_959 : vector<256x256xf32>
    %div3A_961 = arith.divf %mul3A_951, %add3A_960 : vector<256x256xf32>
    %gt3A_962 = arith.constant 0.699999988 : f32
    %gt3A_963 = vector.broadcast %gt3A_962 : f32 to vector<256x256xf32>
    %gt3A_964 = arith.cmpf ogt, %div3A_961, %gt3A_963 : vector<256x256xf32>
    %convert_element_type3A_965 = arith.extui %gt3A_964 : vector<256x256xi1> to vector<256x256xi32>
    %convert_element_type3A_966 = arith.sitofp %convert_element_type3A_965 : vector<256x256xi32> to vector<256x256xf32>
    %dot_general3A_967 = arith.constant dense<0.000000e+00> : vector<1x256xf32>
    %dot_general3A_968 = tpu.matmul %while3A_380#0, %convert_element_type3A_966, %dot_general3A_967 {dimension_numbers = #tpu.dot_dimension_numbers<[1], [0], [0], [1], [0, 0, 1, 1], [], []>, transpose_lhs_hint = false} : vector<1x256xf32>, vector<256x256xf32>, vector<1x256xf32> -> vector<1x256xf32>
    %add3A_969 = arith.addf %add3A_922, %dot_general3A_968 : vector<1x256xf32>
    %slice3A_970 = vector.extract_strided_slice %add3A_64 {offsets = [0, 3], sizes = [256, 1], strides = [1, 1]} : vector<256x8xf32> to vector<256x1xf32>
    %slice3A_971 = vector.extract_strided_slice %add3A_67 {offsets = [0, 3], sizes = [256, 1], strides = [1, 1]} : vector<256x8xf32> to vector<256x1xf32>
    %slice3A_972 = vector.extract_strided_slice %add3A_70 {offsets = [0, 3], sizes = [256, 1], strides = [1, 1]} : vector<256x8xf32> to vector<256x1xf32>
    %slice3A_973 = vector.extract_strided_slice %add3A_73 {offsets = [0, 3], sizes = [256, 1], strides = [1, 1]} : vector<256x8xf32> to vector<256x1xf32>
    %slice3A_974 = vector.extract_strided_slice %add3A_52 {offsets = [5, 0], sizes = [1, 256], strides = [1, 1]} : vector<8x256xf32> to vector<1x256xf32>
    %slice3A_975 = vector.extract_strided_slice %add3A_55 {offsets = [5, 0], sizes = [1, 256], strides = [1, 1]} : vector<8x256xf32> to vector<1x256xf32>
    %slice3A_976 = vector.extract_strided_slice %add3A_58 {offsets = [5, 0], sizes = [1, 256], strides = [1, 1]} : vector<8x256xf32> to vector<1x256xf32>
    %slice3A_977 = vector.extract_strided_slice %add3A_61 {offsets = [5, 0], sizes = [1, 256], strides = [1, 1]} : vector<8x256xf32> to vector<1x256xf32>
    %min3A_978 = vector.broadcast %slice3A_972 : vector<256x1xf32> to vector<256x256xf32>
    %min3A_979 = vector.broadcast %slice3A_976 : vector<1x256xf32> to vector<256x256xf32>
    %min3A_980 = arith.minimumf %min3A_978, %min3A_979 : vector<256x256xf32>
    %max3A_981 = vector.broadcast %slice3A_970 : vector<256x1xf32> to vector<256x256xf32>
    %max3A_982 = vector.broadcast %slice3A_974 : vector<1x256xf32> to vector<256x256xf32>
    %max3A_983 = arith.maximumf %max3A_981, %max3A_982 : vector<256x256xf32>
    %sub3A_984 = arith.subf %min3A_980, %max3A_983 : vector<256x256xf32>
    %jit3A_985 = arith.constant 0.000000e+00 : f32
    %max3A_986 = vector.broadcast %jit3A_985 : f32 to vector<256x256xf32>
    %max3A_987 = arith.maximumf %max3A_986, %sub3A_984 : vector<256x256xf32>
    %min3A_988 = vector.broadcast %slice3A_973 : vector<256x1xf32> to vector<256x256xf32>
    %min3A_989 = vector.broadcast %slice3A_977 : vector<1x256xf32> to vector<256x256xf32>
    %min3A_990 = arith.minimumf %min3A_988, %min3A_989 : vector<256x256xf32>
    %max3A_991 = vector.broadcast %slice3A_971 : vector<256x1xf32> to vector<256x256xf32>
    %max3A_992 = vector.broadcast %slice3A_975 : vector<1x256xf32> to vector<256x256xf32>
    %max3A_993 = arith.maximumf %max3A_991, %max3A_992 : vector<256x256xf32>
    %sub3A_994 = arith.subf %min3A_990, %max3A_993 : vector<256x256xf32>
    %jit3A_995 = arith.constant 0.000000e+00 : f32
    %max3A_996 = vector.broadcast %jit3A_995 : f32 to vector<256x256xf32>
    %max3A_997 = arith.maximumf %max3A_996, %sub3A_994 : vector<256x256xf32>
    %mul3A_998 = arith.mulf %max3A_987, %max3A_997 : vector<256x256xf32>
    %slice3A_999 = vector.extract_strided_slice %mul3A_78 {offsets = [0, 3], sizes = [256, 1], strides = [1, 1]} : vector<256x8xf32> to vector<256x1xf32>
    %slice3A_1000 = vector.extract_strided_slice %mul3A_75 {offsets = [5, 0], sizes = [1, 256], strides = [1, 1]} : vector<8x256xf32> to vector<1x256xf32>
    %add3A_1001 = vector.broadcast %slice3A_999 : vector<256x1xf32> to vector<256x256xf32>
    %add3A_1002 = vector.broadcast %slice3A_1000 : vector<1x256xf32> to vector<256x256xf32>
    %add3A_1003 = arith.addf %add3A_1001, %add3A_1002 : vector<256x256xf32>
    %sub3A_1004 = arith.subf %add3A_1003, %mul3A_998 : vector<256x256xf32>
    %add3A_1005 = arith.constant 9.99999971E-10 : f32
    %add3A_1006 = vector.broadcast %add3A_1005 : f32 to vector<256x256xf32>
    %add3A_1007 = arith.addf %sub3A_1004, %add3A_1006 : vector<256x256xf32>
    %div3A_1008 = arith.divf %mul3A_998, %add3A_1007 : vector<256x256xf32>
    %gt3A_1009 = arith.constant 0.699999988 : f32
    %gt3A_1010 = vector.broadcast %gt3A_1009 : f32 to vector<256x256xf32>
    %gt3A_1011 = arith.cmpf ogt, %div3A_1008, %gt3A_1010 : vector<256x256xf32>
    %convert_element_type3A_1012 = arith.extui %gt3A_1011 : vector<256x256xi1> to vector<256x256xi32>
    %convert_element_type3A_1013 = arith.sitofp %convert_element_type3A_1012 : vector<256x256xi32> to vector<256x256xf32>
    %dot_general3A_1014 = arith.constant dense<0.000000e+00> : vector<1x256xf32>
    %dot_general3A_1015 = tpu.matmul %while3A_578#0, %convert_element_type3A_1013, %dot_general3A_1014 {dimension_numbers = #tpu.dot_dimension_numbers<[1], [0], [0], [1], [0, 0, 1, 1], [], []>, transpose_lhs_hint = false} : vector<1x256xf32>, vector<256x256xf32>, vector<1x256xf32> -> vector<1x256xf32>
    %add3A_1016 = arith.addf %add3A_969, %dot_general3A_1015 : vector<1x256xf32>
    %slice3A_1017 = vector.extract_strided_slice %add3A_64 {offsets = [0, 4], sizes = [256, 1], strides = [1, 1]} : vector<256x8xf32> to vector<256x1xf32>
    %slice3A_1018 = vector.extract_strided_slice %add3A_67 {offsets = [0, 4], sizes = [256, 1], strides = [1, 1]} : vector<256x8xf32> to vector<256x1xf32>
    %slice3A_1019 = vector.extract_strided_slice %add3A_70 {offsets = [0, 4], sizes = [256, 1], strides = [1, 1]} : vector<256x8xf32> to vector<256x1xf32>
    %slice3A_1020 = vector.extract_strided_slice %add3A_73 {offsets = [0, 4], sizes = [256, 1], strides = [1, 1]} : vector<256x8xf32> to vector<256x1xf32>
    %slice3A_1021 = vector.extract_strided_slice %add3A_52 {offsets = [5, 0], sizes = [1, 256], strides = [1, 1]} : vector<8x256xf32> to vector<1x256xf32>
    %slice3A_1022 = vector.extract_strided_slice %add3A_55 {offsets = [5, 0], sizes = [1, 256], strides = [1, 1]} : vector<8x256xf32> to vector<1x256xf32>
    %slice3A_1023 = vector.extract_strided_slice %add3A_58 {offsets = [5, 0], sizes = [1, 256], strides = [1, 1]} : vector<8x256xf32> to vector<1x256xf32>
    %slice3A_1024 = vector.extract_strided_slice %add3A_61 {offsets = [5, 0], sizes = [1, 256], strides = [1, 1]} : vector<8x256xf32> to vector<1x256xf32>
    %min3A_1025 = vector.broadcast %slice3A_1019 : vector<256x1xf32> to vector<256x256xf32>
    %min3A_1026 = vector.broadcast %slice3A_1023 : vector<1x256xf32> to vector<256x256xf32>
    %min3A_1027 = arith.minimumf %min3A_1025, %min3A_1026 : vector<256x256xf32>
    %max3A_1028 = vector.broadcast %slice3A_1017 : vector<256x1xf32> to vector<256x256xf32>
    %max3A_1029 = vector.broadcast %slice3A_1021 : vector<1x256xf32> to vector<256x256xf32>
    %max3A_1030 = arith.maximumf %max3A_1028, %max3A_1029 : vector<256x256xf32>
    %sub3A_1031 = arith.subf %min3A_1027, %max3A_1030 : vector<256x256xf32>
    %jit3A_1032 = arith.constant 0.000000e+00 : f32
    %max3A_1033 = vector.broadcast %jit3A_1032 : f32 to vector<256x256xf32>
    %max3A_1034 = arith.maximumf %max3A_1033, %sub3A_1031 : vector<256x256xf32>
    %min3A_1035 = vector.broadcast %slice3A_1020 : vector<256x1xf32> to vector<256x256xf32>
    %min3A_1036 = vector.broadcast %slice3A_1024 : vector<1x256xf32> to vector<256x256xf32>
    %min3A_1037 = arith.minimumf %min3A_1035, %min3A_1036 : vector<256x256xf32>
    %max3A_1038 = vector.broadcast %slice3A_1018 : vector<256x1xf32> to vector<256x256xf32>
    %max3A_1039 = vector.broadcast %slice3A_1022 : vector<1x256xf32> to vector<256x256xf32>
    %max3A_1040 = arith.maximumf %max3A_1038, %max3A_1039 : vector<256x256xf32>
    %sub3A_1041 = arith.subf %min3A_1037, %max3A_1040 : vector<256x256xf32>
    %jit3A_1042 = arith.constant 0.000000e+00 : f32
    %max3A_1043 = vector.broadcast %jit3A_1042 : f32 to vector<256x256xf32>
    %max3A_1044 = arith.maximumf %max3A_1043, %sub3A_1041 : vector<256x256xf32>
    %mul3A_1045 = arith.mulf %max3A_1034, %max3A_1044 : vector<256x256xf32>
    %slice3A_1046 = vector.extract_strided_slice %mul3A_78 {offsets = [0, 4], sizes = [256, 1], strides = [1, 1]} : vector<256x8xf32> to vector<256x1xf32>
    %slice3A_1047 = vector.extract_strided_slice %mul3A_75 {offsets = [5, 0], sizes = [1, 256], strides = [1, 1]} : vector<8x256xf32> to vector<1x256xf32>
    %add3A_1048 = vector.broadcast %slice3A_1046 : vector<256x1xf32> to vector<256x256xf32>
    %add3A_1049 = vector.broadcast %slice3A_1047 : vector<1x256xf32> to vector<256x256xf32>
    %add3A_1050 = arith.addf %add3A_1048, %add3A_1049 : vector<256x256xf32>
    %sub3A_1051 = arith.subf %add3A_1050, %mul3A_1045 : vector<256x256xf32>
    %add3A_1052 = arith.constant 9.99999971E-10 : f32
    %add3A_1053 = vector.broadcast %add3A_1052 : f32 to vector<256x256xf32>
    %add3A_1054 = arith.addf %sub3A_1051, %add3A_1053 : vector<256x256xf32>
    %div3A_1055 = arith.divf %mul3A_1045, %add3A_1054 : vector<256x256xf32>
    %gt3A_1056 = arith.constant 0.699999988 : f32
    %gt3A_1057 = vector.broadcast %gt3A_1056 : f32 to vector<256x256xf32>
    %gt3A_1058 = arith.cmpf ogt, %div3A_1055, %gt3A_1057 : vector<256x256xf32>
    %convert_element_type3A_1059 = arith.extui %gt3A_1058 : vector<256x256xi1> to vector<256x256xi32>
    %convert_element_type3A_1060 = arith.sitofp %convert_element_type3A_1059 : vector<256x256xi32> to vector<256x256xf32>
    %dot_general3A_1061 = arith.constant dense<0.000000e+00> : vector<1x256xf32>
    %dot_general3A_1062 = tpu.matmul %while3A_823#0, %convert_element_type3A_1060, %dot_general3A_1061 {dimension_numbers = #tpu.dot_dimension_numbers<[1], [0], [0], [1], [0, 0, 1, 1], [], []>, transpose_lhs_hint = false} : vector<1x256xf32>, vector<256x256xf32>, vector<1x256xf32> -> vector<1x256xf32>
    %add3A_1063 = arith.addf %add3A_1016, %dot_general3A_1062 : vector<1x256xf32>
    %lt3A_1064 = arith.constant 5.000000e-01 : f32
    %lt3A_1065 = vector.broadcast %lt3A_1064 : f32 to vector<1x256xf32>
    %lt3A_1066 = arith.cmpf olt, %add3A_1063, %lt3A_1065 : vector<1x256xf32>
    %convert_element_type3A_1067 = arith.extui %lt3A_1066 : vector<1x256xi1> to vector<1x256xi32>
    %convert_element_type3A_1068 = arith.sitofp %convert_element_type3A_1067 : vector<1x256xi32> to vector<1x256xf32>
    %slice3A_1069 = vector.extract_strided_slice %add3A_64 {offsets = [0, 5], sizes = [256, 1], strides = [1, 1]} : vector<256x8xf32> to vector<256x1xf32>
    %slice3A_1070 = vector.extract_strided_slice %add3A_67 {offsets = [0, 5], sizes = [256, 1], strides = [1, 1]} : vector<256x8xf32> to vector<256x1xf32>
    %slice3A_1071 = vector.extract_strided_slice %add3A_70 {offsets = [0, 5], sizes = [256, 1], strides = [1, 1]} : vector<256x8xf32> to vector<256x1xf32>
    %slice3A_1072 = vector.extract_strided_slice %add3A_73 {offsets = [0, 5], sizes = [256, 1], strides = [1, 1]} : vector<256x8xf32> to vector<256x1xf32>
    %slice3A_1073 = vector.extract_strided_slice %add3A_52 {offsets = [5, 0], sizes = [1, 256], strides = [1, 1]} : vector<8x256xf32> to vector<1x256xf32>
    %slice3A_1074 = vector.extract_strided_slice %add3A_55 {offsets = [5, 0], sizes = [1, 256], strides = [1, 1]} : vector<8x256xf32> to vector<1x256xf32>
    %slice3A_1075 = vector.extract_strided_slice %add3A_58 {offsets = [5, 0], sizes = [1, 256], strides = [1, 1]} : vector<8x256xf32> to vector<1x256xf32>
    %slice3A_1076 = vector.extract_strided_slice %add3A_61 {offsets = [5, 0], sizes = [1, 256], strides = [1, 1]} : vector<8x256xf32> to vector<1x256xf32>
    %min3A_1077 = vector.broadcast %slice3A_1071 : vector<256x1xf32> to vector<256x256xf32>
    %min3A_1078 = vector.broadcast %slice3A_1075 : vector<1x256xf32> to vector<256x256xf32>
    %min3A_1079 = arith.minimumf %min3A_1077, %min3A_1078 : vector<256x256xf32>
    %max3A_1080 = vector.broadcast %slice3A_1069 : vector<256x1xf32> to vector<256x256xf32>
    %max3A_1081 = vector.broadcast %slice3A_1073 : vector<1x256xf32> to vector<256x256xf32>
    %max3A_1082 = arith.maximumf %max3A_1080, %max3A_1081 : vector<256x256xf32>
    %sub3A_1083 = arith.subf %min3A_1079, %max3A_1082 : vector<256x256xf32>
    %jit3A_1084 = arith.constant 0.000000e+00 : f32
    %max3A_1085 = vector.broadcast %jit3A_1084 : f32 to vector<256x256xf32>
    %max3A_1086 = arith.maximumf %max3A_1085, %sub3A_1083 : vector<256x256xf32>
    %min3A_1087 = vector.broadcast %slice3A_1072 : vector<256x1xf32> to vector<256x256xf32>
    %min3A_1088 = vector.broadcast %slice3A_1076 : vector<1x256xf32> to vector<256x256xf32>
    %min3A_1089 = arith.minimumf %min3A_1087, %min3A_1088 : vector<256x256xf32>
    %max3A_1090 = vector.broadcast %slice3A_1070 : vector<256x1xf32> to vector<256x256xf32>
    %max3A_1091 = vector.broadcast %slice3A_1074 : vector<1x256xf32> to vector<256x256xf32>
    %max3A_1092 = arith.maximumf %max3A_1090, %max3A_1091 : vector<256x256xf32>
    %sub3A_1093 = arith.subf %min3A_1089, %max3A_1092 : vector<256x256xf32>
    %jit3A_1094 = arith.constant 0.000000e+00 : f32
    %max3A_1095 = vector.broadcast %jit3A_1094 : f32 to vector<256x256xf32>
    %max3A_1096 = arith.maximumf %max3A_1095, %sub3A_1093 : vector<256x256xf32>
    %mul3A_1097 = arith.mulf %max3A_1086, %max3A_1096 : vector<256x256xf32>
    %slice3A_1098 = vector.extract_strided_slice %mul3A_78 {offsets = [0, 5], sizes = [256, 1], strides = [1, 1]} : vector<256x8xf32> to vector<256x1xf32>
    %slice3A_1099 = vector.extract_strided_slice %mul3A_75 {offsets = [5, 0], sizes = [1, 256], strides = [1, 1]} : vector<8x256xf32> to vector<1x256xf32>
    %add3A_1100 = vector.broadcast %slice3A_1098 : vector<256x1xf32> to vector<256x256xf32>
    %add3A_1101 = vector.broadcast %slice3A_1099 : vector<1x256xf32> to vector<256x256xf32>
    %add3A_1102 = arith.addf %add3A_1100, %add3A_1101 : vector<256x256xf32>
    %sub3A_1103 = arith.subf %add3A_1102, %mul3A_1097 : vector<256x256xf32>
    %add3A_1104 = arith.constant 9.99999971E-10 : f32
    %add3A_1105 = vector.broadcast %add3A_1104 : f32 to vector<256x256xf32>
    %add3A_1106 = arith.addf %sub3A_1103, %add3A_1105 : vector<256x256xf32>
    %div3A_1107 = arith.divf %mul3A_1097, %add3A_1106 : vector<256x256xf32>
    %gt3A_1108 = arith.constant 0.699999988 : f32
    %gt3A_1109 = vector.broadcast %gt3A_1108 : f32 to vector<256x256xf32>
    %gt3A_1110 = arith.cmpf ogt, %div3A_1107, %gt3A_1109 : vector<256x256xf32>
    %convert_element_type3A_1111 = arith.extui %gt3A_1110 : vector<256x256xi1> to vector<256x256xi32>
    %convert_element_type3A_1112 = arith.sitofp %convert_element_type3A_1111 : vector<256x256xi32> to vector<256x256xf32>
    %mul3A_1113 = arith.mulf %convert_element_type3A_1112, %convert_element_type3A_80 : vector<256x256xf32>
    %while3A_1114 = arith.constant true
    %while3A_1115:2 = scf.while (%while3A_1844 = %convert_element_type3A_1068, %while3A_1845 = %while3A_1114) : (vector<1x256xf32>, i1) -> (vector<1x256xf32>, i1) {
      scf.condition(%while3A_1845) %while3A_1844, %while3A_1845 : vector<1x256xf32>, i1
    } do {
    ^bb0(%while3A_1844: vector<1x256xf32>, %while3A_1845: i1):
      %dot_general3A_1846 = arith.constant dense<0.000000e+00> : vector<1x256xf32>
      %dot_general3A_1847 = tpu.matmul %while3A_1844, %mul3A_1113, %dot_general3A_1846 {dimension_numbers = #tpu.dot_dimension_numbers<[1], [0], [0], [1], [0, 0, 1, 1], [], []>, transpose_lhs_hint = false} : vector<1x256xf32>, vector<256x256xf32>, vector<1x256xf32> -> vector<1x256xf32>
      %lt3A_1848 = arith.constant 5.000000e-01 : f32
      %lt3A_1849 = vector.broadcast %lt3A_1848 : f32 to vector<1x256xf32>
      %lt3A_1850 = arith.cmpf olt, %dot_general3A_1847, %lt3A_1849 : vector<1x256xf32>
      %convert_element_type3A_1851 = arith.extui %lt3A_1850 : vector<1x256xi1> to vector<1x256xi32>
      %convert_element_type3A_1852 = arith.sitofp %convert_element_type3A_1851 : vector<1x256xi32> to vector<1x256xf32>
      %mul3A_1853 = arith.mulf %convert_element_type3A_1068, %convert_element_type3A_1852 : vector<1x256xf32>
      %ne3A = arith.cmpf one, %mul3A_1853, %while3A_1844 : vector<1x256xf32>
      %reduce_or3A = arith.constant 1.000000e+00 : f32
      %reduce_or3A_1854 = arith.constant 0.000000e+00 : f32
      %reduce_or3A_1855 = vector.broadcast %reduce_or3A : f32 to vector<1x256xf32>
      %reduce_or3A_1856 = vector.broadcast %reduce_or3A_1854 : f32 to vector<1x256xf32>
      %reduce_or3A_1857 = arith.select %ne3A, %reduce_or3A_1855, %reduce_or3A_1856 : vector<1x256xi1>, vector<1x256xf32>
      %reduce_or3A_1858 = vector.shape_cast %reduce_or3A_1857 : vector<1x256xf32> to vector<1x1x256xf32>
      %reduce_or3A_1859 = arith.constant dense<0xFF800000> : vector<1xf32>
      %reduce_or3A_1860 = vector.multi_reduction <maximumf>, %reduce_or3A_1858, %reduce_or3A_1859 [1, 2] : vector<1x1x256xf32> to vector<1xf32>
      %reduce_or3A_1861 = vector.shape_cast %reduce_or3A_1860 : vector<1xf32> to vector<1x1x1xf32>
      %reduce_or3A_1862 = vector.extract %reduce_or3A_1861[0, 0, 0] : f32 from vector<1x1x1xf32>
      %reduce_or3A_1863 = arith.constant 0.000000e+00 : f32
      %reduce_or3A_1864 = arith.cmpf ogt, %reduce_or3A_1862, %reduce_or3A_1863 : f32
      scf.yield %mul3A_1853, %reduce_or3A_1864 : vector<1x256xf32>, i1
    }
    %swap3A_1116 = arith.constant 5 : index
    %swap3A_1117 = arith.constant 0 : index
    %swap3A_1118 = vector.load %arg2[%swap3A_1116, %swap3A_1117] : memref<8x256xf32, #tpu.memory_space<vmem>>, vector<1x256xf32>
    tpu.vector_store %arg2[%swap3A_1116, %swap3A_1117], %while3A_1115#0 {strides = array<i32>} : memref<8x256xf32, #tpu.memory_space<vmem>>, vector<1x256xf32>,
    %broadcast_in_dim3A_1119 = arith.constant 0.000000e+00 : f32
    %broadcast_in_dim3A_1120 = vector.broadcast %broadcast_in_dim3A_1119 : f32 to vector<1x256xf32>
    %slice3A_1121 = vector.extract_strided_slice %add3A_64 {offsets = [0, 0], sizes = [256, 1], strides = [1, 1]} : vector<256x8xf32> to vector<256x1xf32>
    %slice3A_1122 = vector.extract_strided_slice %add3A_67 {offsets = [0, 0], sizes = [256, 1], strides = [1, 1]} : vector<256x8xf32> to vector<256x1xf32>
    %slice3A_1123 = vector.extract_strided_slice %add3A_70 {offsets = [0, 0], sizes = [256, 1], strides = [1, 1]} : vector<256x8xf32> to vector<256x1xf32>
    %slice3A_1124 = vector.extract_strided_slice %add3A_73 {offsets = [0, 0], sizes = [256, 1], strides = [1, 1]} : vector<256x8xf32> to vector<256x1xf32>
    %slice3A_1125 = vector.extract_strided_slice %add3A_52 {offsets = [6, 0], sizes = [1, 256], strides = [1, 1]} : vector<8x256xf32> to vector<1x256xf32>
    %slice3A_1126 = vector.extract_strided_slice %add3A_55 {offsets = [6, 0], sizes = [1, 256], strides = [1, 1]} : vector<8x256xf32> to vector<1x256xf32>
    %slice3A_1127 = vector.extract_strided_slice %add3A_58 {offsets = [6, 0], sizes = [1, 256], strides = [1, 1]} : vector<8x256xf32> to vector<1x256xf32>
    %slice3A_1128 = vector.extract_strided_slice %add3A_61 {offsets = [6, 0], sizes = [1, 256], strides = [1, 1]} : vector<8x256xf32> to vector<1x256xf32>
    %min3A_1129 = vector.broadcast %slice3A_1123 : vector<256x1xf32> to vector<256x256xf32>
    %min3A_1130 = vector.broadcast %slice3A_1127 : vector<1x256xf32> to vector<256x256xf32>
    %min3A_1131 = arith.minimumf %min3A_1129, %min3A_1130 : vector<256x256xf32>
    %max3A_1132 = vector.broadcast %slice3A_1121 : vector<256x1xf32> to vector<256x256xf32>
    %max3A_1133 = vector.broadcast %slice3A_1125 : vector<1x256xf32> to vector<256x256xf32>
    %max3A_1134 = arith.maximumf %max3A_1132, %max3A_1133 : vector<256x256xf32>
    %sub3A_1135 = arith.subf %min3A_1131, %max3A_1134 : vector<256x256xf32>
    %jit3A_1136 = arith.constant 0.000000e+00 : f32
    %max3A_1137 = vector.broadcast %jit3A_1136 : f32 to vector<256x256xf32>
    %max3A_1138 = arith.maximumf %max3A_1137, %sub3A_1135 : vector<256x256xf32>
    %min3A_1139 = vector.broadcast %slice3A_1124 : vector<256x1xf32> to vector<256x256xf32>
    %min3A_1140 = vector.broadcast %slice3A_1128 : vector<1x256xf32> to vector<256x256xf32>
    %min3A_1141 = arith.minimumf %min3A_1139, %min3A_1140 : vector<256x256xf32>
    %max3A_1142 = vector.broadcast %slice3A_1122 : vector<256x1xf32> to vector<256x256xf32>
    %max3A_1143 = vector.broadcast %slice3A_1126 : vector<1x256xf32> to vector<256x256xf32>
    %max3A_1144 = arith.maximumf %max3A_1142, %max3A_1143 : vector<256x256xf32>
    %sub3A_1145 = arith.subf %min3A_1141, %max3A_1144 : vector<256x256xf32>
    %jit3A_1146 = arith.constant 0.000000e+00 : f32
    %max3A_1147 = vector.broadcast %jit3A_1146 : f32 to vector<256x256xf32>
    %max3A_1148 = arith.maximumf %max3A_1147, %sub3A_1145 : vector<256x256xf32>
    %mul3A_1149 = arith.mulf %max3A_1138, %max3A_1148 : vector<256x256xf32>
    %slice3A_1150 = vector.extract_strided_slice %mul3A_78 {offsets = [0, 0], sizes = [256, 1], strides = [1, 1]} : vector<256x8xf32> to vector<256x1xf32>
    %slice3A_1151 = vector.extract_strided_slice %mul3A_75 {offsets = [6, 0], sizes = [1, 256], strides = [1, 1]} : vector<8x256xf32> to vector<1x256xf32>
    %add3A_1152 = vector.broadcast %slice3A_1150 : vector<256x1xf32> to vector<256x256xf32>
    %add3A_1153 = vector.broadcast %slice3A_1151 : vector<1x256xf32> to vector<256x256xf32>
    %add3A_1154 = arith.addf %add3A_1152, %add3A_1153 : vector<256x256xf32>
    %sub3A_1155 = arith.subf %add3A_1154, %mul3A_1149 : vector<256x256xf32>
    %add3A_1156 = arith.constant 9.99999971E-10 : f32
    %add3A_1157 = vector.broadcast %add3A_1156 : f32 to vector<256x256xf32>
    %add3A_1158 = arith.addf %sub3A_1155, %add3A_1157 : vector<256x256xf32>
    %div3A_1159 = arith.divf %mul3A_1149, %add3A_1158 : vector<256x256xf32>
    %gt3A_1160 = arith.constant 0.699999988 : f32
    %gt3A_1161 = vector.broadcast %gt3A_1160 : f32 to vector<256x256xf32>
    %gt3A_1162 = arith.cmpf ogt, %div3A_1159, %gt3A_1161 : vector<256x256xf32>
    %convert_element_type3A_1163 = arith.extui %gt3A_1162 : vector<256x256xi1> to vector<256x256xi32>
    %convert_element_type3A_1164 = arith.sitofp %convert_element_type3A_1163 : vector<256x256xi32> to vector<256x256xf32>
    %dot_general3A_1165 = arith.constant dense<0.000000e+00> : vector<1x256xf32>
    %dot_general3A_1166 = tpu.matmul %while3A_127#0, %convert_element_type3A_1164, %dot_general3A_1165 {dimension_numbers = #tpu.dot_dimension_numbers<[1], [0], [0], [1], [0, 0, 1, 1], [], []>, transpose_lhs_hint = false} : vector<1x256xf32>, vector<256x256xf32>, vector<1x256xf32> -> vector<1x256xf32>
    %add3A_1167 = arith.addf %broadcast_in_dim3A_1120, %dot_general3A_1166 : vector<1x256xf32>
    %slice3A_1168 = vector.extract_strided_slice %add3A_64 {offsets = [0, 1], sizes = [256, 1], strides = [1, 1]} : vector<256x8xf32> to vector<256x1xf32>
    %slice3A_1169 = vector.extract_strided_slice %add3A_67 {offsets = [0, 1], sizes = [256, 1], strides = [1, 1]} : vector<256x8xf32> to vector<256x1xf32>
    %slice3A_1170 = vector.extract_strided_slice %add3A_70 {offsets = [0, 1], sizes = [256, 1], strides = [1, 1]} : vector<256x8xf32> to vector<256x1xf32>
    %slice3A_1171 = vector.extract_strided_slice %add3A_73 {offsets = [0, 1], sizes = [256, 1], strides = [1, 1]} : vector<256x8xf32> to vector<256x1xf32>
    %slice3A_1172 = vector.extract_strided_slice %add3A_52 {offsets = [6, 0], sizes = [1, 256], strides = [1, 1]} : vector<8x256xf32> to vector<1x256xf32>
    %slice3A_1173 = vector.extract_strided_slice %add3A_55 {offsets = [6, 0], sizes = [1, 256], strides = [1, 1]} : vector<8x256xf32> to vector<1x256xf32>
    %slice3A_1174 = vector.extract_strided_slice %add3A_58 {offsets = [6, 0], sizes = [1, 256], strides = [1, 1]} : vector<8x256xf32> to vector<1x256xf32>
    %slice3A_1175 = vector.extract_strided_slice %add3A_61 {offsets = [6, 0], sizes = [1, 256], strides = [1, 1]} : vector<8x256xf32> to vector<1x256xf32>
    %min3A_1176 = vector.broadcast %slice3A_1170 : vector<256x1xf32> to vector<256x256xf32>
    %min3A_1177 = vector.broadcast %slice3A_1174 : vector<1x256xf32> to vector<256x256xf32>
    %min3A_1178 = arith.minimumf %min3A_1176, %min3A_1177 : vector<256x256xf32>
    %max3A_1179 = vector.broadcast %slice3A_1168 : vector<256x1xf32> to vector<256x256xf32>
    %max3A_1180 = vector.broadcast %slice3A_1172 : vector<1x256xf32> to vector<256x256xf32>
    %max3A_1181 = arith.maximumf %max3A_1179, %max3A_1180 : vector<256x256xf32>
    %sub3A_1182 = arith.subf %min3A_1178, %max3A_1181 : vector<256x256xf32>
    %jit3A_1183 = arith.constant 0.000000e+00 : f32
    %max3A_1184 = vector.broadcast %jit3A_1183 : f32 to vector<256x256xf32>
    %max3A_1185 = arith.maximumf %max3A_1184, %sub3A_1182 : vector<256x256xf32>
    %min3A_1186 = vector.broadcast %slice3A_1171 : vector<256x1xf32> to vector<256x256xf32>
    %min3A_1187 = vector.broadcast %slice3A_1175 : vector<1x256xf32> to vector<256x256xf32>
    %min3A_1188 = arith.minimumf %min3A_1186, %min3A_1187 : vector<256x256xf32>
    %max3A_1189 = vector.broadcast %slice3A_1169 : vector<256x1xf32> to vector<256x256xf32>
    %max3A_1190 = vector.broadcast %slice3A_1173 : vector<1x256xf32> to vector<256x256xf32>
    %max3A_1191 = arith.maximumf %max3A_1189, %max3A_1190 : vector<256x256xf32>
    %sub3A_1192 = arith.subf %min3A_1188, %max3A_1191 : vector<256x256xf32>
    %jit3A_1193 = arith.constant 0.000000e+00 : f32
    %max3A_1194 = vector.broadcast %jit3A_1193 : f32 to vector<256x256xf32>
    %max3A_1195 = arith.maximumf %max3A_1194, %sub3A_1192 : vector<256x256xf32>
    %mul3A_1196 = arith.mulf %max3A_1185, %max3A_1195 : vector<256x256xf32>
    %slice3A_1197 = vector.extract_strided_slice %mul3A_78 {offsets = [0, 1], sizes = [256, 1], strides = [1, 1]} : vector<256x8xf32> to vector<256x1xf32>
    %slice3A_1198 = vector.extract_strided_slice %mul3A_75 {offsets = [6, 0], sizes = [1, 256], strides = [1, 1]} : vector<8x256xf32> to vector<1x256xf32>
    %add3A_1199 = vector.broadcast %slice3A_1197 : vector<256x1xf32> to vector<256x256xf32>
    %add3A_1200 = vector.broadcast %slice3A_1198 : vector<1x256xf32> to vector<256x256xf32>
    %add3A_1201 = arith.addf %add3A_1199, %add3A_1200 : vector<256x256xf32>
    %sub3A_1202 = arith.subf %add3A_1201, %mul3A_1196 : vector<256x256xf32>
    %add3A_1203 = arith.constant 9.99999971E-10 : f32
    %add3A_1204 = vector.broadcast %add3A_1203 : f32 to vector<256x256xf32>
    %add3A_1205 = arith.addf %sub3A_1202, %add3A_1204 : vector<256x256xf32>
    %div3A_1206 = arith.divf %mul3A_1196, %add3A_1205 : vector<256x256xf32>
    %gt3A_1207 = arith.constant 0.699999988 : f32
    %gt3A_1208 = vector.broadcast %gt3A_1207 : f32 to vector<256x256xf32>
    %gt3A_1209 = arith.cmpf ogt, %div3A_1206, %gt3A_1208 : vector<256x256xf32>
    %convert_element_type3A_1210 = arith.extui %gt3A_1209 : vector<256x256xi1> to vector<256x256xi32>
    %convert_element_type3A_1211 = arith.sitofp %convert_element_type3A_1210 : vector<256x256xi32> to vector<256x256xf32>
    %dot_general3A_1212 = arith.constant dense<0.000000e+00> : vector<1x256xf32>
    %dot_general3A_1213 = tpu.matmul %while3A_229#0, %convert_element_type3A_1211, %dot_general3A_1212 {dimension_numbers = #tpu.dot_dimension_numbers<[1], [0], [0], [1], [0, 0, 1, 1], [], []>, transpose_lhs_hint = false} : vector<1x256xf32>, vector<256x256xf32>, vector<1x256xf32> -> vector<1x256xf32>
    %add3A_1214 = arith.addf %add3A_1167, %dot_general3A_1213 : vector<1x256xf32>
    %slice3A_1215 = vector.extract_strided_slice %add3A_64 {offsets = [0, 2], sizes = [256, 1], strides = [1, 1]} : vector<256x8xf32> to vector<256x1xf32>
    %slice3A_1216 = vector.extract_strided_slice %add3A_67 {offsets = [0, 2], sizes = [256, 1], strides = [1, 1]} : vector<256x8xf32> to vector<256x1xf32>
    %slice3A_1217 = vector.extract_strided_slice %add3A_70 {offsets = [0, 2], sizes = [256, 1], strides = [1, 1]} : vector<256x8xf32> to vector<256x1xf32>
    %slice3A_1218 = vector.extract_strided_slice %add3A_73 {offsets = [0, 2], sizes = [256, 1], strides = [1, 1]} : vector<256x8xf32> to vector<256x1xf32>
    %slice3A_1219 = vector.extract_strided_slice %add3A_52 {offsets = [6, 0], sizes = [1, 256], strides = [1, 1]} : vector<8x256xf32> to vector<1x256xf32>
    %slice3A_1220 = vector.extract_strided_slice %add3A_55 {offsets = [6, 0], sizes = [1, 256], strides = [1, 1]} : vector<8x256xf32> to vector<1x256xf32>
    %slice3A_1221 = vector.extract_strided_slice %add3A_58 {offsets = [6, 0], sizes = [1, 256], strides = [1, 1]} : vector<8x256xf32> to vector<1x256xf32>
    %slice3A_1222 = vector.extract_strided_slice %add3A_61 {offsets = [6, 0], sizes = [1, 256], strides = [1, 1]} : vector<8x256xf32> to vector<1x256xf32>
    %min3A_1223 = vector.broadcast %slice3A_1217 : vector<256x1xf32> to vector<256x256xf32>
    %min3A_1224 = vector.broadcast %slice3A_1221 : vector<1x256xf32> to vector<256x256xf32>
    %min3A_1225 = arith.minimumf %min3A_1223, %min3A_1224 : vector<256x256xf32>
    %max3A_1226 = vector.broadcast %slice3A_1215 : vector<256x1xf32> to vector<256x256xf32>
    %max3A_1227 = vector.broadcast %slice3A_1219 : vector<1x256xf32> to vector<256x256xf32>
    %max3A_1228 = arith.maximumf %max3A_1226, %max3A_1227 : vector<256x256xf32>
    %sub3A_1229 = arith.subf %min3A_1225, %max3A_1228 : vector<256x256xf32>
    %jit3A_1230 = arith.constant 0.000000e+00 : f32
    %max3A_1231 = vector.broadcast %jit3A_1230 : f32 to vector<256x256xf32>
    %max3A_1232 = arith.maximumf %max3A_1231, %sub3A_1229 : vector<256x256xf32>
    %min3A_1233 = vector.broadcast %slice3A_1218 : vector<256x1xf32> to vector<256x256xf32>
    %min3A_1234 = vector.broadcast %slice3A_1222 : vector<1x256xf32> to vector<256x256xf32>
    %min3A_1235 = arith.minimumf %min3A_1233, %min3A_1234 : vector<256x256xf32>
    %max3A_1236 = vector.broadcast %slice3A_1216 : vector<256x1xf32> to vector<256x256xf32>
    %max3A_1237 = vector.broadcast %slice3A_1220 : vector<1x256xf32> to vector<256x256xf32>
    %max3A_1238 = arith.maximumf %max3A_1236, %max3A_1237 : vector<256x256xf32>
    %sub3A_1239 = arith.subf %min3A_1235, %max3A_1238 : vector<256x256xf32>
    %jit3A_1240 = arith.constant 0.000000e+00 : f32
    %max3A_1241 = vector.broadcast %jit3A_1240 : f32 to vector<256x256xf32>
    %max3A_1242 = arith.maximumf %max3A_1241, %sub3A_1239 : vector<256x256xf32>
    %mul3A_1243 = arith.mulf %max3A_1232, %max3A_1242 : vector<256x256xf32>
    %slice3A_1244 = vector.extract_strided_slice %mul3A_78 {offsets = [0, 2], sizes = [256, 1], strides = [1, 1]} : vector<256x8xf32> to vector<256x1xf32>
    %slice3A_1245 = vector.extract_strided_slice %mul3A_75 {offsets = [6, 0], sizes = [1, 256], strides = [1, 1]} : vector<8x256xf32> to vector<1x256xf32>
    %add3A_1246 = vector.broadcast %slice3A_1244 : vector<256x1xf32> to vector<256x256xf32>
    %add3A_1247 = vector.broadcast %slice3A_1245 : vector<1x256xf32> to vector<256x256xf32>
    %add3A_1248 = arith.addf %add3A_1246, %add3A_1247 : vector<256x256xf32>
    %sub3A_1249 = arith.subf %add3A_1248, %mul3A_1243 : vector<256x256xf32>
    %add3A_1250 = arith.constant 9.99999971E-10 : f32
    %add3A_1251 = vector.broadcast %add3A_1250 : f32 to vector<256x256xf32>
    %add3A_1252 = arith.addf %sub3A_1249, %add3A_1251 : vector<256x256xf32>
    %div3A_1253 = arith.divf %mul3A_1243, %add3A_1252 : vector<256x256xf32>
    %gt3A_1254 = arith.constant 0.699999988 : f32
    %gt3A_1255 = vector.broadcast %gt3A_1254 : f32 to vector<256x256xf32>
    %gt3A_1256 = arith.cmpf ogt, %div3A_1253, %gt3A_1255 : vector<256x256xf32>
    %convert_element_type3A_1257 = arith.extui %gt3A_1256 : vector<256x256xi1> to vector<256x256xi32>
    %convert_element_type3A_1258 = arith.sitofp %convert_element_type3A_1257 : vector<256x256xi32> to vector<256x256xf32>
    %dot_general3A_1259 = arith.constant dense<0.000000e+00> : vector<1x256xf32>
    %dot_general3A_1260 = tpu.matmul %while3A_380#0, %convert_element_type3A_1258, %dot_general3A_1259 {dimension_numbers = #tpu.dot_dimension_numbers<[1], [0], [0], [1], [0, 0, 1, 1], [], []>, transpose_lhs_hint = false} : vector<1x256xf32>, vector<256x256xf32>, vector<1x256xf32> -> vector<1x256xf32>
    %add3A_1261 = arith.addf %add3A_1214, %dot_general3A_1260 : vector<1x256xf32>
    %slice3A_1262 = vector.extract_strided_slice %add3A_64 {offsets = [0, 3], sizes = [256, 1], strides = [1, 1]} : vector<256x8xf32> to vector<256x1xf32>
    %slice3A_1263 = vector.extract_strided_slice %add3A_67 {offsets = [0, 3], sizes = [256, 1], strides = [1, 1]} : vector<256x8xf32> to vector<256x1xf32>
    %slice3A_1264 = vector.extract_strided_slice %add3A_70 {offsets = [0, 3], sizes = [256, 1], strides = [1, 1]} : vector<256x8xf32> to vector<256x1xf32>
    %slice3A_1265 = vector.extract_strided_slice %add3A_73 {offsets = [0, 3], sizes = [256, 1], strides = [1, 1]} : vector<256x8xf32> to vector<256x1xf32>
    %slice3A_1266 = vector.extract_strided_slice %add3A_52 {offsets = [6, 0], sizes = [1, 256], strides = [1, 1]} : vector<8x256xf32> to vector<1x256xf32>
    %slice3A_1267 = vector.extract_strided_slice %add3A_55 {offsets = [6, 0], sizes = [1, 256], strides = [1, 1]} : vector<8x256xf32> to vector<1x256xf32>
    %slice3A_1268 = vector.extract_strided_slice %add3A_58 {offsets = [6, 0], sizes = [1, 256], strides = [1, 1]} : vector<8x256xf32> to vector<1x256xf32>
    %slice3A_1269 = vector.extract_strided_slice %add3A_61 {offsets = [6, 0], sizes = [1, 256], strides = [1, 1]} : vector<8x256xf32> to vector<1x256xf32>
    %min3A_1270 = vector.broadcast %slice3A_1264 : vector<256x1xf32> to vector<256x256xf32>
    %min3A_1271 = vector.broadcast %slice3A_1268 : vector<1x256xf32> to vector<256x256xf32>
    %min3A_1272 = arith.minimumf %min3A_1270, %min3A_1271 : vector<256x256xf32>
    %max3A_1273 = vector.broadcast %slice3A_1262 : vector<256x1xf32> to vector<256x256xf32>
    %max3A_1274 = vector.broadcast %slice3A_1266 : vector<1x256xf32> to vector<256x256xf32>
    %max3A_1275 = arith.maximumf %max3A_1273, %max3A_1274 : vector<256x256xf32>
    %sub3A_1276 = arith.subf %min3A_1272, %max3A_1275 : vector<256x256xf32>
    %jit3A_1277 = arith.constant 0.000000e+00 : f32
    %max3A_1278 = vector.broadcast %jit3A_1277 : f32 to vector<256x256xf32>
    %max3A_1279 = arith.maximumf %max3A_1278, %sub3A_1276 : vector<256x256xf32>
    %min3A_1280 = vector.broadcast %slice3A_1265 : vector<256x1xf32> to vector<256x256xf32>
    %min3A_1281 = vector.broadcast %slice3A_1269 : vector<1x256xf32> to vector<256x256xf32>
    %min3A_1282 = arith.minimumf %min3A_1280, %min3A_1281 : vector<256x256xf32>
    %max3A_1283 = vector.broadcast %slice3A_1263 : vector<256x1xf32> to vector<256x256xf32>
    %max3A_1284 = vector.broadcast %slice3A_1267 : vector<1x256xf32> to vector<256x256xf32>
    %max3A_1285 = arith.maximumf %max3A_1283, %max3A_1284 : vector<256x256xf32>
    %sub3A_1286 = arith.subf %min3A_1282, %max3A_1285 : vector<256x256xf32>
    %jit3A_1287 = arith.constant 0.000000e+00 : f32
    %max3A_1288 = vector.broadcast %jit3A_1287 : f32 to vector<256x256xf32>
    %max3A_1289 = arith.maximumf %max3A_1288, %sub3A_1286 : vector<256x256xf32>
    %mul3A_1290 = arith.mulf %max3A_1279, %max3A_1289 : vector<256x256xf32>
    %slice3A_1291 = vector.extract_strided_slice %mul3A_78 {offsets = [0, 3], sizes = [256, 1], strides = [1, 1]} : vector<256x8xf32> to vector<256x1xf32>
    %slice3A_1292 = vector.extract_strided_slice %mul3A_75 {offsets = [6, 0], sizes = [1, 256], strides = [1, 1]} : vector<8x256xf32> to vector<1x256xf32>
    %add3A_1293 = vector.broadcast %slice3A_1291 : vector<256x1xf32> to vector<256x256xf32>
    %add3A_1294 = vector.broadcast %slice3A_1292 : vector<1x256xf32> to vector<256x256xf32>
    %add3A_1295 = arith.addf %add3A_1293, %add3A_1294 : vector<256x256xf32>
    %sub3A_1296 = arith.subf %add3A_1295, %mul3A_1290 : vector<256x256xf32>
    %add3A_1297 = arith.constant 9.99999971E-10 : f32
    %add3A_1298 = vector.broadcast %add3A_1297 : f32 to vector<256x256xf32>
    %add3A_1299 = arith.addf %sub3A_1296, %add3A_1298 : vector<256x256xf32>
    %div3A_1300 = arith.divf %mul3A_1290, %add3A_1299 : vector<256x256xf32>
    %gt3A_1301 = arith.constant 0.699999988 : f32
    %gt3A_1302 = vector.broadcast %gt3A_1301 : f32 to vector<256x256xf32>
    %gt3A_1303 = arith.cmpf ogt, %div3A_1300, %gt3A_1302 : vector<256x256xf32>
    %convert_element_type3A_1304 = arith.extui %gt3A_1303 : vector<256x256xi1> to vector<256x256xi32>
    %convert_element_type3A_1305 = arith.sitofp %convert_element_type3A_1304 : vector<256x256xi32> to vector<256x256xf32>
    %dot_general3A_1306 = arith.constant dense<0.000000e+00> : vector<1x256xf32>
    %dot_general3A_1307 = tpu.matmul %while3A_578#0, %convert_element_type3A_1305, %dot_general3A_1306 {dimension_numbers = #tpu.dot_dimension_numbers<[1], [0], [0], [1], [0, 0, 1, 1], [], []>, transpose_lhs_hint = false} : vector<1x256xf32>, vector<256x256xf32>, vector<1x256xf32> -> vector<1x256xf32>
    %add3A_1308 = arith.addf %add3A_1261, %dot_general3A_1307 : vector<1x256xf32>
    %slice3A_1309 = vector.extract_strided_slice %add3A_64 {offsets = [0, 4], sizes = [256, 1], strides = [1, 1]} : vector<256x8xf32> to vector<256x1xf32>
    %slice3A_1310 = vector.extract_strided_slice %add3A_67 {offsets = [0, 4], sizes = [256, 1], strides = [1, 1]} : vector<256x8xf32> to vector<256x1xf32>
    %slice3A_1311 = vector.extract_strided_slice %add3A_70 {offsets = [0, 4], sizes = [256, 1], strides = [1, 1]} : vector<256x8xf32> to vector<256x1xf32>
    %slice3A_1312 = vector.extract_strided_slice %add3A_73 {offsets = [0, 4], sizes = [256, 1], strides = [1, 1]} : vector<256x8xf32> to vector<256x1xf32>
    %slice3A_1313 = vector.extract_strided_slice %add3A_52 {offsets = [6, 0], sizes = [1, 256], strides = [1, 1]} : vector<8x256xf32> to vector<1x256xf32>
    %slice3A_1314 = vector.extract_strided_slice %add3A_55 {offsets = [6, 0], sizes = [1, 256], strides = [1, 1]} : vector<8x256xf32> to vector<1x256xf32>
    %slice3A_1315 = vector.extract_strided_slice %add3A_58 {offsets = [6, 0], sizes = [1, 256], strides = [1, 1]} : vector<8x256xf32> to vector<1x256xf32>
    %slice3A_1316 = vector.extract_strided_slice %add3A_61 {offsets = [6, 0], sizes = [1, 256], strides = [1, 1]} : vector<8x256xf32> to vector<1x256xf32>
    %min3A_1317 = vector.broadcast %slice3A_1311 : vector<256x1xf32> to vector<256x256xf32>
    %min3A_1318 = vector.broadcast %slice3A_1315 : vector<1x256xf32> to vector<256x256xf32>
    %min3A_1319 = arith.minimumf %min3A_1317, %min3A_1318 : vector<256x256xf32>
    %max3A_1320 = vector.broadcast %slice3A_1309 : vector<256x1xf32> to vector<256x256xf32>
    %max3A_1321 = vector.broadcast %slice3A_1313 : vector<1x256xf32> to vector<256x256xf32>
    %max3A_1322 = arith.maximumf %max3A_1320, %max3A_1321 : vector<256x256xf32>
    %sub3A_1323 = arith.subf %min3A_1319, %max3A_1322 : vector<256x256xf32>
    %jit3A_1324 = arith.constant 0.000000e+00 : f32
    %max3A_1325 = vector.broadcast %jit3A_1324 : f32 to vector<256x256xf32>
    %max3A_1326 = arith.maximumf %max3A_1325, %sub3A_1323 : vector<256x256xf32>
    %min3A_1327 = vector.broadcast %slice3A_1312 : vector<256x1xf32> to vector<256x256xf32>
    %min3A_1328 = vector.broadcast %slice3A_1316 : vector<1x256xf32> to vector<256x256xf32>
    %min3A_1329 = arith.minimumf %min3A_1327, %min3A_1328 : vector<256x256xf32>
    %max3A_1330 = vector.broadcast %slice3A_1310 : vector<256x1xf32> to vector<256x256xf32>
    %max3A_1331 = vector.broadcast %slice3A_1314 : vector<1x256xf32> to vector<256x256xf32>
    %max3A_1332 = arith.maximumf %max3A_1330, %max3A_1331 : vector<256x256xf32>
    %sub3A_1333 = arith.subf %min3A_1329, %max3A_1332 : vector<256x256xf32>
    %jit3A_1334 = arith.constant 0.000000e+00 : f32
    %max3A_1335 = vector.broadcast %jit3A_1334 : f32 to vector<256x256xf32>
    %max3A_1336 = arith.maximumf %max3A_1335, %sub3A_1333 : vector<256x256xf32>
    %mul3A_1337 = arith.mulf %max3A_1326, %max3A_1336 : vector<256x256xf32>
    %slice3A_1338 = vector.extract_strided_slice %mul3A_78 {offsets = [0, 4], sizes = [256, 1], strides = [1, 1]} : vector<256x8xf32> to vector<256x1xf32>
    %slice3A_1339 = vector.extract_strided_slice %mul3A_75 {offsets = [6, 0], sizes = [1, 256], strides = [1, 1]} : vector<8x256xf32> to vector<1x256xf32>
    %add3A_1340 = vector.broadcast %slice3A_1338 : vector<256x1xf32> to vector<256x256xf32>
    %add3A_1341 = vector.broadcast %slice3A_1339 : vector<1x256xf32> to vector<256x256xf32>
    %add3A_1342 = arith.addf %add3A_1340, %add3A_1341 : vector<256x256xf32>
    %sub3A_1343 = arith.subf %add3A_1342, %mul3A_1337 : vector<256x256xf32>
    %add3A_1344 = arith.constant 9.99999971E-10 : f32
    %add3A_1345 = vector.broadcast %add3A_1344 : f32 to vector<256x256xf32>
    %add3A_1346 = arith.addf %sub3A_1343, %add3A_1345 : vector<256x256xf32>
    %div3A_1347 = arith.divf %mul3A_1337, %add3A_1346 : vector<256x256xf32>
    %gt3A_1348 = arith.constant 0.699999988 : f32
    %gt3A_1349 = vector.broadcast %gt3A_1348 : f32 to vector<256x256xf32>
    %gt3A_1350 = arith.cmpf ogt, %div3A_1347, %gt3A_1349 : vector<256x256xf32>
    %convert_element_type3A_1351 = arith.extui %gt3A_1350 : vector<256x256xi1> to vector<256x256xi32>
    %convert_element_type3A_1352 = arith.sitofp %convert_element_type3A_1351 : vector<256x256xi32> to vector<256x256xf32>
    %dot_general3A_1353 = arith.constant dense<0.000000e+00> : vector<1x256xf32>
    %dot_general3A_1354 = tpu.matmul %while3A_823#0, %convert_element_type3A_1352, %dot_general3A_1353 {dimension_numbers = #tpu.dot_dimension_numbers<[1], [0], [0], [1], [0, 0, 1, 1], [], []>, transpose_lhs_hint = false} : vector<1x256xf32>, vector<256x256xf32>, vector<1x256xf32> -> vector<1x256xf32>
    %add3A_1355 = arith.addf %add3A_1308, %dot_general3A_1354 : vector<1x256xf32>
    %slice3A_1356 = vector.extract_strided_slice %add3A_64 {offsets = [0, 5], sizes = [256, 1], strides = [1, 1]} : vector<256x8xf32> to vector<256x1xf32>
    %slice3A_1357 = vector.extract_strided_slice %add3A_67 {offsets = [0, 5], sizes = [256, 1], strides = [1, 1]} : vector<256x8xf32> to vector<256x1xf32>
    %slice3A_1358 = vector.extract_strided_slice %add3A_70 {offsets = [0, 5], sizes = [256, 1], strides = [1, 1]} : vector<256x8xf32> to vector<256x1xf32>
    %slice3A_1359 = vector.extract_strided_slice %add3A_73 {offsets = [0, 5], sizes = [256, 1], strides = [1, 1]} : vector<256x8xf32> to vector<256x1xf32>
    %slice3A_1360 = vector.extract_strided_slice %add3A_52 {offsets = [6, 0], sizes = [1, 256], strides = [1, 1]} : vector<8x256xf32> to vector<1x256xf32>
    %slice3A_1361 = vector.extract_strided_slice %add3A_55 {offsets = [6, 0], sizes = [1, 256], strides = [1, 1]} : vector<8x256xf32> to vector<1x256xf32>
    %slice3A_1362 = vector.extract_strided_slice %add3A_58 {offsets = [6, 0], sizes = [1, 256], strides = [1, 1]} : vector<8x256xf32> to vector<1x256xf32>
    %slice3A_1363 = vector.extract_strided_slice %add3A_61 {offsets = [6, 0], sizes = [1, 256], strides = [1, 1]} : vector<8x256xf32> to vector<1x256xf32>
    %min3A_1364 = vector.broadcast %slice3A_1358 : vector<256x1xf32> to vector<256x256xf32>
    %min3A_1365 = vector.broadcast %slice3A_1362 : vector<1x256xf32> to vector<256x256xf32>
    %min3A_1366 = arith.minimumf %min3A_1364, %min3A_1365 : vector<256x256xf32>
    %max3A_1367 = vector.broadcast %slice3A_1356 : vector<256x1xf32> to vector<256x256xf32>
    %max3A_1368 = vector.broadcast %slice3A_1360 : vector<1x256xf32> to vector<256x256xf32>
    %max3A_1369 = arith.maximumf %max3A_1367, %max3A_1368 : vector<256x256xf32>
    %sub3A_1370 = arith.subf %min3A_1366, %max3A_1369 : vector<256x256xf32>
    %jit3A_1371 = arith.constant 0.000000e+00 : f32
    %max3A_1372 = vector.broadcast %jit3A_1371 : f32 to vector<256x256xf32>
    %max3A_1373 = arith.maximumf %max3A_1372, %sub3A_1370 : vector<256x256xf32>
    %min3A_1374 = vector.broadcast %slice3A_1359 : vector<256x1xf32> to vector<256x256xf32>
    %min3A_1375 = vector.broadcast %slice3A_1363 : vector<1x256xf32> to vector<256x256xf32>
    %min3A_1376 = arith.minimumf %min3A_1374, %min3A_1375 : vector<256x256xf32>
    %max3A_1377 = vector.broadcast %slice3A_1357 : vector<256x1xf32> to vector<256x256xf32>
    %max3A_1378 = vector.broadcast %slice3A_1361 : vector<1x256xf32> to vector<256x256xf32>
    %max3A_1379 = arith.maximumf %max3A_1377, %max3A_1378 : vector<256x256xf32>
    %sub3A_1380 = arith.subf %min3A_1376, %max3A_1379 : vector<256x256xf32>
    %jit3A_1381 = arith.constant 0.000000e+00 : f32
    %max3A_1382 = vector.broadcast %jit3A_1381 : f32 to vector<256x256xf32>
    %max3A_1383 = arith.maximumf %max3A_1382, %sub3A_1380 : vector<256x256xf32>
    %mul3A_1384 = arith.mulf %max3A_1373, %max3A_1383 : vector<256x256xf32>
    %slice3A_1385 = vector.extract_strided_slice %mul3A_78 {offsets = [0, 5], sizes = [256, 1], strides = [1, 1]} : vector<256x8xf32> to vector<256x1xf32>
    %slice3A_1386 = vector.extract_strided_slice %mul3A_75 {offsets = [6, 0], sizes = [1, 256], strides = [1, 1]} : vector<8x256xf32> to vector<1x256xf32>
    %add3A_1387 = vector.broadcast %slice3A_1385 : vector<256x1xf32> to vector<256x256xf32>
    %add3A_1388 = vector.broadcast %slice3A_1386 : vector<1x256xf32> to vector<256x256xf32>
    %add3A_1389 = arith.addf %add3A_1387, %add3A_1388 : vector<256x256xf32>
    %sub3A_1390 = arith.subf %add3A_1389, %mul3A_1384 : vector<256x256xf32>
    %add3A_1391 = arith.constant 9.99999971E-10 : f32
    %add3A_1392 = vector.broadcast %add3A_1391 : f32 to vector<256x256xf32>
    %add3A_1393 = arith.addf %sub3A_1390, %add3A_1392 : vector<256x256xf32>
    %div3A_1394 = arith.divf %mul3A_1384, %add3A_1393 : vector<256x256xf32>
    %gt3A_1395 = arith.constant 0.699999988 : f32
    %gt3A_1396 = vector.broadcast %gt3A_1395 : f32 to vector<256x256xf32>
    %gt3A_1397 = arith.cmpf ogt, %div3A_1394, %gt3A_1396 : vector<256x256xf32>
    %convert_element_type3A_1398 = arith.extui %gt3A_1397 : vector<256x256xi1> to vector<256x256xi32>
    %convert_element_type3A_1399 = arith.sitofp %convert_element_type3A_1398 : vector<256x256xi32> to vector<256x256xf32>
    %dot_general3A_1400 = arith.constant dense<0.000000e+00> : vector<1x256xf32>
    %dot_general3A_1401 = tpu.matmul %while3A_1115#0, %convert_element_type3A_1399, %dot_general3A_1400 {dimension_numbers = #tpu.dot_dimension_numbers<[1], [0], [0], [1], [0, 0, 1, 1], [], []>, transpose_lhs_hint = false} : vector<1x256xf32>, vector<256x256xf32>, vector<1x256xf32> -> vector<1x256xf32>
    %add3A_1402 = arith.addf %add3A_1355, %dot_general3A_1401 : vector<1x256xf32>
    %lt3A_1403 = arith.constant 5.000000e-01 : f32
    %lt3A_1404 = vector.broadcast %lt3A_1403 : f32 to vector<1x256xf32>
    %lt3A_1405 = arith.cmpf olt, %add3A_1402, %lt3A_1404 : vector<1x256xf32>
    %convert_element_type3A_1406 = arith.extui %lt3A_1405 : vector<1x256xi1> to vector<1x256xi32>
    %convert_element_type3A_1407 = arith.sitofp %convert_element_type3A_1406 : vector<1x256xi32> to vector<1x256xf32>
    %slice3A_1408 = vector.extract_strided_slice %add3A_64 {offsets = [0, 6], sizes = [256, 1], strides = [1, 1]} : vector<256x8xf32> to vector<256x1xf32>
    %slice3A_1409 = vector.extract_strided_slice %add3A_67 {offsets = [0, 6], sizes = [256, 1], strides = [1, 1]} : vector<256x8xf32> to vector<256x1xf32>
    %slice3A_1410 = vector.extract_strided_slice %add3A_70 {offsets = [0, 6], sizes = [256, 1], strides = [1, 1]} : vector<256x8xf32> to vector<256x1xf32>
    %slice3A_1411 = vector.extract_strided_slice %add3A_73 {offsets = [0, 6], sizes = [256, 1], strides = [1, 1]} : vector<256x8xf32> to vector<256x1xf32>
    %slice3A_1412 = vector.extract_strided_slice %add3A_52 {offsets = [6, 0], sizes = [1, 256], strides = [1, 1]} : vector<8x256xf32> to vector<1x256xf32>
    %slice3A_1413 = vector.extract_strided_slice %add3A_55 {offsets = [6, 0], sizes = [1, 256], strides = [1, 1]} : vector<8x256xf32> to vector<1x256xf32>
    %slice3A_1414 = vector.extract_strided_slice %add3A_58 {offsets = [6, 0], sizes = [1, 256], strides = [1, 1]} : vector<8x256xf32> to vector<1x256xf32>
    %slice3A_1415 = vector.extract_strided_slice %add3A_61 {offsets = [6, 0], sizes = [1, 256], strides = [1, 1]} : vector<8x256xf32> to vector<1x256xf32>
    %min3A_1416 = vector.broadcast %slice3A_1410 : vector<256x1xf32> to vector<256x256xf32>
    %min3A_1417 = vector.broadcast %slice3A_1414 : vector<1x256xf32> to vector<256x256xf32>
    %min3A_1418 = arith.minimumf %min3A_1416, %min3A_1417 : vector<256x256xf32>
    %max3A_1419 = vector.broadcast %slice3A_1408 : vector<256x1xf32> to vector<256x256xf32>
    %max3A_1420 = vector.broadcast %slice3A_1412 : vector<1x256xf32> to vector<256x256xf32>
    %max3A_1421 = arith.maximumf %max3A_1419, %max3A_1420 : vector<256x256xf32>
    %sub3A_1422 = arith.subf %min3A_1418, %max3A_1421 : vector<256x256xf32>
    %jit3A_1423 = arith.constant 0.000000e+00 : f32
    %max3A_1424 = vector.broadcast %jit3A_1423 : f32 to vector<256x256xf32>
    %max3A_1425 = arith.maximumf %max3A_1424, %sub3A_1422 : vector<256x256xf32>
    %min3A_1426 = vector.broadcast %slice3A_1411 : vector<256x1xf32> to vector<256x256xf32>
    %min3A_1427 = vector.broadcast %slice3A_1415 : vector<1x256xf32> to vector<256x256xf32>
    %min3A_1428 = arith.minimumf %min3A_1426, %min3A_1427 : vector<256x256xf32>
    %max3A_1429 = vector.broadcast %slice3A_1409 : vector<256x1xf32> to vector<256x256xf32>
    %max3A_1430 = vector.broadcast %slice3A_1413 : vector<1x256xf32> to vector<256x256xf32>
    %max3A_1431 = arith.maximumf %max3A_1429, %max3A_1430 : vector<256x256xf32>
    %sub3A_1432 = arith.subf %min3A_1428, %max3A_1431 : vector<256x256xf32>
    %jit3A_1433 = arith.constant 0.000000e+00 : f32
    %max3A_1434 = vector.broadcast %jit3A_1433 : f32 to vector<256x256xf32>
    %max3A_1435 = arith.maximumf %max3A_1434, %sub3A_1432 : vector<256x256xf32>
    %mul3A_1436 = arith.mulf %max3A_1425, %max3A_1435 : vector<256x256xf32>
    %slice3A_1437 = vector.extract_strided_slice %mul3A_78 {offsets = [0, 6], sizes = [256, 1], strides = [1, 1]} : vector<256x8xf32> to vector<256x1xf32>
    %slice3A_1438 = vector.extract_strided_slice %mul3A_75 {offsets = [6, 0], sizes = [1, 256], strides = [1, 1]} : vector<8x256xf32> to vector<1x256xf32>
    %add3A_1439 = vector.broadcast %slice3A_1437 : vector<256x1xf32> to vector<256x256xf32>
    %add3A_1440 = vector.broadcast %slice3A_1438 : vector<1x256xf32> to vector<256x256xf32>
    %add3A_1441 = arith.addf %add3A_1439, %add3A_1440 : vector<256x256xf32>
    %sub3A_1442 = arith.subf %add3A_1441, %mul3A_1436 : vector<256x256xf32>
    %add3A_1443 = arith.constant 9.99999971E-10 : f32
    %add3A_1444 = vector.broadcast %add3A_1443 : f32 to vector<256x256xf32>
    %add3A_1445 = arith.addf %sub3A_1442, %add3A_1444 : vector<256x256xf32>
    %div3A_1446 = arith.divf %mul3A_1436, %add3A_1445 : vector<256x256xf32>
    %gt3A_1447 = arith.constant 0.699999988 : f32
    %gt3A_1448 = vector.broadcast %gt3A_1447 : f32 to vector<256x256xf32>
    %gt3A_1449 = arith.cmpf ogt, %div3A_1446, %gt3A_1448 : vector<256x256xf32>
    %convert_element_type3A_1450 = arith.extui %gt3A_1449 : vector<256x256xi1> to vector<256x256xi32>
    %convert_element_type3A_1451 = arith.sitofp %convert_element_type3A_1450 : vector<256x256xi32> to vector<256x256xf32>
    %mul3A_1452 = arith.mulf %convert_element_type3A_1451, %convert_element_type3A_80 : vector<256x256xf32>
    %while3A_1453 = arith.constant true
    %while3A_1454:2 = scf.while (%while3A_1844 = %convert_element_type3A_1407, %while3A_1845 = %while3A_1453) : (vector<1x256xf32>, i1) -> (vector<1x256xf32>, i1) {
      scf.condition(%while3A_1845) %while3A_1844, %while3A_1845 : vector<1x256xf32>, i1
    } do {
    ^bb0(%while3A_1844: vector<1x256xf32>, %while3A_1845: i1):
      %dot_general3A_1846 = arith.constant dense<0.000000e+00> : vector<1x256xf32>
      %dot_general3A_1847 = tpu.matmul %while3A_1844, %mul3A_1452, %dot_general3A_1846 {dimension_numbers = #tpu.dot_dimension_numbers<[1], [0], [0], [1], [0, 0, 1, 1], [], []>, transpose_lhs_hint = false} : vector<1x256xf32>, vector<256x256xf32>, vector<1x256xf32> -> vector<1x256xf32>
      %lt3A_1848 = arith.constant 5.000000e-01 : f32
      %lt3A_1849 = vector.broadcast %lt3A_1848 : f32 to vector<1x256xf32>
      %lt3A_1850 = arith.cmpf olt, %dot_general3A_1847, %lt3A_1849 : vector<1x256xf32>
      %convert_element_type3A_1851 = arith.extui %lt3A_1850 : vector<1x256xi1> to vector<1x256xi32>
      %convert_element_type3A_1852 = arith.sitofp %convert_element_type3A_1851 : vector<1x256xi32> to vector<1x256xf32>
      %mul3A_1853 = arith.mulf %convert_element_type3A_1407, %convert_element_type3A_1852 : vector<1x256xf32>
      %ne3A = arith.cmpf one, %mul3A_1853, %while3A_1844 : vector<1x256xf32>
      %reduce_or3A = arith.constant 1.000000e+00 : f32
      %reduce_or3A_1854 = arith.constant 0.000000e+00 : f32
      %reduce_or3A_1855 = vector.broadcast %reduce_or3A : f32 to vector<1x256xf32>
      %reduce_or3A_1856 = vector.broadcast %reduce_or3A_1854 : f32 to vector<1x256xf32>
      %reduce_or3A_1857 = arith.select %ne3A, %reduce_or3A_1855, %reduce_or3A_1856 : vector<1x256xi1>, vector<1x256xf32>
      %reduce_or3A_1858 = vector.shape_cast %reduce_or3A_1857 : vector<1x256xf32> to vector<1x1x256xf32>
      %reduce_or3A_1859 = arith.constant dense<0xFF800000> : vector<1xf32>
      %reduce_or3A_1860 = vector.multi_reduction <maximumf>, %reduce_or3A_1858, %reduce_or3A_1859 [1, 2] : vector<1x1x256xf32> to vector<1xf32>
      %reduce_or3A_1861 = vector.shape_cast %reduce_or3A_1860 : vector<1xf32> to vector<1x1x1xf32>
      %reduce_or3A_1862 = vector.extract %reduce_or3A_1861[0, 0, 0] : f32 from vector<1x1x1xf32>
      %reduce_or3A_1863 = arith.constant 0.000000e+00 : f32
      %reduce_or3A_1864 = arith.cmpf ogt, %reduce_or3A_1862, %reduce_or3A_1863 : f32
      scf.yield %mul3A_1853, %reduce_or3A_1864 : vector<1x256xf32>, i1
    }
    %swap3A_1455 = arith.constant 6 : index
    %swap3A_1456 = arith.constant 0 : index
    %swap3A_1457 = vector.load %arg2[%swap3A_1455, %swap3A_1456] : memref<8x256xf32, #tpu.memory_space<vmem>>, vector<1x256xf32>
    tpu.vector_store %arg2[%swap3A_1455, %swap3A_1456], %while3A_1454#0 {strides = array<i32>} : memref<8x256xf32, #tpu.memory_space<vmem>>, vector<1x256xf32>,
    %broadcast_in_dim3A_1458 = arith.constant 0.000000e+00 : f32
    %broadcast_in_dim3A_1459 = vector.broadcast %broadcast_in_dim3A_1458 : f32 to vector<1x256xf32>
    %slice3A_1460 = vector.extract_strided_slice %add3A_64 {offsets = [0, 0], sizes = [256, 1], strides = [1, 1]} : vector<256x8xf32> to vector<256x1xf32>
    %slice3A_1461 = vector.extract_strided_slice %add3A_67 {offsets = [0, 0], sizes = [256, 1], strides = [1, 1]} : vector<256x8xf32> to vector<256x1xf32>
    %slice3A_1462 = vector.extract_strided_slice %add3A_70 {offsets = [0, 0], sizes = [256, 1], strides = [1, 1]} : vector<256x8xf32> to vector<256x1xf32>
    %slice3A_1463 = vector.extract_strided_slice %add3A_73 {offsets = [0, 0], sizes = [256, 1], strides = [1, 1]} : vector<256x8xf32> to vector<256x1xf32>
    %slice3A_1464 = vector.extract_strided_slice %add3A_52 {offsets = [7, 0], sizes = [1, 256], strides = [1, 1]} : vector<8x256xf32> to vector<1x256xf32>
    %slice3A_1465 = vector.extract_strided_slice %add3A_55 {offsets = [7, 0], sizes = [1, 256], strides = [1, 1]} : vector<8x256xf32> to vector<1x256xf32>
    %slice3A_1466 = vector.extract_strided_slice %add3A_58 {offsets = [7, 0], sizes = [1, 256], strides = [1, 1]} : vector<8x256xf32> to vector<1x256xf32>
    %slice3A_1467 = vector.extract_strided_slice %add3A_61 {offsets = [7, 0], sizes = [1, 256], strides = [1, 1]} : vector<8x256xf32> to vector<1x256xf32>
    %min3A_1468 = vector.broadcast %slice3A_1462 : vector<256x1xf32> to vector<256x256xf32>
    %min3A_1469 = vector.broadcast %slice3A_1466 : vector<1x256xf32> to vector<256x256xf32>
    %min3A_1470 = arith.minimumf %min3A_1468, %min3A_1469 : vector<256x256xf32>
    %max3A_1471 = vector.broadcast %slice3A_1460 : vector<256x1xf32> to vector<256x256xf32>
    %max3A_1472 = vector.broadcast %slice3A_1464 : vector<1x256xf32> to vector<256x256xf32>
    %max3A_1473 = arith.maximumf %max3A_1471, %max3A_1472 : vector<256x256xf32>
    %sub3A_1474 = arith.subf %min3A_1470, %max3A_1473 : vector<256x256xf32>
    %jit3A_1475 = arith.constant 0.000000e+00 : f32
    %max3A_1476 = vector.broadcast %jit3A_1475 : f32 to vector<256x256xf32>
    %max3A_1477 = arith.maximumf %max3A_1476, %sub3A_1474 : vector<256x256xf32>
    %min3A_1478 = vector.broadcast %slice3A_1463 : vector<256x1xf32> to vector<256x256xf32>
    %min3A_1479 = vector.broadcast %slice3A_1467 : vector<1x256xf32> to vector<256x256xf32>
    %min3A_1480 = arith.minimumf %min3A_1478, %min3A_1479 : vector<256x256xf32>
    %max3A_1481 = vector.broadcast %slice3A_1461 : vector<256x1xf32> to vector<256x256xf32>
    %max3A_1482 = vector.broadcast %slice3A_1465 : vector<1x256xf32> to vector<256x256xf32>
    %max3A_1483 = arith.maximumf %max3A_1481, %max3A_1482 : vector<256x256xf32>
    %sub3A_1484 = arith.subf %min3A_1480, %max3A_1483 : vector<256x256xf32>
    %jit3A_1485 = arith.constant 0.000000e+00 : f32
    %max3A_1486 = vector.broadcast %jit3A_1485 : f32 to vector<256x256xf32>
    %max3A_1487 = arith.maximumf %max3A_1486, %sub3A_1484 : vector<256x256xf32>
    %mul3A_1488 = arith.mulf %max3A_1477, %max3A_1487 : vector<256x256xf32>
    %slice3A_1489 = vector.extract_strided_slice %mul3A_78 {offsets = [0, 0], sizes = [256, 1], strides = [1, 1]} : vector<256x8xf32> to vector<256x1xf32>
    %slice3A_1490 = vector.extract_strided_slice %mul3A_75 {offsets = [7, 0], sizes = [1, 256], strides = [1, 1]} : vector<8x256xf32> to vector<1x256xf32>
    %add3A_1491 = vector.broadcast %slice3A_1489 : vector<256x1xf32> to vector<256x256xf32>
    %add3A_1492 = vector.broadcast %slice3A_1490 : vector<1x256xf32> to vector<256x256xf32>
    %add3A_1493 = arith.addf %add3A_1491, %add3A_1492 : vector<256x256xf32>
    %sub3A_1494 = arith.subf %add3A_1493, %mul3A_1488 : vector<256x256xf32>
    %add3A_1495 = arith.constant 9.99999971E-10 : f32
    %add3A_1496 = vector.broadcast %add3A_1495 : f32 to vector<256x256xf32>
    %add3A_1497 = arith.addf %sub3A_1494, %add3A_1496 : vector<256x256xf32>
    %div3A_1498 = arith.divf %mul3A_1488, %add3A_1497 : vector<256x256xf32>
    %gt3A_1499 = arith.constant 0.699999988 : f32
    %gt3A_1500 = vector.broadcast %gt3A_1499 : f32 to vector<256x256xf32>
    %gt3A_1501 = arith.cmpf ogt, %div3A_1498, %gt3A_1500 : vector<256x256xf32>
    %convert_element_type3A_1502 = arith.extui %gt3A_1501 : vector<256x256xi1> to vector<256x256xi32>
    %convert_element_type3A_1503 = arith.sitofp %convert_element_type3A_1502 : vector<256x256xi32> to vector<256x256xf32>
    %dot_general3A_1504 = arith.constant dense<0.000000e+00> : vector<1x256xf32>
    %dot_general3A_1505 = tpu.matmul %while3A_127#0, %convert_element_type3A_1503, %dot_general3A_1504 {dimension_numbers = #tpu.dot_dimension_numbers<[1], [0], [0], [1], [0, 0, 1, 1], [], []>, transpose_lhs_hint = false} : vector<1x256xf32>, vector<256x256xf32>, vector<1x256xf32> -> vector<1x256xf32>
    %add3A_1506 = arith.addf %broadcast_in_dim3A_1459, %dot_general3A_1505 : vector<1x256xf32>
    %slice3A_1507 = vector.extract_strided_slice %add3A_64 {offsets = [0, 1], sizes = [256, 1], strides = [1, 1]} : vector<256x8xf32> to vector<256x1xf32>
    %slice3A_1508 = vector.extract_strided_slice %add3A_67 {offsets = [0, 1], sizes = [256, 1], strides = [1, 1]} : vector<256x8xf32> to vector<256x1xf32>
    %slice3A_1509 = vector.extract_strided_slice %add3A_70 {offsets = [0, 1], sizes = [256, 1], strides = [1, 1]} : vector<256x8xf32> to vector<256x1xf32>
    %slice3A_1510 = vector.extract_strided_slice %add3A_73 {offsets = [0, 1], sizes = [256, 1], strides = [1, 1]} : vector<256x8xf32> to vector<256x1xf32>
    %slice3A_1511 = vector.extract_strided_slice %add3A_52 {offsets = [7, 0], sizes = [1, 256], strides = [1, 1]} : vector<8x256xf32> to vector<1x256xf32>
    %slice3A_1512 = vector.extract_strided_slice %add3A_55 {offsets = [7, 0], sizes = [1, 256], strides = [1, 1]} : vector<8x256xf32> to vector<1x256xf32>
    %slice3A_1513 = vector.extract_strided_slice %add3A_58 {offsets = [7, 0], sizes = [1, 256], strides = [1, 1]} : vector<8x256xf32> to vector<1x256xf32>
    %slice3A_1514 = vector.extract_strided_slice %add3A_61 {offsets = [7, 0], sizes = [1, 256], strides = [1, 1]} : vector<8x256xf32> to vector<1x256xf32>
    %min3A_1515 = vector.broadcast %slice3A_1509 : vector<256x1xf32> to vector<256x256xf32>
    %min3A_1516 = vector.broadcast %slice3A_1513 : vector<1x256xf32> to vector<256x256xf32>
    %min3A_1517 = arith.minimumf %min3A_1515, %min3A_1516 : vector<256x256xf32>
    %max3A_1518 = vector.broadcast %slice3A_1507 : vector<256x1xf32> to vector<256x256xf32>
    %max3A_1519 = vector.broadcast %slice3A_1511 : vector<1x256xf32> to vector<256x256xf32>
    %max3A_1520 = arith.maximumf %max3A_1518, %max3A_1519 : vector<256x256xf32>
    %sub3A_1521 = arith.subf %min3A_1517, %max3A_1520 : vector<256x256xf32>
    %jit3A_1522 = arith.constant 0.000000e+00 : f32
    %max3A_1523 = vector.broadcast %jit3A_1522 : f32 to vector<256x256xf32>
    %max3A_1524 = arith.maximumf %max3A_1523, %sub3A_1521 : vector<256x256xf32>
    %min3A_1525 = vector.broadcast %slice3A_1510 : vector<256x1xf32> to vector<256x256xf32>
    %min3A_1526 = vector.broadcast %slice3A_1514 : vector<1x256xf32> to vector<256x256xf32>
    %min3A_1527 = arith.minimumf %min3A_1525, %min3A_1526 : vector<256x256xf32>
    %max3A_1528 = vector.broadcast %slice3A_1508 : vector<256x1xf32> to vector<256x256xf32>
    %max3A_1529 = vector.broadcast %slice3A_1512 : vector<1x256xf32> to vector<256x256xf32>
    %max3A_1530 = arith.maximumf %max3A_1528, %max3A_1529 : vector<256x256xf32>
    %sub3A_1531 = arith.subf %min3A_1527, %max3A_1530 : vector<256x256xf32>
    %jit3A_1532 = arith.constant 0.000000e+00 : f32
    %max3A_1533 = vector.broadcast %jit3A_1532 : f32 to vector<256x256xf32>
    %max3A_1534 = arith.maximumf %max3A_1533, %sub3A_1531 : vector<256x256xf32>
    %mul3A_1535 = arith.mulf %max3A_1524, %max3A_1534 : vector<256x256xf32>
    %slice3A_1536 = vector.extract_strided_slice %mul3A_78 {offsets = [0, 1], sizes = [256, 1], strides = [1, 1]} : vector<256x8xf32> to vector<256x1xf32>
    %slice3A_1537 = vector.extract_strided_slice %mul3A_75 {offsets = [7, 0], sizes = [1, 256], strides = [1, 1]} : vector<8x256xf32> to vector<1x256xf32>
    %add3A_1538 = vector.broadcast %slice3A_1536 : vector<256x1xf32> to vector<256x256xf32>
    %add3A_1539 = vector.broadcast %slice3A_1537 : vector<1x256xf32> to vector<256x256xf32>
    %add3A_1540 = arith.addf %add3A_1538, %add3A_1539 : vector<256x256xf32>
    %sub3A_1541 = arith.subf %add3A_1540, %mul3A_1535 : vector<256x256xf32>
    %add3A_1542 = arith.constant 9.99999971E-10 : f32
    %add3A_1543 = vector.broadcast %add3A_1542 : f32 to vector<256x256xf32>
    %add3A_1544 = arith.addf %sub3A_1541, %add3A_1543 : vector<256x256xf32>
    %div3A_1545 = arith.divf %mul3A_1535, %add3A_1544 : vector<256x256xf32>
    %gt3A_1546 = arith.constant 0.699999988 : f32
    %gt3A_1547 = vector.broadcast %gt3A_1546 : f32 to vector<256x256xf32>
    %gt3A_1548 = arith.cmpf ogt, %div3A_1545, %gt3A_1547 : vector<256x256xf32>
    %convert_element_type3A_1549 = arith.extui %gt3A_1548 : vector<256x256xi1> to vector<256x256xi32>
    %convert_element_type3A_1550 = arith.sitofp %convert_element_type3A_1549 : vector<256x256xi32> to vector<256x256xf32>
    %dot_general3A_1551 = arith.constant dense<0.000000e+00> : vector<1x256xf32>
    %dot_general3A_1552 = tpu.matmul %while3A_229#0, %convert_element_type3A_1550, %dot_general3A_1551 {dimension_numbers = #tpu.dot_dimension_numbers<[1], [0], [0], [1], [0, 0, 1, 1], [], []>, transpose_lhs_hint = false} : vector<1x256xf32>, vector<256x256xf32>, vector<1x256xf32> -> vector<1x256xf32>
    %add3A_1553 = arith.addf %add3A_1506, %dot_general3A_1552 : vector<1x256xf32>
    %slice3A_1554 = vector.extract_strided_slice %add3A_64 {offsets = [0, 2], sizes = [256, 1], strides = [1, 1]} : vector<256x8xf32> to vector<256x1xf32>
    %slice3A_1555 = vector.extract_strided_slice %add3A_67 {offsets = [0, 2], sizes = [256, 1], strides = [1, 1]} : vector<256x8xf32> to vector<256x1xf32>
    %slice3A_1556 = vector.extract_strided_slice %add3A_70 {offsets = [0, 2], sizes = [256, 1], strides = [1, 1]} : vector<256x8xf32> to vector<256x1xf32>
    %slice3A_1557 = vector.extract_strided_slice %add3A_73 {offsets = [0, 2], sizes = [256, 1], strides = [1, 1]} : vector<256x8xf32> to vector<256x1xf32>
    %slice3A_1558 = vector.extract_strided_slice %add3A_52 {offsets = [7, 0], sizes = [1, 256], strides = [1, 1]} : vector<8x256xf32> to vector<1x256xf32>
    %slice3A_1559 = vector.extract_strided_slice %add3A_55 {offsets = [7, 0], sizes = [1, 256], strides = [1, 1]} : vector<8x256xf32> to vector<1x256xf32>
    %slice3A_1560 = vector.extract_strided_slice %add3A_58 {offsets = [7, 0], sizes = [1, 256], strides = [1, 1]} : vector<8x256xf32> to vector<1x256xf32>
    %slice3A_1561 = vector.extract_strided_slice %add3A_61 {offsets = [7, 0], sizes = [1, 256], strides = [1, 1]} : vector<8x256xf32> to vector<1x256xf32>
    %min3A_1562 = vector.broadcast %slice3A_1556 : vector<256x1xf32> to vector<256x256xf32>
    %min3A_1563 = vector.broadcast %slice3A_1560 : vector<1x256xf32> to vector<256x256xf32>
    %min3A_1564 = arith.minimumf %min3A_1562, %min3A_1563 : vector<256x256xf32>
    %max3A_1565 = vector.broadcast %slice3A_1554 : vector<256x1xf32> to vector<256x256xf32>
    %max3A_1566 = vector.broadcast %slice3A_1558 : vector<1x256xf32> to vector<256x256xf32>
    %max3A_1567 = arith.maximumf %max3A_1565, %max3A_1566 : vector<256x256xf32>
    %sub3A_1568 = arith.subf %min3A_1564, %max3A_1567 : vector<256x256xf32>
    %jit3A_1569 = arith.constant 0.000000e+00 : f32
    %max3A_1570 = vector.broadcast %jit3A_1569 : f32 to vector<256x256xf32>
    %max3A_1571 = arith.maximumf %max3A_1570, %sub3A_1568 : vector<256x256xf32>
    %min3A_1572 = vector.broadcast %slice3A_1557 : vector<256x1xf32> to vector<256x256xf32>
    %min3A_1573 = vector.broadcast %slice3A_1561 : vector<1x256xf32> to vector<256x256xf32>
    %min3A_1574 = arith.minimumf %min3A_1572, %min3A_1573 : vector<256x256xf32>
    %max3A_1575 = vector.broadcast %slice3A_1555 : vector<256x1xf32> to vector<256x256xf32>
    %max3A_1576 = vector.broadcast %slice3A_1559 : vector<1x256xf32> to vector<256x256xf32>
    %max3A_1577 = arith.maximumf %max3A_1575, %max3A_1576 : vector<256x256xf32>
    %sub3A_1578 = arith.subf %min3A_1574, %max3A_1577 : vector<256x256xf32>
    %jit3A_1579 = arith.constant 0.000000e+00 : f32
    %max3A_1580 = vector.broadcast %jit3A_1579 : f32 to vector<256x256xf32>
    %max3A_1581 = arith.maximumf %max3A_1580, %sub3A_1578 : vector<256x256xf32>
    %mul3A_1582 = arith.mulf %max3A_1571, %max3A_1581 : vector<256x256xf32>
    %slice3A_1583 = vector.extract_strided_slice %mul3A_78 {offsets = [0, 2], sizes = [256, 1], strides = [1, 1]} : vector<256x8xf32> to vector<256x1xf32>
    %slice3A_1584 = vector.extract_strided_slice %mul3A_75 {offsets = [7, 0], sizes = [1, 256], strides = [1, 1]} : vector<8x256xf32> to vector<1x256xf32>
    %add3A_1585 = vector.broadcast %slice3A_1583 : vector<256x1xf32> to vector<256x256xf32>
    %add3A_1586 = vector.broadcast %slice3A_1584 : vector<1x256xf32> to vector<256x256xf32>
    %add3A_1587 = arith.addf %add3A_1585, %add3A_1586 : vector<256x256xf32>
    %sub3A_1588 = arith.subf %add3A_1587, %mul3A_1582 : vector<256x256xf32>
    %add3A_1589 = arith.constant 9.99999971E-10 : f32
    %add3A_1590 = vector.broadcast %add3A_1589 : f32 to vector<256x256xf32>
    %add3A_1591 = arith.addf %sub3A_1588, %add3A_1590 : vector<256x256xf32>
    %div3A_1592 = arith.divf %mul3A_1582, %add3A_1591 : vector<256x256xf32>
    %gt3A_1593 = arith.constant 0.699999988 : f32
    %gt3A_1594 = vector.broadcast %gt3A_1593 : f32 to vector<256x256xf32>
    %gt3A_1595 = arith.cmpf ogt, %div3A_1592, %gt3A_1594 : vector<256x256xf32>
    %convert_element_type3A_1596 = arith.extui %gt3A_1595 : vector<256x256xi1> to vector<256x256xi32>
    %convert_element_type3A_1597 = arith.sitofp %convert_element_type3A_1596 : vector<256x256xi32> to vector<256x256xf32>
    %dot_general3A_1598 = arith.constant dense<0.000000e+00> : vector<1x256xf32>
    %dot_general3A_1599 = tpu.matmul %while3A_380#0, %convert_element_type3A_1597, %dot_general3A_1598 {dimension_numbers = #tpu.dot_dimension_numbers<[1], [0], [0], [1], [0, 0, 1, 1], [], []>, transpose_lhs_hint = false} : vector<1x256xf32>, vector<256x256xf32>, vector<1x256xf32> -> vector<1x256xf32>
    %add3A_1600 = arith.addf %add3A_1553, %dot_general3A_1599 : vector<1x256xf32>
    %slice3A_1601 = vector.extract_strided_slice %add3A_64 {offsets = [0, 3], sizes = [256, 1], strides = [1, 1]} : vector<256x8xf32> to vector<256x1xf32>
    %slice3A_1602 = vector.extract_strided_slice %add3A_67 {offsets = [0, 3], sizes = [256, 1], strides = [1, 1]} : vector<256x8xf32> to vector<256x1xf32>
    %slice3A_1603 = vector.extract_strided_slice %add3A_70 {offsets = [0, 3], sizes = [256, 1], strides = [1, 1]} : vector<256x8xf32> to vector<256x1xf32>
    %slice3A_1604 = vector.extract_strided_slice %add3A_73 {offsets = [0, 3], sizes = [256, 1], strides = [1, 1]} : vector<256x8xf32> to vector<256x1xf32>
    %slice3A_1605 = vector.extract_strided_slice %add3A_52 {offsets = [7, 0], sizes = [1, 256], strides = [1, 1]} : vector<8x256xf32> to vector<1x256xf32>
    %slice3A_1606 = vector.extract_strided_slice %add3A_55 {offsets = [7, 0], sizes = [1, 256], strides = [1, 1]} : vector<8x256xf32> to vector<1x256xf32>
    %slice3A_1607 = vector.extract_strided_slice %add3A_58 {offsets = [7, 0], sizes = [1, 256], strides = [1, 1]} : vector<8x256xf32> to vector<1x256xf32>
    %slice3A_1608 = vector.extract_strided_slice %add3A_61 {offsets = [7, 0], sizes = [1, 256], strides = [1, 1]} : vector<8x256xf32> to vector<1x256xf32>
    %min3A_1609 = vector.broadcast %slice3A_1603 : vector<256x1xf32> to vector<256x256xf32>
    %min3A_1610 = vector.broadcast %slice3A_1607 : vector<1x256xf32> to vector<256x256xf32>
    %min3A_1611 = arith.minimumf %min3A_1609, %min3A_1610 : vector<256x256xf32>
    %max3A_1612 = vector.broadcast %slice3A_1601 : vector<256x1xf32> to vector<256x256xf32>
    %max3A_1613 = vector.broadcast %slice3A_1605 : vector<1x256xf32> to vector<256x256xf32>
    %max3A_1614 = arith.maximumf %max3A_1612, %max3A_1613 : vector<256x256xf32>
    %sub3A_1615 = arith.subf %min3A_1611, %max3A_1614 : vector<256x256xf32>
    %jit3A_1616 = arith.constant 0.000000e+00 : f32
    %max3A_1617 = vector.broadcast %jit3A_1616 : f32 to vector<256x256xf32>
    %max3A_1618 = arith.maximumf %max3A_1617, %sub3A_1615 : vector<256x256xf32>
    %min3A_1619 = vector.broadcast %slice3A_1604 : vector<256x1xf32> to vector<256x256xf32>
    %min3A_1620 = vector.broadcast %slice3A_1608 : vector<1x256xf32> to vector<256x256xf32>
    %min3A_1621 = arith.minimumf %min3A_1619, %min3A_1620 : vector<256x256xf32>
    %max3A_1622 = vector.broadcast %slice3A_1602 : vector<256x1xf32> to vector<256x256xf32>
    %max3A_1623 = vector.broadcast %slice3A_1606 : vector<1x256xf32> to vector<256x256xf32>
    %max3A_1624 = arith.maximumf %max3A_1622, %max3A_1623 : vector<256x256xf32>
    %sub3A_1625 = arith.subf %min3A_1621, %max3A_1624 : vector<256x256xf32>
    %jit3A_1626 = arith.constant 0.000000e+00 : f32
    %max3A_1627 = vector.broadcast %jit3A_1626 : f32 to vector<256x256xf32>
    %max3A_1628 = arith.maximumf %max3A_1627, %sub3A_1625 : vector<256x256xf32>
    %mul3A_1629 = arith.mulf %max3A_1618, %max3A_1628 : vector<256x256xf32>
    %slice3A_1630 = vector.extract_strided_slice %mul3A_78 {offsets = [0, 3], sizes = [256, 1], strides = [1, 1]} : vector<256x8xf32> to vector<256x1xf32>
    %slice3A_1631 = vector.extract_strided_slice %mul3A_75 {offsets = [7, 0], sizes = [1, 256], strides = [1, 1]} : vector<8x256xf32> to vector<1x256xf32>
    %add3A_1632 = vector.broadcast %slice3A_1630 : vector<256x1xf32> to vector<256x256xf32>
    %add3A_1633 = vector.broadcast %slice3A_1631 : vector<1x256xf32> to vector<256x256xf32>
    %add3A_1634 = arith.addf %add3A_1632, %add3A_1633 : vector<256x256xf32>
    %sub3A_1635 = arith.subf %add3A_1634, %mul3A_1629 : vector<256x256xf32>
    %add3A_1636 = arith.constant 9.99999971E-10 : f32
    %add3A_1637 = vector.broadcast %add3A_1636 : f32 to vector<256x256xf32>
    %add3A_1638 = arith.addf %sub3A_1635, %add3A_1637 : vector<256x256xf32>
    %div3A_1639 = arith.divf %mul3A_1629, %add3A_1638 : vector<256x256xf32>
    %gt3A_1640 = arith.constant 0.699999988 : f32
    %gt3A_1641 = vector.broadcast %gt3A_1640 : f32 to vector<256x256xf32>
    %gt3A_1642 = arith.cmpf ogt, %div3A_1639, %gt3A_1641 : vector<256x256xf32>
    %convert_element_type3A_1643 = arith.extui %gt3A_1642 : vector<256x256xi1> to vector<256x256xi32>
    %convert_element_type3A_1644 = arith.sitofp %convert_element_type3A_1643 : vector<256x256xi32> to vector<256x256xf32>
    %dot_general3A_1645 = arith.constant dense<0.000000e+00> : vector<1x256xf32>
    %dot_general3A_1646 = tpu.matmul %while3A_578#0, %convert_element_type3A_1644, %dot_general3A_1645 {dimension_numbers = #tpu.dot_dimension_numbers<[1], [0], [0], [1], [0, 0, 1, 1], [], []>, transpose_lhs_hint = false} : vector<1x256xf32>, vector<256x256xf32>, vector<1x256xf32> -> vector<1x256xf32>
    %add3A_1647 = arith.addf %add3A_1600, %dot_general3A_1646 : vector<1x256xf32>
    %slice3A_1648 = vector.extract_strided_slice %add3A_64 {offsets = [0, 4], sizes = [256, 1], strides = [1, 1]} : vector<256x8xf32> to vector<256x1xf32>
    %slice3A_1649 = vector.extract_strided_slice %add3A_67 {offsets = [0, 4], sizes = [256, 1], strides = [1, 1]} : vector<256x8xf32> to vector<256x1xf32>
    %slice3A_1650 = vector.extract_strided_slice %add3A_70 {offsets = [0, 4], sizes = [256, 1], strides = [1, 1]} : vector<256x8xf32> to vector<256x1xf32>
    %slice3A_1651 = vector.extract_strided_slice %add3A_73 {offsets = [0, 4], sizes = [256, 1], strides = [1, 1]} : vector<256x8xf32> to vector<256x1xf32>
    %slice3A_1652 = vector.extract_strided_slice %add3A_52 {offsets = [7, 0], sizes = [1, 256], strides = [1, 1]} : vector<8x256xf32> to vector<1x256xf32>
    %slice3A_1653 = vector.extract_strided_slice %add3A_55 {offsets = [7, 0], sizes = [1, 256], strides = [1, 1]} : vector<8x256xf32> to vector<1x256xf32>
    %slice3A_1654 = vector.extract_strided_slice %add3A_58 {offsets = [7, 0], sizes = [1, 256], strides = [1, 1]} : vector<8x256xf32> to vector<1x256xf32>
    %slice3A_1655 = vector.extract_strided_slice %add3A_61 {offsets = [7, 0], sizes = [1, 256], strides = [1, 1]} : vector<8x256xf32> to vector<1x256xf32>
    %min3A_1656 = vector.broadcast %slice3A_1650 : vector<256x1xf32> to vector<256x256xf32>
    %min3A_1657 = vector.broadcast %slice3A_1654 : vector<1x256xf32> to vector<256x256xf32>
    %min3A_1658 = arith.minimumf %min3A_1656, %min3A_1657 : vector<256x256xf32>
    %max3A_1659 = vector.broadcast %slice3A_1648 : vector<256x1xf32> to vector<256x256xf32>
    %max3A_1660 = vector.broadcast %slice3A_1652 : vector<1x256xf32> to vector<256x256xf32>
    %max3A_1661 = arith.maximumf %max3A_1659, %max3A_1660 : vector<256x256xf32>
    %sub3A_1662 = arith.subf %min3A_1658, %max3A_1661 : vector<256x256xf32>
    %jit3A_1663 = arith.constant 0.000000e+00 : f32
    %max3A_1664 = vector.broadcast %jit3A_1663 : f32 to vector<256x256xf32>
    %max3A_1665 = arith.maximumf %max3A_1664, %sub3A_1662 : vector<256x256xf32>
    %min3A_1666 = vector.broadcast %slice3A_1651 : vector<256x1xf32> to vector<256x256xf32>
    %min3A_1667 = vector.broadcast %slice3A_1655 : vector<1x256xf32> to vector<256x256xf32>
    %min3A_1668 = arith.minimumf %min3A_1666, %min3A_1667 : vector<256x256xf32>
    %max3A_1669 = vector.broadcast %slice3A_1649 : vector<256x1xf32> to vector<256x256xf32>
    %max3A_1670 = vector.broadcast %slice3A_1653 : vector<1x256xf32> to vector<256x256xf32>
    %max3A_1671 = arith.maximumf %max3A_1669, %max3A_1670 : vector<256x256xf32>
    %sub3A_1672 = arith.subf %min3A_1668, %max3A_1671 : vector<256x256xf32>
    %jit3A_1673 = arith.constant 0.000000e+00 : f32
    %max3A_1674 = vector.broadcast %jit3A_1673 : f32 to vector<256x256xf32>
    %max3A_1675 = arith.maximumf %max3A_1674, %sub3A_1672 : vector<256x256xf32>
    %mul3A_1676 = arith.mulf %max3A_1665, %max3A_1675 : vector<256x256xf32>
    %slice3A_1677 = vector.extract_strided_slice %mul3A_78 {offsets = [0, 4], sizes = [256, 1], strides = [1, 1]} : vector<256x8xf32> to vector<256x1xf32>
    %slice3A_1678 = vector.extract_strided_slice %mul3A_75 {offsets = [7, 0], sizes = [1, 256], strides = [1, 1]} : vector<8x256xf32> to vector<1x256xf32>
    %add3A_1679 = vector.broadcast %slice3A_1677 : vector<256x1xf32> to vector<256x256xf32>
    %add3A_1680 = vector.broadcast %slice3A_1678 : vector<1x256xf32> to vector<256x256xf32>
    %add3A_1681 = arith.addf %add3A_1679, %add3A_1680 : vector<256x256xf32>
    %sub3A_1682 = arith.subf %add3A_1681, %mul3A_1676 : vector<256x256xf32>
    %add3A_1683 = arith.constant 9.99999971E-10 : f32
    %add3A_1684 = vector.broadcast %add3A_1683 : f32 to vector<256x256xf32>
    %add3A_1685 = arith.addf %sub3A_1682, %add3A_1684 : vector<256x256xf32>
    %div3A_1686 = arith.divf %mul3A_1676, %add3A_1685 : vector<256x256xf32>
    %gt3A_1687 = arith.constant 0.699999988 : f32
    %gt3A_1688 = vector.broadcast %gt3A_1687 : f32 to vector<256x256xf32>
    %gt3A_1689 = arith.cmpf ogt, %div3A_1686, %gt3A_1688 : vector<256x256xf32>
    %convert_element_type3A_1690 = arith.extui %gt3A_1689 : vector<256x256xi1> to vector<256x256xi32>
    %convert_element_type3A_1691 = arith.sitofp %convert_element_type3A_1690 : vector<256x256xi32> to vector<256x256xf32>
    %dot_general3A_1692 = arith.constant dense<0.000000e+00> : vector<1x256xf32>
    %dot_general3A_1693 = tpu.matmul %while3A_823#0, %convert_element_type3A_1691, %dot_general3A_1692 {dimension_numbers = #tpu.dot_dimension_numbers<[1], [0], [0], [1], [0, 0, 1, 1], [], []>, transpose_lhs_hint = false} : vector<1x256xf32>, vector<256x256xf32>, vector<1x256xf32> -> vector<1x256xf32>
    %add3A_1694 = arith.addf %add3A_1647, %dot_general3A_1693 : vector<1x256xf32>
    %slice3A_1695 = vector.extract_strided_slice %add3A_64 {offsets = [0, 5], sizes = [256, 1], strides = [1, 1]} : vector<256x8xf32> to vector<256x1xf32>
    %slice3A_1696 = vector.extract_strided_slice %add3A_67 {offsets = [0, 5], sizes = [256, 1], strides = [1, 1]} : vector<256x8xf32> to vector<256x1xf32>
    %slice3A_1697 = vector.extract_strided_slice %add3A_70 {offsets = [0, 5], sizes = [256, 1], strides = [1, 1]} : vector<256x8xf32> to vector<256x1xf32>
    %slice3A_1698 = vector.extract_strided_slice %add3A_73 {offsets = [0, 5], sizes = [256, 1], strides = [1, 1]} : vector<256x8xf32> to vector<256x1xf32>
    %slice3A_1699 = vector.extract_strided_slice %add3A_52 {offsets = [7, 0], sizes = [1, 256], strides = [1, 1]} : vector<8x256xf32> to vector<1x256xf32>
    %slice3A_1700 = vector.extract_strided_slice %add3A_55 {offsets = [7, 0], sizes = [1, 256], strides = [1, 1]} : vector<8x256xf32> to vector<1x256xf32>
    %slice3A_1701 = vector.extract_strided_slice %add3A_58 {offsets = [7, 0], sizes = [1, 256], strides = [1, 1]} : vector<8x256xf32> to vector<1x256xf32>
    %slice3A_1702 = vector.extract_strided_slice %add3A_61 {offsets = [7, 0], sizes = [1, 256], strides = [1, 1]} : vector<8x256xf32> to vector<1x256xf32>
    %min3A_1703 = vector.broadcast %slice3A_1697 : vector<256x1xf32> to vector<256x256xf32>
    %min3A_1704 = vector.broadcast %slice3A_1701 : vector<1x256xf32> to vector<256x256xf32>
    %min3A_1705 = arith.minimumf %min3A_1703, %min3A_1704 : vector<256x256xf32>
    %max3A_1706 = vector.broadcast %slice3A_1695 : vector<256x1xf32> to vector<256x256xf32>
    %max3A_1707 = vector.broadcast %slice3A_1699 : vector<1x256xf32> to vector<256x256xf32>
    %max3A_1708 = arith.maximumf %max3A_1706, %max3A_1707 : vector<256x256xf32>
    %sub3A_1709 = arith.subf %min3A_1705, %max3A_1708 : vector<256x256xf32>
    %jit3A_1710 = arith.constant 0.000000e+00 : f32
    %max3A_1711 = vector.broadcast %jit3A_1710 : f32 to vector<256x256xf32>
    %max3A_1712 = arith.maximumf %max3A_1711, %sub3A_1709 : vector<256x256xf32>
    %min3A_1713 = vector.broadcast %slice3A_1698 : vector<256x1xf32> to vector<256x256xf32>
    %min3A_1714 = vector.broadcast %slice3A_1702 : vector<1x256xf32> to vector<256x256xf32>
    %min3A_1715 = arith.minimumf %min3A_1713, %min3A_1714 : vector<256x256xf32>
    %max3A_1716 = vector.broadcast %slice3A_1696 : vector<256x1xf32> to vector<256x256xf32>
    %max3A_1717 = vector.broadcast %slice3A_1700 : vector<1x256xf32> to vector<256x256xf32>
    %max3A_1718 = arith.maximumf %max3A_1716, %max3A_1717 : vector<256x256xf32>
    %sub3A_1719 = arith.subf %min3A_1715, %max3A_1718 : vector<256x256xf32>
    %jit3A_1720 = arith.constant 0.000000e+00 : f32
    %max3A_1721 = vector.broadcast %jit3A_1720 : f32 to vector<256x256xf32>
    %max3A_1722 = arith.maximumf %max3A_1721, %sub3A_1719 : vector<256x256xf32>
    %mul3A_1723 = arith.mulf %max3A_1712, %max3A_1722 : vector<256x256xf32>
    %slice3A_1724 = vector.extract_strided_slice %mul3A_78 {offsets = [0, 5], sizes = [256, 1], strides = [1, 1]} : vector<256x8xf32> to vector<256x1xf32>
    %slice3A_1725 = vector.extract_strided_slice %mul3A_75 {offsets = [7, 0], sizes = [1, 256], strides = [1, 1]} : vector<8x256xf32> to vector<1x256xf32>
    %add3A_1726 = vector.broadcast %slice3A_1724 : vector<256x1xf32> to vector<256x256xf32>
    %add3A_1727 = vector.broadcast %slice3A_1725 : vector<1x256xf32> to vector<256x256xf32>
    %add3A_1728 = arith.addf %add3A_1726, %add3A_1727 : vector<256x256xf32>
    %sub3A_1729 = arith.subf %add3A_1728, %mul3A_1723 : vector<256x256xf32>
    %add3A_1730 = arith.constant 9.99999971E-10 : f32
    %add3A_1731 = vector.broadcast %add3A_1730 : f32 to vector<256x256xf32>
    %add3A_1732 = arith.addf %sub3A_1729, %add3A_1731 : vector<256x256xf32>
    %div3A_1733 = arith.divf %mul3A_1723, %add3A_1732 : vector<256x256xf32>
    %gt3A_1734 = arith.constant 0.699999988 : f32
    %gt3A_1735 = vector.broadcast %gt3A_1734 : f32 to vector<256x256xf32>
    %gt3A_1736 = arith.cmpf ogt, %div3A_1733, %gt3A_1735 : vector<256x256xf32>
    %convert_element_type3A_1737 = arith.extui %gt3A_1736 : vector<256x256xi1> to vector<256x256xi32>
    %convert_element_type3A_1738 = arith.sitofp %convert_element_type3A_1737 : vector<256x256xi32> to vector<256x256xf32>
    %dot_general3A_1739 = arith.constant dense<0.000000e+00> : vector<1x256xf32>
    %dot_general3A_1740 = tpu.matmul %while3A_1115#0, %convert_element_type3A_1738, %dot_general3A_1739 {dimension_numbers = #tpu.dot_dimension_numbers<[1], [0], [0], [1], [0, 0, 1, 1], [], []>, transpose_lhs_hint = false} : vector<1x256xf32>, vector<256x256xf32>, vector<1x256xf32> -> vector<1x256xf32>
    %add3A_1741 = arith.addf %add3A_1694, %dot_general3A_1740 : vector<1x256xf32>
    %slice3A_1742 = vector.extract_strided_slice %add3A_64 {offsets = [0, 6], sizes = [256, 1], strides = [1, 1]} : vector<256x8xf32> to vector<256x1xf32>
    %slice3A_1743 = vector.extract_strided_slice %add3A_67 {offsets = [0, 6], sizes = [256, 1], strides = [1, 1]} : vector<256x8xf32> to vector<256x1xf32>
    %slice3A_1744 = vector.extract_strided_slice %add3A_70 {offsets = [0, 6], sizes = [256, 1], strides = [1, 1]} : vector<256x8xf32> to vector<256x1xf32>
    %slice3A_1745 = vector.extract_strided_slice %add3A_73 {offsets = [0, 6], sizes = [256, 1], strides = [1, 1]} : vector<256x8xf32> to vector<256x1xf32>
    %slice3A_1746 = vector.extract_strided_slice %add3A_52 {offsets = [7, 0], sizes = [1, 256], strides = [1, 1]} : vector<8x256xf32> to vector<1x256xf32>
    %slice3A_1747 = vector.extract_strided_slice %add3A_55 {offsets = [7, 0], sizes = [1, 256], strides = [1, 1]} : vector<8x256xf32> to vector<1x256xf32>
    %slice3A_1748 = vector.extract_strided_slice %add3A_58 {offsets = [7, 0], sizes = [1, 256], strides = [1, 1]} : vector<8x256xf32> to vector<1x256xf32>
    %slice3A_1749 = vector.extract_strided_slice %add3A_61 {offsets = [7, 0], sizes = [1, 256], strides = [1, 1]} : vector<8x256xf32> to vector<1x256xf32>
    %min3A_1750 = vector.broadcast %slice3A_1744 : vector<256x1xf32> to vector<256x256xf32>
    %min3A_1751 = vector.broadcast %slice3A_1748 : vector<1x256xf32> to vector<256x256xf32>
    %min3A_1752 = arith.minimumf %min3A_1750, %min3A_1751 : vector<256x256xf32>
    %max3A_1753 = vector.broadcast %slice3A_1742 : vector<256x1xf32> to vector<256x256xf32>
    %max3A_1754 = vector.broadcast %slice3A_1746 : vector<1x256xf32> to vector<256x256xf32>
    %max3A_1755 = arith.maximumf %max3A_1753, %max3A_1754 : vector<256x256xf32>
    %sub3A_1756 = arith.subf %min3A_1752, %max3A_1755 : vector<256x256xf32>
    %jit3A_1757 = arith.constant 0.000000e+00 : f32
    %max3A_1758 = vector.broadcast %jit3A_1757 : f32 to vector<256x256xf32>
    %max3A_1759 = arith.maximumf %max3A_1758, %sub3A_1756 : vector<256x256xf32>
    %min3A_1760 = vector.broadcast %slice3A_1745 : vector<256x1xf32> to vector<256x256xf32>
    %min3A_1761 = vector.broadcast %slice3A_1749 : vector<1x256xf32> to vector<256x256xf32>
    %min3A_1762 = arith.minimumf %min3A_1760, %min3A_1761 : vector<256x256xf32>
    %max3A_1763 = vector.broadcast %slice3A_1743 : vector<256x1xf32> to vector<256x256xf32>
    %max3A_1764 = vector.broadcast %slice3A_1747 : vector<1x256xf32> to vector<256x256xf32>
    %max3A_1765 = arith.maximumf %max3A_1763, %max3A_1764 : vector<256x256xf32>
    %sub3A_1766 = arith.subf %min3A_1762, %max3A_1765 : vector<256x256xf32>
    %jit3A_1767 = arith.constant 0.000000e+00 : f32
    %max3A_1768 = vector.broadcast %jit3A_1767 : f32 to vector<256x256xf32>
    %max3A_1769 = arith.maximumf %max3A_1768, %sub3A_1766 : vector<256x256xf32>
    %mul3A_1770 = arith.mulf %max3A_1759, %max3A_1769 : vector<256x256xf32>
    %slice3A_1771 = vector.extract_strided_slice %mul3A_78 {offsets = [0, 6], sizes = [256, 1], strides = [1, 1]} : vector<256x8xf32> to vector<256x1xf32>
    %slice3A_1772 = vector.extract_strided_slice %mul3A_75 {offsets = [7, 0], sizes = [1, 256], strides = [1, 1]} : vector<8x256xf32> to vector<1x256xf32>
    %add3A_1773 = vector.broadcast %slice3A_1771 : vector<256x1xf32> to vector<256x256xf32>
    %add3A_1774 = vector.broadcast %slice3A_1772 : vector<1x256xf32> to vector<256x256xf32>
    %add3A_1775 = arith.addf %add3A_1773, %add3A_1774 : vector<256x256xf32>
    %sub3A_1776 = arith.subf %add3A_1775, %mul3A_1770 : vector<256x256xf32>
    %add3A_1777 = arith.constant 9.99999971E-10 : f32
    %add3A_1778 = vector.broadcast %add3A_1777 : f32 to vector<256x256xf32>
    %add3A_1779 = arith.addf %sub3A_1776, %add3A_1778 : vector<256x256xf32>
    %div3A_1780 = arith.divf %mul3A_1770, %add3A_1779 : vector<256x256xf32>
    %gt3A_1781 = arith.constant 0.699999988 : f32
    %gt3A_1782 = vector.broadcast %gt3A_1781 : f32 to vector<256x256xf32>
    %gt3A_1783 = arith.cmpf ogt, %div3A_1780, %gt3A_1782 : vector<256x256xf32>
    %convert_element_type3A_1784 = arith.extui %gt3A_1783 : vector<256x256xi1> to vector<256x256xi32>
    %convert_element_type3A_1785 = arith.sitofp %convert_element_type3A_1784 : vector<256x256xi32> to vector<256x256xf32>
    %dot_general3A_1786 = arith.constant dense<0.000000e+00> : vector<1x256xf32>
    %dot_general3A_1787 = tpu.matmul %while3A_1454#0, %convert_element_type3A_1785, %dot_general3A_1786 {dimension_numbers = #tpu.dot_dimension_numbers<[1], [0], [0], [1], [0, 0, 1, 1], [], []>, transpose_lhs_hint = false} : vector<1x256xf32>, vector<256x256xf32>, vector<1x256xf32> -> vector<1x256xf32>
    %add3A_1788 = arith.addf %add3A_1741, %dot_general3A_1787 : vector<1x256xf32>
    %lt3A_1789 = arith.constant 5.000000e-01 : f32
    %lt3A_1790 = vector.broadcast %lt3A_1789 : f32 to vector<1x256xf32>
    %lt3A_1791 = arith.cmpf olt, %add3A_1788, %lt3A_1790 : vector<1x256xf32>
    %convert_element_type3A_1792 = arith.extui %lt3A_1791 : vector<1x256xi1> to vector<1x256xi32>
    %convert_element_type3A_1793 = arith.sitofp %convert_element_type3A_1792 : vector<1x256xi32> to vector<1x256xf32>
    %slice3A_1794 = vector.extract_strided_slice %add3A_64 {offsets = [0, 7], sizes = [256, 1], strides = [1, 1]} : vector<256x8xf32> to vector<256x1xf32>
    %slice3A_1795 = vector.extract_strided_slice %add3A_67 {offsets = [0, 7], sizes = [256, 1], strides = [1, 1]} : vector<256x8xf32> to vector<256x1xf32>
    %slice3A_1796 = vector.extract_strided_slice %add3A_70 {offsets = [0, 7], sizes = [256, 1], strides = [1, 1]} : vector<256x8xf32> to vector<256x1xf32>
    %slice3A_1797 = vector.extract_strided_slice %add3A_73 {offsets = [0, 7], sizes = [256, 1], strides = [1, 1]} : vector<256x8xf32> to vector<256x1xf32>
    %slice3A_1798 = vector.extract_strided_slice %add3A_52 {offsets = [7, 0], sizes = [1, 256], strides = [1, 1]} : vector<8x256xf32> to vector<1x256xf32>
    %slice3A_1799 = vector.extract_strided_slice %add3A_55 {offsets = [7, 0], sizes = [1, 256], strides = [1, 1]} : vector<8x256xf32> to vector<1x256xf32>
    %slice3A_1800 = vector.extract_strided_slice %add3A_58 {offsets = [7, 0], sizes = [1, 256], strides = [1, 1]} : vector<8x256xf32> to vector<1x256xf32>
    %slice3A_1801 = vector.extract_strided_slice %add3A_61 {offsets = [7, 0], sizes = [1, 256], strides = [1, 1]} : vector<8x256xf32> to vector<1x256xf32>
    %min3A_1802 = vector.broadcast %slice3A_1796 : vector<256x1xf32> to vector<256x256xf32>
    %min3A_1803 = vector.broadcast %slice3A_1800 : vector<1x256xf32> to vector<256x256xf32>
    %min3A_1804 = arith.minimumf %min3A_1802, %min3A_1803 : vector<256x256xf32>
    %max3A_1805 = vector.broadcast %slice3A_1794 : vector<256x1xf32> to vector<256x256xf32>
    %max3A_1806 = vector.broadcast %slice3A_1798 : vector<1x256xf32> to vector<256x256xf32>
    %max3A_1807 = arith.maximumf %max3A_1805, %max3A_1806 : vector<256x256xf32>
    %sub3A_1808 = arith.subf %min3A_1804, %max3A_1807 : vector<256x256xf32>
    %jit3A_1809 = arith.constant 0.000000e+00 : f32
    %max3A_1810 = vector.broadcast %jit3A_1809 : f32 to vector<256x256xf32>
    %max3A_1811 = arith.maximumf %max3A_1810, %sub3A_1808 : vector<256x256xf32>
    %min3A_1812 = vector.broadcast %slice3A_1797 : vector<256x1xf32> to vector<256x256xf32>
    %min3A_1813 = vector.broadcast %slice3A_1801 : vector<1x256xf32> to vector<256x256xf32>
    %min3A_1814 = arith.minimumf %min3A_1812, %min3A_1813 : vector<256x256xf32>
    %max3A_1815 = vector.broadcast %slice3A_1795 : vector<256x1xf32> to vector<256x256xf32>
    %max3A_1816 = vector.broadcast %slice3A_1799 : vector<1x256xf32> to vector<256x256xf32>
    %max3A_1817 = arith.maximumf %max3A_1815, %max3A_1816 : vector<256x256xf32>
    %sub3A_1818 = arith.subf %min3A_1814, %max3A_1817 : vector<256x256xf32>
    %jit3A_1819 = arith.constant 0.000000e+00 : f32
    %max3A_1820 = vector.broadcast %jit3A_1819 : f32 to vector<256x256xf32>
    %max3A_1821 = arith.maximumf %max3A_1820, %sub3A_1818 : vector<256x256xf32>
    %mul3A_1822 = arith.mulf %max3A_1811, %max3A_1821 : vector<256x256xf32>
    %slice3A_1823 = vector.extract_strided_slice %mul3A_78 {offsets = [0, 7], sizes = [256, 1], strides = [1, 1]} : vector<256x8xf32> to vector<256x1xf32>
    %slice3A_1824 = vector.extract_strided_slice %mul3A_75 {offsets = [7, 0], sizes = [1, 256], strides = [1, 1]} : vector<8x256xf32> to vector<1x256xf32>
    %add3A_1825 = vector.broadcast %slice3A_1823 : vector<256x1xf32> to vector<256x256xf32>
    %add3A_1826 = vector.broadcast %slice3A_1824 : vector<1x256xf32> to vector<256x256xf32>
    %add3A_1827 = arith.addf %add3A_1825, %add3A_1826 : vector<256x256xf32>
    %sub3A_1828 = arith.subf %add3A_1827, %mul3A_1822 : vector<256x256xf32>
    %add3A_1829 = arith.constant 9.99999971E-10 : f32
    %add3A_1830 = vector.broadcast %add3A_1829 : f32 to vector<256x256xf32>
    %add3A_1831 = arith.addf %sub3A_1828, %add3A_1830 : vector<256x256xf32>
    %div3A_1832 = arith.divf %mul3A_1822, %add3A_1831 : vector<256x256xf32>
    %gt3A_1833 = arith.constant 0.699999988 : f32
    %gt3A_1834 = vector.broadcast %gt3A_1833 : f32 to vector<256x256xf32>
    %gt3A_1835 = arith.cmpf ogt, %div3A_1832, %gt3A_1834 : vector<256x256xf32>
    %convert_element_type3A_1836 = arith.extui %gt3A_1835 : vector<256x256xi1> to vector<256x256xi32>
    %convert_element_type3A_1837 = arith.sitofp %convert_element_type3A_1836 : vector<256x256xi32> to vector<256x256xf32>
    %mul3A_1838 = arith.mulf %convert_element_type3A_1837, %convert_element_type3A_80 : vector<256x256xf32>
    %while3A_1839 = arith.constant true
    %while3A_1840:2 = scf.while (%while3A_1844 = %convert_element_type3A_1793, %while3A_1845 = %while3A_1839) : (vector<1x256xf32>, i1) -> (vector<1x256xf32>, i1) {
      scf.condition(%while3A_1845) %while3A_1844, %while3A_1845 : vector<1x256xf32>, i1
    } do {
    ^bb0(%while3A_1844: vector<1x256xf32>, %while3A_1845: i1):
      %dot_general3A_1846 = arith.constant dense<0.000000e+00> : vector<1x256xf32>
      %dot_general3A_1847 = tpu.matmul %while3A_1844, %mul3A_1838, %dot_general3A_1846 {dimension_numbers = #tpu.dot_dimension_numbers<[1], [0], [0], [1], [0, 0, 1, 1], [], []>, transpose_lhs_hint = false} : vector<1x256xf32>, vector<256x256xf32>, vector<1x256xf32> -> vector<1x256xf32>
      %lt3A_1848 = arith.constant 5.000000e-01 : f32
      %lt3A_1849 = vector.broadcast %lt3A_1848 : f32 to vector<1x256xf32>
      %lt3A_1850 = arith.cmpf olt, %dot_general3A_1847, %lt3A_1849 : vector<1x256xf32>
      %convert_element_type3A_1851 = arith.extui %lt3A_1850 : vector<1x256xi1> to vector<1x256xi32>
      %convert_element_type3A_1852 = arith.sitofp %convert_element_type3A_1851 : vector<1x256xi32> to vector<1x256xf32>
      %mul3A_1853 = arith.mulf %convert_element_type3A_1793, %convert_element_type3A_1852 : vector<1x256xf32>
      %ne3A = arith.cmpf one, %mul3A_1853, %while3A_1844 : vector<1x256xf32>
      %reduce_or3A = arith.constant 1.000000e+00 : f32
      %reduce_or3A_1854 = arith.constant 0.000000e+00 : f32
      %reduce_or3A_1855 = vector.broadcast %reduce_or3A : f32 to vector<1x256xf32>
      %reduce_or3A_1856 = vector.broadcast %reduce_or3A_1854 : f32 to vector<1x256xf32>
      %reduce_or3A_1857 = arith.select %ne3A, %reduce_or3A_1855, %reduce_or3A_1856 : vector<1x256xi1>, vector<1x256xf32>
      %reduce_or3A_1858 = vector.shape_cast %reduce_or3A_1857 : vector<1x256xf32> to vector<1x1x256xf32>
      %reduce_or3A_1859 = arith.constant dense<0xFF800000> : vector<1xf32>
      %reduce_or3A_1860 = vector.multi_reduction <maximumf>, %reduce_or3A_1858, %reduce_or3A_1859 [1, 2] : vector<1x1x256xf32> to vector<1xf32>
      %reduce_or3A_1861 = vector.shape_cast %reduce_or3A_1860 : vector<1xf32> to vector<1x1x1xf32>
      %reduce_or3A_1862 = vector.extract %reduce_or3A_1861[0, 0, 0] : f32 from vector<1x1x1xf32>
      %reduce_or3A_1863 = arith.constant 0.000000e+00 : f32
      %reduce_or3A_1864 = arith.cmpf ogt, %reduce_or3A_1862, %reduce_or3A_1863 : f32
      scf.yield %mul3A_1853, %reduce_or3A_1864 : vector<1x256xf32>, i1
    }
    %swap3A_1841 = arith.constant 7 : index
    %swap3A_1842 = arith.constant 0 : index
    %swap3A_1843 = vector.load %arg2[%swap3A_1841, %swap3A_1842] : memref<8x256xf32, #tpu.memory_space<vmem>>, vector<1x256xf32>
    tpu.vector_store %arg2[%swap3A_1841, %swap3A_1842], %while3A_1840#0 {strides = array<i32>} : memref<8x256xf32, #tpu.memory_space<vmem>>, vector<1x256xf32>,
    return
  }
}

</mosaic_0001>

<sc_bundles>
// kernel: gather_offload_async_start.1
scs
__scs_entry_jumppad:
0x0: {  	(pc) =	sbr.rel $0x88, $3  }
0x1: {  	(tag) =	ssettag $0x0;
	lr =	simm.s32 $0x1  }
0x2: {  	[smem:$0x3F9E] =	sst lr;
	_ =	strace $0xD0000000  }
0x3: {  	_ = 	snop  }
0x4: {  	_ = 	snop  }
0x5: {  	_ = 	snop  }
0x6: {  	_ = 	snop  }
0x7: {  	_ = 	snop  }
__scs_overlays_trampoline_lowered:
0x8: {  	[smem:$0x3FAD] =	sst s0  }
0x9: {  	[smem:$0x3FAE] =	sst s1  }
0xa: {  	[smem:$0x3FAF] =	sst s2  }
0xb: {  	[smem:$0x3FB0] =	sst s3  }
0xc: {  	[smem:$0x3FB1] =	sst s4  }
0xd: {  	[smem:$0x3FB2] =	sst s5  }
0xe: {  	[smem:$0x3FB3] =	sst s6  }
0xf: {  	[smem:$0x3FB4] =	sst s7  }
0x10: {  	[smem:$0x3FB5] =	sst s8  }
0x11: {  	[smem:$0x3FB6] =	sst s9;
	s0 =	simm.s32 @!p0 $0x0  }
0x12: {  	s1 =	sld [smem:$0x3F9C];
	s0 =	simm.s32 @p0 $0x1  }
0x13: {  	[smem:$0x3FB7] =	sst s0;
	s0 =	simm.s32 @!p1 $0x0  }
0x14: {  	s2 =	sld [smem:$0x3F9B];
	s0 =	simm.s32 @p1 $0x1  }
0x15: {  	[smem:$0x3FB8] =	sst s0;
	s0 =	simm.s32 @!p2 $0x0  }
0x16: {  	s3 =	sld [smem:$0x3FDB];
	s0 =	simm.s32 @p2 $0x1  }
0x17: {  	s4 =	simm.s32 $0x1BF5;
	[smem:$0x3FBA] =	sst s0  }
0x18: {  	s0 =	sld [smem:$0x3F9D];
	_ =	swait.ge [sflag:s4], $0x0  }
0x19: {  	s7 =	sld [smem:$0x3F9E]  }
0x1a: {  	s8 =	sadd.s32 $0xFFFFE003, lr  }
0x1b: {  	s9 =	sadd.s32 $0xFFFFFEF7, lr;
	s5 =	simm.s32 $0xFFFFFFFF;
	p2 =	slt.u32 s8, $0xFFFFF086  }
0x1c: {  	p1 =	slt.u32 s9, $0xF7A;
	s5 =	simm.s32 @!p2 $0x0  }
0x1d: {  	s5 =	simm.s32 @p1 $0x1;
	p0 =	seq.s32 s7, s2  }
0x1e: {  	s7 =	smul.u32 @!p0 $0xF7A, s2;
	p2 =	seq.s32 @!p0 s5, $0x0  }
0x1f: {  	s9 =	smul.u32 $0xF7A, s1;
	s8 =	simm.s32 @!p0 $0x1BF5;
	p2 =	por !p2, p0  }
0x20: {  	[sflag:s8] =	ssyncset.s32 @!p0 $0xFFFFF086;
	s6 =	sadd.s32 @!p0 s3, s7;
	s7 =	simm.s32 @!p0 $0x108  }
0x21: {  	s3 =	sadd.s32 s3, s9;
	s6 =	sadd.s32 @!p0 $0x88, s6;
	s7 =	simm.s32 @p2 $0x1082  }
0x22: {  	[simem:s7], [sflag:s8] =	dma.local @!p0 [hbm:s6], $0xF7A  }
0x23: {  	s9 =	sor.u32 $0xD0000000, s2;
	s6 =	simm.s32 $0x108;
	_ =	swait.ge @!p0 [sflag:s8], $0x0  }
0x24: {  	s3 =	sadd.s32 $0x88, s3;
	s6 =	simm.s32 @!p1 $0x1082;
	[sflag:s4] =	ssyncset.s32 $0xFFFFF086  }
0x25: {  	[simem:s6], [sflag:s4] =	dma.local [hbm:s3], $0xF7A  }
0x26: {  	[smem:$0x3F9E] =	sst s1;
	(tag) =	ssettag s2;
	_ =	strace s9  }
0x27: {  	s1 =	sld [smem:$0x3FAE]  }
0x28: {  	s2 =	sld [smem:$0x3FAF]  }
0x29: {  	s4 =	sld [smem:$0x3FB1]  }
0x2a: {  	p0 =	seq.s32 s5, $0x0;
	s5 =	sld [smem:$0x3FB2]  }
0x2b: {  	s6 =	sld [smem:$0x3FB3]  }
0x2c: {  	s7 =	sld [smem:$0x3FB4]  }
0x2d: {  	s3 =	simm.s32 $0x108;
	s8 =	sld [smem:$0x3FB5]  }
0x2e: {  	s3 =	simm.s32 @!p0 $0x1082;
	s9 =	sld [smem:$0x3FB6]  }
0x2f: {  	lr =	sadd.s32 s0, s3;
	s0 =	sld [smem:$0x3FAD]  }
0x30: {  	s3 =	sld [smem:$0x3FB0]  }
0x31: {  	[smem:$0x3FB9] =	sst s10  }
0x32: {  	s10 =	sld [smem:$0x3FB7];
	_ =	sdelay $0x3  }
0x33: {  	p0 =	seq.s32 s10, $0x1;
	s10 =	sld [smem:$0x3FB9];
	_ =	sdelay $0x3  }
0x34: {  	[smem:$0x3FB9] =	sst s10  }
0x35: {  	s10 =	sld [smem:$0x3FB8];
	_ =	sdelay $0x3  }
0x36: {  	p1 =	seq.s32 s10, $0x1;
	s10 =	sld [smem:$0x3FB9];
	_ =	sdelay $0x3  }
0x37: {  	[smem:$0x3FB9] =	sst s10  }
0x38: {  	s10 =	sld [smem:$0x3FBA]  }
0x39: {  	_ = 	snop;
	(pc) =	sbr.ind lr, $3  }
0x3a: {  	_ = 	snop  }
0x3b: {  	_ = 	snop  }
0x3c: {  	p2 =	seq.s32 s10, $0x1;
	s10 =	sld [smem:$0x3FB9]  }
0x3d: {  	_ =	shalt  }
0x3e: {  	_ =	shalt  }
0x3f: {  	_ =	shalt  }
0x40: {  	_ =	shalt  }
0x41: {  	_ =	shalt  }
0x42: {  	_ =	shalt  }
0x43: {  	_ =	shalt  }
0x44: {  	_ =	shalt  }
0x45: {  	_ =	shalt  }
0x46: {  	_ =	shalt  }
0x47: {  	_ =	shalt  }
0x48: {  	_ =	shalt  }
0x49: {  	_ =	shalt  }
0x4a: {  	_ =	shalt  }
0x4b: {  	_ =	shalt  }
0x4c: {  	_ =	shalt  }
0x4d: {  	_ =	shalt  }
0x4e: {  	_ =	shalt  }
0x4f: {  	_ =	shalt  }
0x50: {  	_ =	shalt  }
0x51: {  	_ =	shalt  }
0x52: {  	_ =	shalt  }
0x53: {  	_ =	shalt  }
0x54: {  	_ =	shalt  }
0x55: {  	_ =	shalt  }
0x56: {  	_ =	shalt  }
0x57: {  	_ =	shalt  }
0x58: {  	_ =	shalt  }
0x59: {  	_ =	shalt  }
0x5a: {  	_ =	shalt  }
0x5b: {  	_ =	shalt  }
0x5c: {  	_ =	shalt  }
0x5d: {  	_ =	shalt  }
0x5e: {  	_ =	shalt  }
0x5f: {  	_ =	shalt  }
0x60: {  	_ =	shalt  }
0x61: {  	_ =	shalt  }
0x62: {  	_ =	shalt  }
0x63: {  	_ =	shalt  }
0x64: {  	_ =	shalt  }
0x65: {  	_ =	shalt  }
0x66: {  	_ =	shalt  }
0x67: {  	_ =	shalt  }
0x68: {  	_ =	shalt  }
0x69: {  	_ =	shalt  }
0x6a: {  	_ =	shalt  }
0x6b: {  	_ =	shalt  }
0x6c: {  	_ =	shalt  }
0x6d: {  	_ =	shalt  }
0x6e: {  	_ =	shalt  }
0x6f: {  	_ =	shalt  }
0x70: {  	_ =	shalt  }
0x71: {  	_ =	shalt  }
0x72: {  	_ =	shalt  }
0x73: {  	_ =	shalt  }
0x74: {  	_ =	shalt  }
0x75: {  	_ =	shalt  }
0x76: {  	_ =	shalt  }
0x77: {  	_ =	shalt  }
0x78: {  	_ =	shalt  }
0x79: {  	_ =	shalt  }
0x7a: {  	_ =	shalt  }
0x7b: {  	_ =	shalt  }
0x7c: {  	_ =	shalt  }
0x7d: {  	_ =	shalt  }
0x7e: {  	_ =	shalt  }
0x7f: {  	_ =	shalt  }
0x80: {  	_ =	shalt  }
0x81: {  	_ =	shalt  }
0x82: {  	_ =	shalt  }
0x83: {  	_ =	shalt  }
0x84: {  	_ =	shalt  }
0x85: {  	_ =	shalt  }
0x86: {  	_ =	shalt  }
0x87: {  	_ =	shalt  }
.Lfunc_end0:
.L_simem_size_0:
called_computation.1_lowered:
.L_overlay_start_0:
0x88: {  	s0 =	sld [smem:$0x3FD9]  }
0x89: {  	s1 =	sld [smem:$0x3FFE];
	_ =	sdelay $0x3  }
0x8a: {  	s0 =	sadd.s32 s1, s0  }
0x8b: {  	[smem:$0x3FC5] =	sst s0  }
0x8c: {  	_ = 	snop  }
0x8d: {  	s0 =	sld [smem:$0x3FC7]  }
0x8e: {  	s16 =	sld [smem:$0x3FD0];
	(tm) =	ssettm $0x1  }
0x8f: {  	s2 =	sld [smem:$0x3FFB];
	_ =	sdelay $0x3  }
0x90: {  	_ =	strace s2  }
0x91: {  	s2 =	sld [smem:$0x3FFC];
	_ =	sdelay $0x3  }
0x92: {  	_ =	strace s2  }
0x93: {  	s2 =	sld [smem:$0x3FFD];
	_ =	sdelay $0x3  }
0x94: {  	_ =	strace s2  }
0x95: {  	_ =	strace $0x8FFFFFFF  }
0x96: {  	s17 =	sld [smem:$0x3FDB];
	_ =	sdelay $0x1  }
0x97: {  	s3 =	simm.s32 $_scs_section_size  }
0x98: {  	s4 =	simm.s32 $_size__tile_overlayer_lowered;
	s5 =	simm.s32 $_tile_overlayer_lowered  }
0x99: {  	s20 =	simm.s32 $0x1BFF;
	s19 =	sshll.u32 s5, $0x1;
	s2 =	sadd.s32 s3, s17  }
0x9a: {  	s6 =	simm.s32 $0x0;
	s18 =	sshll.u32 s4, $0x1;
	s4 =	sadd.s32 s19, s2  }
0x9b: {  	[timem:s6], [sflag:s20] =	dma.local [hbm:s4], s18  }
0x9c: {  	_ =	swait.ge [sflag:s20], s18  }
0x9d: {  	s3 =	ssub.s32 $0x0, s18;
	[sflag:s20] =	ssyncset.done $0x0  }
0x9e: {  	[sflag:s20] =	ssyncadd.s32 s3;
	_ =	sdelay $0x1  }
0x9f: {  	s21 =	simm.s32 $0x1B8B  }
0xa0: {  	_ =	swait.ge [sflag:s21], $0x1  }
0xa1: {  	[sflag:s21] =	ssyncset.done $0x0  }
0xa2: {  	s23 =	simm.s32 $0x1B8E;
	s22 =	sld [smem:$0x3FFE];
	[sflag:s21] =	ssyncadd.s32 $0xFFFFFFFF  }
0xa3: {  	s24 =	simm.s32 $execute0_lowered;
	[smem:$0x3FD2] =	sst s23  }
0xa4: {  	s4 =	sshll.u32 s24, $0x1;
	_ =	strace $0x80000046;
	[dreg:$0x1] =	wrdreg $0xFFFFFFFF  }
0xa5: {  	s25 =	simm.s32 $_size_execute0_lowered;
	s2 =	sadd.s32 s2, s4;
	[dreg:$0x0] =	wrdreg $0x0  }
0xa6: {  	s4 =	sshll.u32 s25, $0x1;
	[dreg:$0x2] =	wrdreg s2  }
0xa7: {  	[dreg:$0x3] =	wrdreg s4  }
0xa8: {  	[dreg:$0x4] =	wrdreg $0xC0  }
0xa9: {  	_ =	task [dreg:s6], $0x5FFFF  }
0xaa: {  	[dreg:$0x1] =	wrdreg $0xFFFFFFFF  }
0xab: {  	[dreg:$0x0] =	wrdreg $0x60  }
0xac: {  	[dreg:$0x2] =	wrdreg s0  }
0xad: {  	[dreg:$0x3] =	wrdreg s16  }
0xae: {  	[dreg:$0x4] =	wrdreg s22  }
0xaf: {  	[dreg:$0x5] =	wrdreg $0xA  }
0xb0: {  	_ =	task.clear_ibuf [dreg:s6], $0x6FFFF;
	_ =	strace $0x90000046  }
0xb1: {  	s26 =	simm.s32 $0xA;
	_ =	strace $0x80000048  }
0xb2: {  	_ =	swait.ge [sflag:s26], $0x1  }
0xb3: {  	[sflag:s26] =	ssyncadd.s32 $0xFFFFFFFF  }
0xb4: {  	_ =	strace $0x90000048  }
0xb5: {  	_ =	sfence  }
0xb6: {  	s28 =	sld [smem:$0x0];
	_ =	sdelay $0x1  }
0xb7: {  	s29 =	srdreg.scid  }
0xb8: {  	s30 =	sshll.u32 s29, $0xD;
	s31 =	sshrl.u32 s29, $0x2  }
0xb9: {  	s1 =	sand.u32 $0x1, s29;
	s2 =	sand.u32 $0x4000, s30;
	s0 =	sadd.s32 s31, s28  }
0xba: {  	s1 =	sor.u32 s2, s1;
	s0 =	sshll.u32 s0, $0x11  }
0xbb: {  	s0 =	sor.u32 s0, s1  }
0xbc: {  	s0 =	sadd.s32 $0x8F2B, s0  }
0xbd: {  	[sflag:s0] =	ssyncadd.remote.s32 $0x1  }
0xbe: {  	_ =	sfence.sel $0xFFFF  }
0xbf: {  	[dreg:$0x0] =	wrdreg $0xFFFFFFFF;
	(pc) =	sbr.abs _section_cstart, $3  }
0xc0: {  	[dreg:$0x1] =	wrdreg $0xFFFFFFFF  }
0xc1: {  	_ =	task.clear_ibuf [dreg:s6], $0x2FFFF;
	_ =	strace $0x9FFFFFFF  }
0xc2: {  	(tm) =	ssettm $0x7FFFFFFF  }
0xc3: {  	_ =	shalt  }
tec
execute0_lowered:
.L_overlay_start_1:
0x0: {  	(tag) =	ssettag $0x1  }
0x1: {  	s2 =	rddreg [dreg:$0x0]  }
0x2: {  	s3 =	rddreg [dreg:$0x1]  }
0x3: {  	s4 =	rddreg [dreg:$0x2]  }
0x4: {  	s0 =	rddreg [dreg:$0x3];
	s1 =	stileid.u32  }
0x5: {  	_ =	strace $0x80000047;
	s6 =	simm.s32 $0x1;
	s7 =	simm.s32 $0x500  }
0x6: {  	s9 =	simm.s32 $0x1;
	s10 =	simm.s32 $0x3;
	s5 =	smul.u32 $0x50, s1  }
0x7: {  	s13 =	simm.s32 $0x0;
	s12 =	simm.s32 $0x0;
	p0 =	slt.u32 s1, $0xA  }
.Ltmp0:
0x8: {  	s7 =	simm.s32 @!p0 $0x0;
	s8 =	ssub.s32 $0x7D0, s5;
	(pc) =	sbr.rel .LBB2_1-.Ltmp0, $4  }
0x9: {  	s9 =	simm.s32 @!p0 $0x0;
	p0 =	sne.s32 s8, s7;
	s8 =	simm.s32 $0x1  }
0xa: {  	[sflag:s6] =	ssyncpa.u1 $0x0;
	s7 =	simm.s32 $0x2;
	s8 =	simm.s32 @!p0 $0x0  }
0xb: {  	s11 =	smov.u32 s5;
	[sflag:s7] =	ssyncpa.u1 $0x0;
	s8 =	sadd.s32 s9, s8  }
0xc: {  	vm0 =	vmmov $0xffff;
	[sflag:s10] =	ssyncpa.u1 $0x0;
	s10 =	simm.s32 $0x0;
	s9 =	sadd.s32 $0x1, s8  }
.LBB2_4:
0xd: {  	v2 =	vnsel vm1, $0x0, v2  }
0xe: {  	vm1 =	vgt.s32 v0, $0x0;
	v2 =	vmin.u32 v2, $0x4E1F  }
0xf: {  	v0 =	vnsel vm1, $0x0, v0  }
0x10: {  	v0 =	vmin.u32 v0, $0x4E1F  }
0x11: {  	[tilespmem:s18], [sflag:$0x1] =	stream.indirect_vreg.gather [hbm4b:s2+s10], $0x1, v1, vm0, $0x4038;
	[tilespmem:$0x140] =	vst v63  }
0x12: {  	(ifvalue) =	ssetifvalue $0x7FFFFFFF  }
0x13: {  	[tilespmem:s15], [sflag:$0x1] =	stream.indirect_vreg.gather [hbm4b:s2+s10], $0x1, v2, vm0, $0x4038;
	[tilespmem:$0x140] =	vst v63  }
0x14: {  	s29 =	sadd.s32 $0x10, s15;
	(ifvalue) =	ssetifvalue $0x7FFFFFFF  }
0x15: {  	[tilespmem:s29], [sflag:$0x1] =	stream.indirect_vreg.gather [hbm4b:s2+s10], $0x1, v0, vm0, $0x4038;
	[tilespmem:$0x140] =	vst v63  }
0x16: {  	_ =	swait.ge [sflag:s6], $0x50  }
0x17: {  	s30 =	sshrl.u32 s13, $0x3;
	[sflag:s6] =	ssyncset.done $0x0  }
0x18: {  	s31 =	sand.u32 $0x7, s13;
	s15 =	sadd.s32 s4, s30;
	[sflag:s6] =	ssyncadd.s32 $0xFFFFFFB0  }
0x19: {  	[hbm4b:s15+s31] =	stream.linear.scatter [tilespmem:s14], [sflag:$0x3], $0x50, $0x38;
	[tilespmem:$0x140] =	vst v63  }
.LBB2_5:
0x1a: {  	s15 =	sadd.s32 $0x500, s11  }
0x1b: {  	p1 =	sgt.s32 s15, $0x7CF  }
0x1c: {  	s15 =	smov.u32 @p1 s5;
	p1 =	sne.s32 s12, s9  }
.Ltmp1:
0x1d: {  	p0 =	slt.u32 s12, $0x2;
	(pc) =	sbr.rel @!p1 .LBB2_6-.Ltmp1, $4  }
0x1e: {  	s14 =	simm.s32 @!p0 $0x3  }
0x1f: {  	_ =	swait.ge @!p0 [sflag:s14], $0x50  }
0x20: {  	s16 =	sadd.s32 $0x1, s12;
	s13 =	smov.u32 s11;
	[sflag:s14] =	ssyncset.done @!p0 $0x0  }
0x21: {  	s12 =	smov.u32 s16;
	s11 =	smov.u32 s15;
	[sflag:s14] =	ssyncadd.s32 @!p0 $0xFFFFFFB0  }
.LBB2_1:
0x22: {  	p0 =	sge.u32 s12, s8  }
0x23: {  	s14 =	sxor.u32 @!p0 $0x1, s12  }
0x24: {  	s14 =	smul.u32 @!p0 $0x140, s14  }
0x25: {  	s31 =	sadd.s32 $0xFFFFFFFF, s12;
	s15 =	sshrl.u32 @!p0 s11, $0x3  }
0x26: {  	s16 =	sand.u32 @!p0 $0x7, s11;
	s15 =	sadd.s32 @!p0 s3, s15;
	s14 =	sshra.s32 @!p0 s14, $0x2  }
0x27: {  	[tilespmem:s14], [sflag:$0x2] =	stream.linear.gather @!p0 [hbm4b:s15+s16], $0x50, $0x38;
	[tilespmem:$0x140] =	vst v63  }
0x28: {  	p0 =	sge.u32 s31, s8  }
.Ltmp2:
0x29: {  	_ = 	snop;
	(pc) =	sbr.rel @p0 .LBB2_5-.Ltmp2, $1  }
0x2a: {  	_ =	sdelay $0x3  }
0x2b: {  	s14 =	sand.u32 $0x1, s12  }
0x2c: {  	_ =	swait.ge [sflag:s7], $0x50;
	p0 =	seq.s32 s14, $0x1;
	s14 =	simm.s32 $0x50  }
0x2d: {  	[sflag:s7] =	ssyncset.done $0x0;
	s14 =	simm.s32 @!p0 $0x0  }
0x2e: {  	[sflag:s7] =	ssyncadd.s32 $0xFFFFFFB0;
	(ifvalue) =	ssetifvalue $0x7FFFFFFF;
	v0 =	vld.msk [tilespmem:s14+$0x0 ss:$0x1], $0xffff;
	_ =	sdelay $0x4  }
0x2f: {  	s15 =	sadd.s32 $0x10, s14;
	vm1 =	vgt.s32 v0, $0x0  }
0x30: {  	v2 =	vld.msk [tilespmem:s15+$0x0 ss:$0x1], $0xffff;
	v1 =	vnsel vm1, $0x0, v0  }
0x31: {  	v1 =	vmin.u32 v1, $0x4E1F;
	_ =	sdelay $0x2  }
0x32: {  	s17 =	simm.s32 $0x20;
	s14 =	sor.u32 $0xA0, s14;
	s16 =	sadd.s32 $0x10, s15  }
0x33: {  	s15 =	sadd.s32 $0x10, s14;
	s18 =	smov.u32 s14;
	v0 =	vld.msk [tilespmem:s16+$0x0 ss:$0x1], $0xffff;
	vm1 =	vgt.s32 v2, $0x0;
	(ifvalue) =	ssetifvalue $0x7FFFFFFF  }
.LBB2_3:
0x34: {  	[tilespmem:s18], [sflag:$0x1] =	stream.indirect_vreg.gather [hbm4b:s2+s10], $0x1, v1, vm0, $0x4038;
	[tilespmem:$0x140] =	vst v63  }
0x35: {  	s17 =	sadd.s32 $0x10, s17  }
0x36: {  	v2 =	vnsel vm1, $0x0, v2;
	p0 =	slt.u32 s17, $0x40  }
.Ltmp3:
0x37: {  	s18 =	smov.u32 s15;
	v1 =	vmin.u32 v2, $0x4E1F;
	(pc) =	sbr.rel @p0 .LBB2_3-.Ltmp3, $3  }
0x38: {  	_ =	sdelay $0x1  }
0x39: {  	s16 =	sadd.s32 $0x10, s16  }
0x3a: {  	vm1 =	vgt.s32 v0, $0x0;
	s15 =	sadd.s32 $0x10, s15;
	v2 =	vmov v0;
	(ifvalue) =	ssetifvalue $0x7FFFFFFF;
	v0 =	vld.msk [tilespmem:s16+$0x0 ss:$0x1], $0xffff  }
.Ltmp4:
0x3b: {  	_ = 	snop;
	(pc) =	sbr.rel .LBB2_4-.Ltmp4, $1  }
0x3c: {  	_ =	sdelay $0x3  }
.LBB2_6:
0x3d: {  	_ =	sfence.sel $0x180000  }
0x3e: {  	s2 =	simm.s32 $0x2;
	[bflag:$0x0] =	sbarrier.arrive $0xFFFF  }
0x3f: {  	s30 =	simm.s32 $0x3;
	[sflag:s2] =	ssyncpa.u1 $0x1  }
0x40: {  	s31 =	simm.s32 $0x1;
	[sflag:s30] =	ssyncpa.u1 $0x1  }
0x41: {  	[sflag:s31] =	ssyncpa.u1 $0x1  }
0x42: {  	p0 =	sne.s32 s1, $0x0;
	_ =	strace $0x90000047  }
0x43: {  	s0 =	sadd.s32 @!p0 $0x100000, s0;
	[bflag:$0x2] =	sbarrier.arrive $0xFFFF  }
0x44: {  	[sflag:s0] =	ssyncadd.tile.s32 @!p0 $0x1;
	_ =	shalt  }
.Lfunc_end2:
_tile_overlayer_lowered:
.L_overlay_start_2:
0x45: {  	(tag) =	ssettag $0x2  }
0x46: {  	s0 =	rddreg [dreg:$0x0];
	s2 =	stileid.u32  }
0x47: {  	s1 =	rddreg [dreg:$0x1];
	p0 =	sne.s32 s2, $0x0  }
0x48: {  	s3 =	rddreg [dreg:$0x2];
	[bflag:$0x3] =	sbarrier.arrive $0xFFFF;
	s2 =	simm.s32 @!p0 $0x1C01  }
0x49: {  	[timem:s3], [sflag:s2] =	dma.local @!p0 [hbm:s0], s1  }
0x4a: {  	s0 =	simm.s32 @!p0 $0x1  }
0x4b: {  	_ =	swait.ge @!p0 [sflag:s0], s1  }
0x4c: {  	s1 =	ssub.s32 @!p0 $0x0, s1;
	[sflag:s0] =	ssyncset.done @!p0 $0x0  }
0x4d: {  	[sflag:s0] =	ssyncadd.s32 @!p0 s1  }
0x4e: {  	[bflag:$0x3] =	sbarrier.arrive $0xFFFF  }
0x4f: {  	_ =	shalt  }

// kernel: gather_offload_async_start
scs
__scs_entry_jumppad:
0x0: {  	(pc) =	sbr.rel $0x88, $3  }
0x1: {  	(tag) =	ssettag $0x0;
	lr =	simm.s32 $0x1  }
0x2: {  	[smem:$0x3F9E] =	sst lr;
	_ =	strace $0xD0000000  }
0x3: {  	_ = 	snop  }
0x4: {  	_ = 	snop  }
0x5: {  	_ = 	snop  }
0x6: {  	_ = 	snop  }
0x7: {  	_ = 	snop  }
__scs_overlays_trampoline_lowered:
0x8: {  	[smem:$0x3FAD] =	sst s0  }
0x9: {  	[smem:$0x3FAE] =	sst s1  }
0xa: {  	[smem:$0x3FAF] =	sst s2  }
0xb: {  	[smem:$0x3FB0] =	sst s3  }
0xc: {  	[smem:$0x3FB1] =	sst s4  }
0xd: {  	[smem:$0x3FB2] =	sst s5  }
0xe: {  	[smem:$0x3FB3] =	sst s6  }
0xf: {  	[smem:$0x3FB4] =	sst s7  }
0x10: {  	[smem:$0x3FB5] =	sst s8  }
0x11: {  	[smem:$0x3FB6] =	sst s9;
	s0 =	simm.s32 @!p0 $0x0  }
0x12: {  	s1 =	sld [smem:$0x3F9C];
	s0 =	simm.s32 @p0 $0x1  }
0x13: {  	[smem:$0x3FB7] =	sst s0;
	s0 =	simm.s32 @!p1 $0x0  }
0x14: {  	s2 =	sld [smem:$0x3F9B];
	s0 =	simm.s32 @p1 $0x1  }
0x15: {  	[smem:$0x3FB8] =	sst s0;
	s0 =	simm.s32 @!p2 $0x0  }
0x16: {  	s3 =	sld [smem:$0x3FDB];
	s0 =	simm.s32 @p2 $0x1  }
0x17: {  	s4 =	simm.s32 $0x1BF5;
	[smem:$0x3FBA] =	sst s0  }
0x18: {  	s0 =	sld [smem:$0x3F9D];
	_ =	swait.ge [sflag:s4], $0x0  }
0x19: {  	s7 =	sld [smem:$0x3F9E]  }
0x1a: {  	s8 =	sadd.s32 $0xFFFFE003, lr  }
0x1b: {  	s9 =	sadd.s32 $0xFFFFFEF7, lr;
	s5 =	simm.s32 $0xFFFFFFFF;
	p2 =	slt.u32 s8, $0xFFFFF086  }
0x1c: {  	p1 =	slt.u32 s9, $0xF7A;
	s5 =	simm.s32 @!p2 $0x0  }
0x1d: {  	s5 =	simm.s32 @p1 $0x1;
	p0 =	seq.s32 s7, s2  }
0x1e: {  	s7 =	smul.u32 @!p0 $0xF7A, s2;
	p2 =	seq.s32 @!p0 s5, $0x0  }
0x1f: {  	s9 =	smul.u32 $0xF7A, s1;
	s8 =	simm.s32 @!p0 $0x1BF5;
	p2 =	por !p2, p0  }
0x20: {  	[sflag:s8] =	ssyncset.s32 @!p0 $0xFFFFF086;
	s6 =	sadd.s32 @!p0 s3, s7;
	s7 =	simm.s32 @!p0 $0x108  }
0x21: {  	s3 =	sadd.s32 s3, s9;
	s6 =	sadd.s32 @!p0 $0x88, s6;
	s7 =	simm.s32 @p2 $0x1082  }
0x22: {  	[simem:s7], [sflag:s8] =	dma.local @!p0 [hbm:s6], $0xF7A  }
0x23: {  	s9 =	sor.u32 $0xD0000000, s2;
	s6 =	simm.s32 $0x108;
	_ =	swait.ge @!p0 [sflag:s8], $0x0  }
0x24: {  	s3 =	sadd.s32 $0x88, s3;
	s6 =	simm.s32 @!p1 $0x1082;
	[sflag:s4] =	ssyncset.s32 $0xFFFFF086  }
0x25: {  	[simem:s6], [sflag:s4] =	dma.local [hbm:s3], $0xF7A  }
0x26: {  	[smem:$0x3F9E] =	sst s1;
	(tag) =	ssettag s2;
	_ =	strace s9  }
0x27: {  	s1 =	sld [smem:$0x3FAE]  }
0x28: {  	s2 =	sld [smem:$0x3FAF]  }
0x29: {  	s4 =	sld [smem:$0x3FB1]  }
0x2a: {  	p0 =	seq.s32 s5, $0x0;
	s5 =	sld [smem:$0x3FB2]  }
0x2b: {  	s6 =	sld [smem:$0x3FB3]  }
0x2c: {  	s7 =	sld [smem:$0x3FB4]  }
0x2d: {  	s3 =	simm.s32 $0x108;
	s8 =	sld [smem:$0x3FB5]  }
0x2e: {  	s3 =	simm.s32 @!p0 $0x1082;
	s9 =	sld [smem:$0x3FB6]  }
0x2f: {  	lr =	sadd.s32 s0, s3;
	s0 =	sld [smem:$0x3FAD]  }
0x30: {  	s3 =	sld [smem:$0x3FB0]  }
0x31: {  	[smem:$0x3FB9] =	sst s10  }
0x32: {  	s10 =	sld [smem:$0x3FB7];
	_ =	sdelay $0x3  }
0x33: {  	p0 =	seq.s32 s10, $0x1;
	s10 =	sld [smem:$0x3FB9];
	_ =	sdelay $0x3  }
0x34: {  	[smem:$0x3FB9] =	sst s10  }
0x35: {  	s10 =	sld [smem:$0x3FB8];
	_ =	sdelay $0x3  }
0x36: {  	p1 =	seq.s32 s10, $0x1;
	s10 =	sld [smem:$0x3FB9];
	_ =	sdelay $0x3  }
0x37: {  	[smem:$0x3FB9] =	sst s10  }
0x38: {  	s10 =	sld [smem:$0x3FBA]  }
0x39: {  	_ = 	snop;
	(pc) =	sbr.ind lr, $3  }
0x3a: {  	_ = 	snop  }
0x3b: {  	_ = 	snop  }
0x3c: {  	p2 =	seq.s32 s10, $0x1;
	s10 =	sld [smem:$0x3FB9]  }
0x3d: {  	_ =	shalt  }
0x3e: {  	_ =	shalt  }
0x3f: {  	_ =	shalt  }
0x40: {  	_ =	shalt  }
0x41: {  	_ =	shalt  }
0x42: {  	_ =	shalt  }
0x43: {  	_ =	shalt  }
0x44: {  	_ =	shalt  }
0x45: {  	_ =	shalt  }
0x46: {  	_ =	shalt  }
0x47: {  	_ =	shalt  }
0x48: {  	_ =	shalt  }
0x49: {  	_ =	shalt  }
0x4a: {  	_ =	shalt  }
0x4b: {  	_ =	shalt  }
0x4c: {  	_ =	shalt  }
0x4d: {  	_ =	shalt  }
0x4e: {  	_ =	shalt  }
0x4f: {  	_ =	shalt  }
0x50: {  	_ =	shalt  }
0x51: {  	_ =	shalt  }
0x52: {  	_ =	shalt  }
0x53: {  	_ =	shalt  }
0x54: {  	_ =	shalt  }
0x55: {  	_ =	shalt  }
0x56: {  	_ =	shalt  }
0x57: {  	_ =	shalt  }
0x58: {  	_ =	shalt  }
0x59: {  	_ =	shalt  }
0x5a: {  	_ =	shalt  }
0x5b: {  	_ =	shalt  }
0x5c: {  	_ =	shalt  }
0x5d: {  	_ =	shalt  }
0x5e: {  	_ =	shalt  }
0x5f: {  	_ =	shalt  }
0x60: {  	_ =	shalt  }
0x61: {  	_ =	shalt  }
0x62: {  	_ =	shalt  }
0x63: {  	_ =	shalt  }
0x64: {  	_ =	shalt  }
0x65: {  	_ =	shalt  }
0x66: {  	_ =	shalt  }
0x67: {  	_ =	shalt  }
0x68: {  	_ =	shalt  }
0x69: {  	_ =	shalt  }
0x6a: {  	_ =	shalt  }
0x6b: {  	_ =	shalt  }
0x6c: {  	_ =	shalt  }
0x6d: {  	_ =	shalt  }
0x6e: {  	_ =	shalt  }
0x6f: {  	_ =	shalt  }
0x70: {  	_ =	shalt  }
0x71: {  	_ =	shalt  }
0x72: {  	_ =	shalt  }
0x73: {  	_ =	shalt  }
0x74: {  	_ =	shalt  }
0x75: {  	_ =	shalt  }
0x76: {  	_ =	shalt  }
0x77: {  	_ =	shalt  }
0x78: {  	_ =	shalt  }
0x79: {  	_ =	shalt  }
0x7a: {  	_ =	shalt  }
0x7b: {  	_ =	shalt  }
0x7c: {  	_ =	shalt  }
0x7d: {  	_ =	shalt  }
0x7e: {  	_ =	shalt  }
0x7f: {  	_ =	shalt  }
0x80: {  	_ =	shalt  }
0x81: {  	_ =	shalt  }
0x82: {  	_ =	shalt  }
0x83: {  	_ =	shalt  }
0x84: {  	_ =	shalt  }
0x85: {  	_ =	shalt  }
0x86: {  	_ =	shalt  }
0x87: {  	_ =	shalt  }
.Lfunc_end0:
.L_simem_size_0:
called_computation_lowered:
.L_overlay_start_0:
0x88: {  	s0 =	sld [smem:$0x3FD9]  }
0x89: {  	s1 =	sld [smem:$0x3FFE];
	_ =	sdelay $0x3  }
0x8a: {  	s0 =	sadd.s32 s1, s0  }
0x8b: {  	[smem:$0x3FC5] =	sst s0  }
0x8c: {  	_ = 	snop  }
0x8d: {  	s0 =	sld [smem:$0x3FD0];
	(tm) =	ssettm $0x1  }
0x8e: {  	s16 =	sld [smem:$0x3FFB];
	_ =	sdelay $0x3  }
0x8f: {  	_ =	strace s16  }
0x90: {  	s1 =	sld [smem:$0x3FFC];
	_ =	sdelay $0x3  }
0x91: {  	_ =	strace s1  }
0x92: {  	s1 =	sld [smem:$0x3FFD];
	_ =	sdelay $0x3  }
0x93: {  	_ =	strace s1  }
0x94: {  	_ =	strace $0x8FFFFFFF  }
0x95: {  	s17 =	sld [smem:$0x3FDB];
	_ =	sdelay $0x1  }
0x96: {  	s2 =	simm.s32 $_scs_section_size  }
0x97: {  	s3 =	simm.s32 $_size__tile_overlayer_lowered;
	s4 =	simm.s32 $_tile_overlayer_lowered  }
0x98: {  	s20 =	simm.s32 $0x1BFF;
	s19 =	sshll.u32 s4, $0x1;
	s1 =	sadd.s32 s2, s17  }
0x99: {  	s5 =	simm.s32 $0x0;
	s18 =	sshll.u32 s3, $0x1;
	s3 =	sadd.s32 s19, s1  }
0x9a: {  	[timem:s5], [sflag:s20] =	dma.local [hbm:s3], s18  }
0x9b: {  	_ =	swait.ge [sflag:s20], s18  }
0x9c: {  	s2 =	ssub.s32 $0x0, s18;
	[sflag:s20] =	ssyncset.done $0x0  }
0x9d: {  	[sflag:s20] =	ssyncadd.s32 s2;
	_ =	sdelay $0x1  }
0x9e: {  	s21 =	simm.s32 $0x1B8B  }
0x9f: {  	_ =	swait.ge [sflag:s21], $0x1  }
0xa0: {  	[sflag:s21] =	ssyncset.done $0x0  }
0xa1: {  	s23 =	simm.s32 $0x1B8E;
	s22 =	sld [smem:$0x3FFE];
	[sflag:s21] =	ssyncadd.s32 $0xFFFFFFFF  }
0xa2: {  	s24 =	simm.s32 $execute0_lowered;
	[smem:$0x3FD2] =	sst s23  }
0xa3: {  	s3 =	sshll.u32 s24, $0x1;
	_ =	strace $0x80000049;
	[dreg:$0x1] =	wrdreg $0xFFFFFFFF  }
0xa4: {  	s25 =	simm.s32 $_size_execute0_lowered;
	s1 =	sadd.s32 s1, s3;
	[dreg:$0x0] =	wrdreg $0x0  }
0xa5: {  	s3 =	sshll.u32 s25, $0x1;
	[dreg:$0x2] =	wrdreg s1  }
0xa6: {  	[dreg:$0x3] =	wrdreg s3  }
0xa7: {  	[dreg:$0x4] =	wrdreg $0xC0  }
0xa8: {  	_ =	task [dreg:s5], $0x5FFFF  }
0xa9: {  	[dreg:$0x1] =	wrdreg $0xFFFFFFFF  }
0xaa: {  	[dreg:$0x0] =	wrdreg $0x60  }
0xab: {  	[dreg:$0x2] =	wrdreg s22  }
0xac: {  	[dreg:$0x3] =	wrdreg s0  }
0xad: {  	[dreg:$0x4] =	wrdreg $0x9  }
0xae: {  	_ =	task.clear_ibuf [dreg:s5], $0x5FFFF;
	_ =	strace $0x90000049  }
0xaf: {  	s26 =	simm.s32 $0x9;
	_ =	strace $0x8000004B  }
0xb0: {  	_ =	swait.ge [sflag:s26], $0x1  }
0xb1: {  	[sflag:s26] =	ssyncadd.s32 $0xFFFFFFFF  }
0xb2: {  	_ =	strace $0x9000004B  }
0xb3: {  	_ =	sfence  }
0xb4: {  	s28 =	sld [smem:$0x0];
	_ =	sdelay $0x1  }
0xb5: {  	s29 =	srdreg.scid  }
0xb6: {  	s30 =	sshll.u32 s29, $0xD;
	s31 =	sshrl.u32 s29, $0x2  }
0xb7: {  	s2 =	sand.u32 $0x4000, s30;
	s1 =	sand.u32 $0x1, s29;
	s0 =	sadd.s32 s31, s28  }
0xb8: {  	s1 =	sor.u32 s2, s1;
	s0 =	sshll.u32 s0, $0x11  }
0xb9: {  	s0 =	sor.u32 s0, s1  }
0xba: {  	s0 =	sadd.s32 $0x8F2B, s0  }
0xbb: {  	[sflag:s0] =	ssyncadd.remote.s32 $0x1  }
0xbc: {  	_ =	sfence.sel $0xFFFF  }
0xbd: {  	[dreg:$0x0] =	wrdreg $0xFFFFFFFF;
	(pc) =	sbr.abs _section_cstart, $3  }
0xbe: {  	[dreg:$0x1] =	wrdreg $0xFFFFFFFF  }
0xbf: {  	_ =	task.clear_ibuf [dreg:s5], $0x2FFFF;
	_ =	strace $0x9FFFFFFF  }
0xc0: {  	(tm) =	ssettm $0x7FFFFFFF  }
0xc1: {  	_ =	shalt  }
tec
execute0_lowered:
.L_overlay_start_1:
0x0: {  	(tag) =	ssettag $0x1  }
0x1: {  	s0 =	stileid.u32  }
0x2: {  	s1 =	smin.u32 s0, $0x9  }
0x3: {  	s1 =	sadd.s32 s0, s1  }
0x4: {  	s2 =	simm.s32 $0xA0;
	p0 =	slt.u32 s0, $0x9;
	s1 =	smul.u32 $0x50, s1  }
0x5: {  	s2 =	simm.s32 @!p0 $0x50  }
0x6: {  	s2 =	sadd.s32 s2, s1  }
0x7: {  	s3 =	smin.u32 s2, $0x7D0  }
0x8: {  	s7 =	ssub.s32 s3, s1  }
0x9: {  	p0 =	sgt.s32 s7, $0x0  }
0xa: {  	s7 =	simm.s32 @!p0 $0x0  }
0xb: {  	s9 =	rddreg [dreg:$0x0];
	s31 =	smul.u32 $0xCCCD, s7  }
0xc: {  	s4 =	rddreg [dreg:$0x1];
	s6 =	simm.s32 $0x1  }
0xd: {  	s11 =	simm.s32 $0x3;
	s13 =	simm.s32 $0x0;
	s8 =	sshrl.u32 s31, $0x16  }
0xe: {  	s12 =	simm.s32 $0x0;
	s5 =	sadd.s32 $0x200, s9;
	s10 =	smul.u32 $0x50, s8  }
.Ltmp0:
0xf: {  	s9 =	sadd.s32 $0x4E400, s9;
	s2 =	rddreg [dreg:$0x2];
	(pc) =	sbr.rel .LBB2_1-.Ltmp0, $4  }
0x10: {  	_ =	strace $0x8000004A;
	p0 =	sne.s32 s7, s10;
	s10 =	simm.s32 $0x1  }
0x11: {  	[sflag:s6] =	ssyncpa.u1 $0x0;
	s7 =	simm.s32 $0x2;
	s10 =	simm.s32 @!p0 $0x0  }
0x12: {  	[sflag:s7] =	ssyncpa.u1 $0x0;
	p0 =	por $0x0, $0x0;
	s8 =	sadd.s32 s8, s10  }
0x13: {  	vm0 =	vmmov $0xff;
	vm1 =	vcmask $0x3F20;
	[sflag:s11] =	ssyncpa.u1 $0x0;
	s11 =	smov.u32 s1;
	s10 =	sadd.s32 $0x1, s8  }
.LBB2_6:
0x14: {  	[hbm:s17] =	stream.linear.scatter [tilespmem:s14], [sflag:$0x3], $0x400, $0x38;
	[tilespmem:$0x50A0] =	vst v63  }
.LBB2_7:
0x15: {  	s13 =	sadd.s32 $0x50, s11  }
0x16: {  	s15 =	smov.u32 s1;
	p2 =	slt.s32 s13, s3  }
0x17: {  	s15 =	smov.u32 @p2 s13;
	p2 =	sne.s32 s12, s10  }
.Ltmp1:
0x18: {  	p1 =	slt.u32 s12, $0x2;
	(pc) =	sbr.rel @!p2 .LBB2_8-.Ltmp1, $4  }
0x19: {  	s14 =	simm.s32 @!p1 $0x3  }
0x1a: {  	s16 =	sadd.s32 $0x1, s12;
	_ =	swait.ge @!p1 [sflag:s14], $0x2800  }
0x1b: {  	p0 =	por !p0, !p0;
	s13 =	smov.u32 s11;
	[sflag:s14] =	ssyncset.done @!p1 $0x0  }
0x1c: {  	s12 =	smov.u32 s16;
	s11 =	smov.u32 s15;
	[sflag:s14] =	ssyncadd.s32 @!p1 $0xFFFFD800  }
.LBB2_1:
0x1d: {  	p1 =	sge.u32 s12, s8  }
0x1e: {  	s14 =	sxor.u32 @!p1 $0xFFFFFFFF, s12  }
0x1f: {  	s14 =	sand.u32 @!p1 $0x1, s14  }
0x20: {  	s14 =	smul.u32 @!p1 $0x140, s14  }
0x21: {  	s31 =	sadd.s32 $0xFFFFFFFF, s12;
	s15 =	sshrl.u32 @!p1 s11, $0x3  }
0x22: {  	s16 =	sand.u32 @!p1 $0x7, s11;
	s15 =	sadd.s32 @!p1 s4, s15;
	s14 =	sshrl.u32 @!p1 s14, $0x2  }
0x23: {  	[tilespmem:s14], [sflag:$0x2] =	stream.linear.gather @!p1 [hbm4b:s15+s16], $0x50, $0x38;
	[tilespmem:$0x50A0] =	vst v63  }
0x24: {  	p1 =	sge.u32 s31, s8  }
.Ltmp2:
0x25: {  	_ = 	snop;
	(pc) =	sbr.rel @p1 .LBB2_7-.Ltmp2, $1  }
0x26: {  	_ =	sdelay $0x3  }
0x27: {  	s14 =	simm.s32 $0x1  }
0x28: {  	s14 =	simm.s32 @!p0 $0x0  }
0x29: {  	s15 =	smul.u32 $0x140, s14  }
0x2a: {  	_ =	swait.ge [sflag:s7], $0x50  }
0x2b: {  	[sflag:s7] =	ssyncset.done $0x0;
	s16 =	sshrl.u32 s15, $0x2  }
0x2c: {  	[sflag:s7] =	ssyncadd.s32 $0xFFFFFFB0;
	s15 =	sadd.s32 $0x0, s16  }
0x2d: {  	v0 =	vld.msk [tilespmem:s15+$0x0 ss:$0x1], $0xffff;
	_ =	sdelay $0x4  }
0x2e: {  	vm2 =	vgt.s32 v0, $0x0  }
0x2f: {  	v0 =	vnsel vm2, $0x0, v0  }
0x30: {  	v0 =	vmin.u32 v0, $0x4E1F  }
0x31: {  	v0 =	vshll.u32 v0, $0x4  }
0x32: {  	s14 =	smul.u32 $0xA000, s14;
	_ =	sdelay $0x1  }
0x33: {  	s14 =	sshrl.u32 s14, $0x2  }
0x34: {  	s14 =	sor.u32 $0xA0, s14  }
0x35: {  	[tilespmem:s14], [sflag:$0x1] =	stream.indirect_vreg.gather [hbm:s5], $0x80, v0, vm0, $0x38;
	[tilespmem:$0x50A0] =	vst v63  }
0x36: {  	s17 =	sadd.s32 $0x10, s16;
	s15 =	sadd.s32 $0x400, s14  }
0x37: {  	[tilespmem:s15], [sflag:$0x1] =	stream.indirect_vreg.gather [hbm:s5], $0x80, v0, vm1, $0x38;
	[tilespmem:$0x50A0] =	vst v63  }
0x38: {  	s18 =	simm.s32 $0x80;
	v0 =	vld.msk [tilespmem:s17+$0x0 ss:$0x1], $0xffff;
	s17 =	smov.u32 s14  }
.LBB2_3:
0x39: {  	p1 =	sne.s32 s18, $0x100;
	_ =	sdelay $0x4  }
0x3a: {  	vm2 =	vgt.s32 v0, $0x0  }
0x3b: {  	v0 =	vnsel vm2, $0x0, v0  }
0x3c: {  	v0 =	vmin.u32 v0, $0x4E1F  }
0x3d: {  	v0 =	vshll.u32 v0, $0x4;
	_ =	sdelay $0x3  }
.Ltmp3:
0x3e: {  	s19 =	sshra.s32 s18, $0x2;
	s17 =	sadd.s32 $0x800, s17;
	(pc) =	sbr.rel @p1 .LBB2_3-.Ltmp3, $4  }
0x3f: {  	[tilespmem:s17], [sflag:$0x1] =	stream.indirect_vreg.gather [hbm:s5], $0x80, v0, vm0, $0x38;
	[tilespmem:$0x50A0] =	vst v63  }
0x40: {  	s19 =	sadd.s32 s19, s16;
	s20 =	sadd.s32 $0x400, s17  }
0x41: {  	[tilespmem:s20], [sflag:$0x1] =	stream.indirect_vreg.gather [hbm:s5], $0x80, v0, vm1, $0x38;
	[tilespmem:$0x50A0] =	vst v63  }
0x42: {  	s18 =	sadd.s32 $0x40, s18;
	v0 =	vld.msk [tilespmem:s19+$0x0 ss:$0x1], $0xffff  }
0x43: {  	_ =	sdelay $0x3  }
0x44: {  	vm2 =	vgt.s32 v0, $0x0  }
0x45: {  	v0 =	vnsel vm2, $0x0, v0  }
0x46: {  	v0 =	vmin.u32 v0, $0x4E1F  }
0x47: {  	v0 =	vshll.u32 v0, $0x4;
	_ =	sdelay $0x3  }
0x48: {  	s16 =	sadd.s32 $0x800, s17  }
0x49: {  	[tilespmem:s16], [sflag:$0x1] =	stream.indirect_vreg.gather [hbm:s5], $0x80, v0, vm0, $0x38;
	[tilespmem:$0x50A0] =	vst v63  }
0x4a: {  	s16 =	sadd.s32 $0x400, s16  }
0x4b: {  	[tilespmem:s16], [sflag:$0x1] =	stream.indirect_vreg.gather [hbm:s5], $0x80, v0, vm1, $0x38;
	[tilespmem:$0x50A0] =	vst v63  }
0x4c: {  	s13 =	sshll.u32 s13, $0x4;
	_ =	swait.ge [sflag:s6], $0x2800  }
0x4d: {  	s13 =	sadd.s32 s13, s9;
	[sflag:s6] =	ssyncset.done $0x0  }
0x4e: {  	s17 =	sadd.s32 $0x0, s13;
	s16 =	simm.s32 $0x80;
	[sflag:s6] =	ssyncadd.s32 $0xFFFFD800  }
.LBB2_5:
0x4f: {  	[hbm:s17] =	stream.linear.scatter [tilespmem:s14], [sflag:$0x3], $0x400, $0x38;
	[tilespmem:$0x50A0] =	vst v63  }
0x50: {  	s17 =	smov.u32 s16;
	s14 =	smov.u32 s15;
	p1 =	sne.s32 s16, $0x480  }
.Ltmp4:
0x51: {  	s16 =	sadd.s32 $0x80, s16;
	(pc) =	sbr.rel @p1 .LBB2_5-.Ltmp4, $2  }
0x52: {  	_ =	sdelay $0x2  }
0x53: {  	s15 =	sadd.s32 $0x400, s15;
	s17 =	sadd.s32 s17, s13  }
.Ltmp5:
0x54: {  	_ = 	snop;
	(pc) =	sbr.rel .LBB2_6-.Ltmp5, $1  }
0x55: {  	_ =	sdelay $0x3  }
.LBB2_8:
0x56: {  	_ =	sfence.sel $0x180000  }
0x57: {  	s1 =	simm.s32 $0x2;
	[bflag:$0x0] =	sbarrier.arrive $0xFFFF  }
0x58: {  	s30 =	simm.s32 $0x3;
	[sflag:s1] =	ssyncpa.u1 $0x1  }
0x59: {  	s31 =	simm.s32 $0x1;
	[sflag:s30] =	ssyncpa.u1 $0x1  }
0x5a: {  	[sflag:s31] =	ssyncpa.u1 $0x1  }
0x5b: {  	p0 =	sne.s32 s0, $0x0;
	_ =	strace $0x9000004A  }
0x5c: {  	s0 =	sadd.s32 @!p0 $0x100000, s2;
	[bflag:$0x2] =	sbarrier.arrive $0xFFFF  }
0x5d: {  	[sflag:s0] =	ssyncadd.tile.s32 @!p0 $0x1;
	_ =	shalt  }
.Lfunc_end2:
_tile_overlayer_lowered:
.L_overlay_start_2:
0x5e: {  	(tag) =	ssettag $0x2  }
0x5f: {  	s0 =	rddreg [dreg:$0x0];
	s2 =	stileid.u32  }
0x60: {  	s1 =	rddreg [dreg:$0x1];
	p0 =	sne.s32 s2, $0x0  }
0x61: {  	s3 =	rddreg [dreg:$0x2];
	[bflag:$0x3] =	sbarrier.arrive $0xFFFF;
	s2 =	simm.s32 @!p0 $0x1C01  }
0x62: {  	[timem:s3], [sflag:s2] =	dma.local @!p0 [hbm:s0], s1  }
0x63: {  	s0 =	simm.s32 @!p0 $0x1  }
0x64: {  	_ =	swait.ge @!p0 [sflag:s0], s1  }
0x65: {  	s1 =	ssub.s32 @!p0 $0x0, s1;
	[sflag:s0] =	ssyncset.done @!p0 $0x0  }
0x66: {  	[sflag:s0] =	ssyncadd.s32 @!p0 s1  }
0x67: {  	[bflag:$0x3] =	sbarrier.arrive $0xFFFF  }
0x68: {  	_ =	shalt  }

</sc_bundles>
